<compile_context>
chip_gen: v7x
topology: tpu7x:2x2x1
jax: 0.10.2.dev20260603
libtpu: 0.0.44.dev20260713+nightly
codegen_flags: <defaults>
</compile_context>

<pallas_src>
import functools

import jax
import jax.numpy as jnp
from jax import lax
from jax.experimental import pallas as pl
from jax.experimental.pallas import tpu as pltpu
from jax.experimental.pallas import tpu_sc as plsc

N = 500000
NA = 360064
NB = 114304
ND = N - NA - NB
K = 16
L = 16
NC = 2
NS = 16
NW = NC * NS
NEG_INF = float("-inf")

_mesh2 = plsc.VectorSubcoreMesh(core_axis_name="c", subcore_axis_name="s")
_mesh1 = plsc.VectorSubcoreMesh(core_axis_name="c", subcore_axis_name="s",
                                num_cores=1)
_params = pltpu.CompilerParams(needs_layout_passes=False,
                               use_tc_tiling_on_sc=False)


def _sanitize(lengths):
    lengths = jnp.where(jnp.isinf(lengths), jnp.float32(0.0), lengths)
    return jnp.where(jnp.isnan(lengths), jnp.float32(0.0), lengths)


def _insert_top(tops, v):
    new_tops = []
    for t in tops:
        hi = jnp.maximum(t, v)
        v = jnp.minimum(t, v)
        new_tops.append(hi)
    return new_tops


def _merge_sorted_topk(tops):
    top16 = jnp.sort(tops[0])
    for k in range(1, K):
        desc = jnp.flip(jnp.sort(tops[k]))
        top16 = jnp.sort(jnp.maximum(top16, desc))
    return top16


def _stage_chunk(c0_hbm, c1_hbm, buf0, buf1, dsem, base, pw, pw_last, wid,
                 n_workers):
    cp0 = pltpu.async_copy(c0_hbm.at[pl.ds(base, pw_last)],
                           buf0.at[pl.ds(0, pw_last)], dsem)
    cp1 = pltpu.async_copy(c1_hbm.at[pl.ds(base, pw_last)],
                           buf1.at[pl.ds(0, pw_last)], dsem)
    if pw != pw_last:
        @pl.when(wid < n_workers - 1)
        def _():
            cpt0 = pltpu.async_copy(
                c0_hbm.at[pl.ds(base + pw_last, pw - pw_last)],
                buf0.at[pl.ds(pw_last, pw - pw_last)], dsem)
            cpt1 = pltpu.async_copy(
                c1_hbm.at[pl.ds(base + pw_last, pw - pw_last)],
                buf1.at[pl.ds(pw_last, pw - pw_last)], dsem)
            cpt0.wait()
            cpt1.wait()
    cp0.wait()
    cp1.wait()


def _scan_chunk(buf0, buf1, iter_a, iter_b, wid, n_workers):
    def body(i, carry):
        acc = carry[0]
        tops = list(carry[1:])
        start = i * L
        lengths = _sanitize(buf1[pl.ds(start, L)] - buf0[pl.ds(start, L)])
        acc = acc + lengths * lengths
        tops = _insert_top(tops, lengths)
        return (acc, *tops)

    init = (jnp.zeros((L,), jnp.float32),
            *[jnp.full((L,), NEG_INF, jnp.float32) for _ in range(K)])
    carry = lax.fori_loop(0, iter_a, body, init)
    if iter_b:
        carry = lax.cond(wid < n_workers - 1,
                         lambda c: lax.fori_loop(iter_a, iter_a + iter_b,
                                                 body, c),
                         lambda c: c,
                         carry)
    return carry[0], _merge_sorted_topk(list(carry[1:]))


def _split(n, n_workers):
    pw = -(-n // (n_workers * L)) * L
    pw_last = n - (n_workers - 1) * pw
    assert pw % L == 0 and pw_last % L == 0 and 0 < pw_last <= pw
    return pw, pw_last


def _make_scan(n):
    pw, pw_last = _split(n, NW)

    @functools.partial(
        pl.kernel,
        out_type=(
            jax.ShapeDtypeStruct((NW, L), jnp.float32),
            jax.ShapeDtypeStruct((NW, L), jnp.float32),
        ),
        mesh=_mesh2,
        compiler_params=_params,
        scratch_types=[
            pltpu.VMEM((pw,), jnp.float32),
            pltpu.VMEM((pw,), jnp.float32),
            pltpu.VMEM((L,), jnp.float32),
            pltpu.VMEM((L,), jnp.float32),
            pltpu.SemaphoreType.DMA,
        ],
    )
    def scan(c0_hbm, c1_hbm, cand_hbm, psum_hbm, buf0, buf1, candv, psumv,
             dsem):
        wid = lax.axis_index("s") * NC + lax.axis_index("c")
        _stage_chunk(c0_hbm, c1_hbm, buf0, buf1, dsem, wid * pw, pw, pw_last,
                     wid, NW)
        acc, top16 = _scan_chunk(buf0, buf1, pw_last // L,
                                 (pw - pw_last) // L, wid, NW)
        psumv[...] = acc
        candv[...] = top16
        pltpu.sync_copy(candv, cand_hbm.at[wid])
        pltpu.sync_copy(psumv, psum_hbm.at[wid])

    return scan


_scan_a = _make_scan(NA)
_scan_b = _make_scan(NB)

_PWD, _PWD_LAST = _split(ND, NS)


@functools.partial(
    pl.kernel,
    out_type=jax.ShapeDtypeStruct((L,), jnp.float32),
    mesh=_mesh1,
    compiler_params=_params,
    scratch_types=[
        pltpu.VMEM((_PWD,), jnp.float32),
        pltpu.VMEM((_PWD,), jnp.float32),
        pltpu.VMEM((2 * NW * L,), jnp.float32),
        pltpu.VMEM((2 * NW * L,), jnp.float32),
        pltpu.VMEM((NS, 2 * L), jnp.float32),
        pltpu.VMEM_SHARED((NS, 2 * L), jnp.float32),
        pltpu.VMEM((2 * L,), jnp.float32),
        pltpu.VMEM((L,), jnp.float32),
        pltpu.SemaphoreType.DMA,
        pltpu.SemaphoreType.DMA,
    ],
)
def _final_kernel(c0_hbm, c1_hbm, ca_hbm, pa_hbm, cb_hbm, pb_hbm, out_hbm,
                  buf0, buf1, abbuf, psbuf, locbuf, shared, pubv, outv,
                  dsem, psem):
    wid = lax.axis_index("s")

    @pl.when(wid == 0)
    def _():
        pltpu.async_copy(ca_hbm, abbuf.at[pl.ds(0, NW * L)], psem)
        pltpu.async_copy(cb_hbm, abbuf.at[pl.ds(NW * L, NW * L)], psem)
        pltpu.async_copy(pa_hbm, psbuf.at[pl.ds(0, NW * L)], psem)
        pltpu.async_copy(pb_hbm, psbuf.at[pl.ds(NW * L, NW * L)], psem)

    _stage_chunk(c0_hbm, c1_hbm, buf0, buf1, dsem, wid * _PWD, _PWD,
                 _PWD_LAST, wid, NS)
    acc, top16 = _scan_chunk(buf0, buf1, _PWD_LAST // L,
                             (_PWD - _PWD_LAST) // L, wid, NS)

    pubv[pl.ds(0, L)] = top16
    pubv[pl.ds(L, L)] = acc
    pltpu.sync_copy(pubv, shared.at[wid])
    plsc.subcore_barrier()

    @pl.when(wid == 0)
    def _():
        pltpu.sync_copy(shared, locbuf)
        for j in range(4):
            pltpu.make_async_copy(ca_hbm, abbuf.at[pl.ds(0, NW * L)],
                                  psem).wait()

        def sum_body(j, acc2):
            return acc2 + psbuf[pl.ds(j * L, L)]

        totv = lax.fori_loop(0, 2 * NW, sum_body,
                             jnp.zeros((L,), jnp.float32))

        def lsum_body(j, acc2):
            return acc2 + locbuf[j, pl.ds(L, L)]

        totv = lax.fori_loop(0, NS, lsum_body, totv)
        total = jnp.sum(totv)

        def top_body(j, carry):
            return tuple(_insert_top(list(carry), abbuf[pl.ds(j * L, L)]))

        init = tuple(jnp.full((L,), NEG_INF, jnp.float32) for _ in range(K))
        tops = lax.fori_loop(0, 2 * NW, top_body, init)

        def ltop_body(j, carry):
            return tuple(_insert_top(list(carry), locbuf[j, pl.ds(0, L)]))

        tops = lax.fori_loop(0, NS, ltop_body, tops)

        top16g = _merge_sorted_topk(list(tops))
        result = total - jnp.sum(top16g * top16g)
        outv[...] = jnp.full((L,), result, jnp.float32)
        pltpu.sync_copy(outv, out_hbm)


def kernel(dgm):
    cand_a, psum_a = _scan_a(dgm[:NA, 0], dgm[:NA, 1])
    cand_b, psum_b = _scan_b(dgm[NA:NA + NB, 0], dgm[NA:NA + NB, 1])
    out = _final_kernel(dgm[NA + NB:, 0], dgm[NA + NB:, 1],
                        jnp.reshape(cand_a, (NW * L,)),
                        jnp.reshape(psum_a, (NW * L,)),
                        jnp.reshape(cand_b, (NW * L,)),
                        jnp.reshape(psum_b, (NW * L,)))
    return out[0]

# --- scband reference (transcript-rebuilt; emitter-appended) ---
"""Pipeline reference for scband-partial-squared-barcode-lengths-283467842378 (READ-ONLY COPY).

The authoritative reference and input builder live on the scoring server;
editing this copy changes nothing except your own understanding.
"""

import jax, jax.numpy as jnp
import numpy as np

DIM = 0
SKIP = 16
N = 500000

def setup_inputs(seed: int = 0) -> dict:
    key = jax.random.key(seed)
    dgm = jax.random.normal(jax.random.fold_in(key, 0), (N, 2), dtype=jnp.float32)
    return {"dgm": dgm}

def get_barcode_lengths(dgm, issublevel):
    # topologylayer-style: sublevel -> (birth, death) = (col0, col1); superlevel swaps
    if issublevel:
        start, end = dgm[:, 0], dgm[:, 1]
    else:
        end, start = dgm[:, 0], dgm[:, 1]
    lengths = end - start
    # zero out infinite bars and NaN padding
    lengths = jnp.where(jnp.isinf(lengths), 0.0, lengths)
    lengths = jnp.where(jnp.isnan(lengths), 0.0, lengths)
    return lengths

def reference(dgm):
    # dgminfo = ((dgm,), True); self.dim = 0 selects dgm
    issublevel = True
    lengths = get_barcode_lengths(dgm, issublevel)
    # torch.sort(..., descending=True)
    sortl = jnp.sort(lengths)[::-1]
    return jnp.sum(sortl[SKIP:] ** 2)

if __name__ == "__main__":
    import jax
    _d = setup_inputs()
    print(jax.jit(kernel)(*tuple(_d.values())))

</pallas_src>

<mosaic_0001>
#map = affine_map<(d0, d1) -> (0)>
#map1 = affine_map<(d0, d1) -> (0, 0)>
module attributes {stable_mosaic.version = 14 : i64} {
  func.func @scan(%arg0: i32, %arg1: i32, %arg2: memref<360064xf32, #tpu.memory_space<hbm>>, %arg3: memref<360064xf32, #tpu.memory_space<hbm>>, %arg4: memref<32x16xf32, #tpu.memory_space<hbm>>, %arg5: memref<32x16xf32, #tpu.memory_space<hbm>>, %arg6: memref<11264xf32, #tpu.memory_space<vmem>>, %arg7: memref<11264xf32, #tpu.memory_space<vmem>>, %arg8: memref<16xf32, #tpu.memory_space<vmem>>, %arg9: memref<16xf32, #tpu.memory_space<vmem>>, %arg10: memref<!tpu.dma_semaphore, #tpu.memory_space<semaphore_mem>>) attributes {dimension_semantics = [#tpu.dimension_semantics<core_parallel>, #tpu.dimension_semantics<subcore_parallel>], iteration_bounds = array<i64: 2, 16>, scalar_prefetch = 0 : i64, scratch_operands = 5 : i64, tpu.core_type = #tpu.core_type<sc_vector_subcore>, window_params = [{transform_indices = #map}, {transform_indices = #map}, {transform_indices = #map1}, {transform_indices = #map1}]} {
    %mul3A = arith.constant 2 : i32
    %mul3A_0 = arith.muli %arg1, %mul3A : i32
    %add3A = arith.addi %mul3A_0, %arg0 : i32
    %mul3A_1 = arith.constant 11264 : i32
    %mul3A_2 = arith.muli %add3A, %mul3A_1 : i32
    %dma_start3A = arith.constant 0 : i32
    %dma_start3A_3 = tpu.memref_slice %arg6[%dma_start3A] : memref<11264xf32, #tpu.memory_space<vmem>> -> memref<10880xf32, #tpu.memory_space<vmem>>
    %dma_start3A_4 = tpu.memref_slice %arg2[%mul3A_2] : memref<360064xf32, #tpu.memory_space<hbm>> -> memref<10880xf32, #tpu.memory_space<hbm>>
    %dma_start3A_5 = arith.constant 0 : i32
    %dma_start3A_6 = tpu.memref_slice %arg6[%dma_start3A_5] : memref<11264xf32, #tpu.memory_space<vmem>> -> memref<10880xf32, #tpu.memory_space<vmem>>
    %dma_start3A_7 = tpu.memref_slice %arg2[%mul3A_2] : memref<360064xf32, #tpu.memory_space<hbm>> -> memref<10880xf32, #tpu.memory_space<hbm>>
    tpu.enqueue_dma source(%dma_start3A_7 : memref<10880xf32, #tpu.memory_space<hbm>>) target(%dma_start3A_6 : memref<10880xf32, #tpu.memory_space<vmem>>) target_semaphore(%arg10 : memref<!tpu.dma_semaphore, #tpu.memory_space<semaphore_mem>>)
    %dma_start3A_8 = arith.constant 0 : i32
    %dma_start3A_9 = tpu.memref_slice %arg7[%dma_start3A_8] : memref<11264xf32, #tpu.memory_space<vmem>> -> memref<10880xf32, #tpu.memory_space<vmem>>
    %dma_start3A_10 = tpu.memref_slice %arg3[%mul3A_2] : memref<360064xf32, #tpu.memory_space<hbm>> -> memref<10880xf32, #tpu.memory_space<hbm>>
    %dma_start3A_11 = arith.constant 0 : i32
    %dma_start3A_12 = tpu.memref_slice %arg7[%dma_start3A_11] : memref<11264xf32, #tpu.memory_space<vmem>> -> memref<10880xf32, #tpu.memory_space<vmem>>
    %dma_start3A_13 = tpu.memref_slice %arg3[%mul3A_2] : memref<360064xf32, #tpu.memory_space<hbm>> -> memref<10880xf32, #tpu.memory_space<hbm>>
    tpu.enqueue_dma source(%dma_start3A_13 : memref<10880xf32, #tpu.memory_space<hbm>>) target(%dma_start3A_12 : memref<10880xf32, #tpu.memory_space<vmem>>) target_semaphore(%arg10 : memref<!tpu.dma_semaphore, #tpu.memory_space<semaphore_mem>>)
    %lt3A = arith.constant 31 : i32
    %lt3A_14 = arith.cmpi slt, %add3A, %lt3A : i32
    %convert_element_type3A = arith.extui %lt3A_14 : i1 to i32
    %cond3A = arith.constant 0 : i32
    %cond3A_15 = arith.cmpi ne, %convert_element_type3A, %cond3A : i32
    scf.if %cond3A_15 {
      %add3A_285 = arith.constant 10880 : i32
      %add3A_286 = arith.addi %mul3A_2, %add3A_285 : i32
      %dma_start3A_287 = arith.constant 10880 : i32
      %dma_start3A_288 = tpu.memref_slice %arg6[%dma_start3A_287] : memref<11264xf32, #tpu.memory_space<vmem>> -> memref<384xf32, #tpu.memory_space<vmem>>
      %dma_start3A_289 = tpu.memref_slice %arg2[%add3A_286] : memref<360064xf32, #tpu.memory_space<hbm>> -> memref<384xf32, #tpu.memory_space<hbm>>
      %dma_start3A_290 = arith.constant 10880 : i32
      %dma_start3A_291 = tpu.memref_slice %arg6[%dma_start3A_290] : memref<11264xf32, #tpu.memory_space<vmem>> -> memref<384xf32, #tpu.memory_space<vmem>>
      %dma_start3A_292 = tpu.memref_slice %arg2[%add3A_286] : memref<360064xf32, #tpu.memory_space<hbm>> -> memref<384xf32, #tpu.memory_space<hbm>>
      tpu.enqueue_dma source(%dma_start3A_292 : memref<384xf32, #tpu.memory_space<hbm>>) target(%dma_start3A_291 : memref<384xf32, #tpu.memory_space<vmem>>) target_semaphore(%arg10 : memref<!tpu.dma_semaphore, #tpu.memory_space<semaphore_mem>>)
      %add3A_293 = arith.constant 10880 : i32
      %add3A_294 = arith.addi %mul3A_2, %add3A_293 : i32
      %dma_start3A_295 = arith.constant 10880 : i32
      %dma_start3A_296 = tpu.memref_slice %arg7[%dma_start3A_295] : memref<11264xf32, #tpu.memory_space<vmem>> -> memref<384xf32, #tpu.memory_space<vmem>>
      %dma_start3A_297 = tpu.memref_slice %arg3[%add3A_294] : memref<360064xf32, #tpu.memory_space<hbm>> -> memref<384xf32, #tpu.memory_space<hbm>>
      %dma_start3A_298 = arith.constant 10880 : i32
      %dma_start3A_299 = tpu.memref_slice %arg7[%dma_start3A_298] : memref<11264xf32, #tpu.memory_space<vmem>> -> memref<384xf32, #tpu.memory_space<vmem>>
      %dma_start3A_300 = tpu.memref_slice %arg3[%add3A_294] : memref<360064xf32, #tpu.memory_space<hbm>> -> memref<384xf32, #tpu.memory_space<hbm>>
      tpu.enqueue_dma source(%dma_start3A_300 : memref<384xf32, #tpu.memory_space<hbm>>) target(%dma_start3A_299 : memref<384xf32, #tpu.memory_space<vmem>>) target_semaphore(%arg10 : memref<!tpu.dma_semaphore, #tpu.memory_space<semaphore_mem>>)
      %dma_wait3A_301 = arith.constant 10880 : i32
      %dma_wait3A_302 = tpu.memref_slice %arg6[%dma_wait3A_301] : memref<11264xf32, #tpu.memory_space<vmem>> -> memref<384xf32, #tpu.memory_space<vmem>>
      %dma_wait3A_303 = tpu.memref_slice %arg2[%add3A_286] : memref<360064xf32, #tpu.memory_space<hbm>> -> memref<384xf32, #tpu.memory_space<hbm>>
      %dma_wait3A_304 = arith.constant 10880 : i32
      %dma_wait3A_305 = tpu.memref_slice %arg6[%dma_wait3A_304] : memref<11264xf32, #tpu.memory_space<vmem>> -> memref<384xf32, #tpu.memory_space<vmem>>
      %dma_wait3A_306 = tpu.memref_slice %arg2[%add3A_286] : memref<360064xf32, #tpu.memory_space<hbm>> -> memref<384xf32, #tpu.memory_space<hbm>>
      tpu.wait_dma2 semaphore(%arg10 : memref<!tpu.dma_semaphore, #tpu.memory_space<semaphore_mem>>) src(%dma_wait3A_306 : memref<384xf32, #tpu.memory_space<hbm>>) dst(%dma_wait3A_305 : memref<384xf32, #tpu.memory_space<vmem>>)
      %dma_wait3A_307 = arith.constant 10880 : i32
      %dma_wait3A_308 = tpu.memref_slice %arg7[%dma_wait3A_307] : memref<11264xf32, #tpu.memory_space<vmem>> -> memref<384xf32, #tpu.memory_space<vmem>>
      %dma_wait3A_309 = tpu.memref_slice %arg3[%add3A_294] : memref<360064xf32, #tpu.memory_space<hbm>> -> memref<384xf32, #tpu.memory_space<hbm>>
      %dma_wait3A_310 = arith.constant 10880 : i32
      %dma_wait3A_311 = tpu.memref_slice %arg7[%dma_wait3A_310] : memref<11264xf32, #tpu.memory_space<vmem>> -> memref<384xf32, #tpu.memory_space<vmem>>
      %dma_wait3A_312 = tpu.memref_slice %arg3[%add3A_294] : memref<360064xf32, #tpu.memory_space<hbm>> -> memref<384xf32, #tpu.memory_space<hbm>>
      tpu.wait_dma2 semaphore(%arg10 : memref<!tpu.dma_semaphore, #tpu.memory_space<semaphore_mem>>) src(%dma_wait3A_312 : memref<384xf32, #tpu.memory_space<hbm>>) dst(%dma_wait3A_311 : memref<384xf32, #tpu.memory_space<vmem>>)
    } else {
    }
    %dma_wait3A = arith.constant 0 : i32
    %dma_wait3A_16 = tpu.memref_slice %arg6[%dma_wait3A] : memref<11264xf32, #tpu.memory_space<vmem>> -> memref<10880xf32, #tpu.memory_space<vmem>>
    %dma_wait3A_17 = tpu.memref_slice %arg2[%mul3A_2] : memref<360064xf32, #tpu.memory_space<hbm>> -> memref<10880xf32, #tpu.memory_space<hbm>>
    %dma_wait3A_18 = arith.constant 0 : i32
    %dma_wait3A_19 = tpu.memref_slice %arg6[%dma_wait3A_18] : memref<11264xf32, #tpu.memory_space<vmem>> -> memref<10880xf32, #tpu.memory_space<vmem>>
    %dma_wait3A_20 = tpu.memref_slice %arg2[%mul3A_2] : memref<360064xf32, #tpu.memory_space<hbm>> -> memref<10880xf32, #tpu.memory_space<hbm>>
    tpu.wait_dma2 semaphore(%arg10 : memref<!tpu.dma_semaphore, #tpu.memory_space<semaphore_mem>>) src(%dma_wait3A_20 : memref<10880xf32, #tpu.memory_space<hbm>>) dst(%dma_wait3A_19 : memref<10880xf32, #tpu.memory_space<vmem>>)
    %dma_wait3A_21 = arith.constant 0 : i32
    %dma_wait3A_22 = tpu.memref_slice %arg7[%dma_wait3A_21] : memref<11264xf32, #tpu.memory_space<vmem>> -> memref<10880xf32, #tpu.memory_space<vmem>>
    %dma_wait3A_23 = tpu.memref_slice %arg3[%mul3A_2] : memref<360064xf32, #tpu.memory_space<hbm>> -> memref<10880xf32, #tpu.memory_space<hbm>>
    %dma_wait3A_24 = arith.constant 0 : i32
    %dma_wait3A_25 = tpu.memref_slice %arg7[%dma_wait3A_24] : memref<11264xf32, #tpu.memory_space<vmem>> -> memref<10880xf32, #tpu.memory_space<vmem>>
    %dma_wait3A_26 = tpu.memref_slice %arg3[%mul3A_2] : memref<360064xf32, #tpu.memory_space<hbm>> -> memref<10880xf32, #tpu.memory_space<hbm>>
    tpu.wait_dma2 semaphore(%arg10 : memref<!tpu.dma_semaphore, #tpu.memory_space<semaphore_mem>>) src(%dma_wait3A_26 : memref<10880xf32, #tpu.memory_space<hbm>>) dst(%dma_wait3A_25 : memref<10880xf32, #tpu.memory_space<vmem>>)
    %broadcast_in_dim3A = arith.constant 0.000000e+00 : f32
    %broadcast_in_dim3A_27 = vector.broadcast %broadcast_in_dim3A : f32 to vector<16xf32>
    %broadcast_in_dim3A_28 = arith.constant 0xFF800000 : f32
    %broadcast_in_dim3A_29 = vector.broadcast %broadcast_in_dim3A_28 : f32 to vector<16xf32>
    %broadcast_in_dim3A_30 = arith.constant 0xFF800000 : f32
    %broadcast_in_dim3A_31 = vector.broadcast %broadcast_in_dim3A_30 : f32 to vector<16xf32>
    %broadcast_in_dim3A_32 = arith.constant 0xFF800000 : f32
    %broadcast_in_dim3A_33 = vector.broadcast %broadcast_in_dim3A_32 : f32 to vector<16xf32>
    %broadcast_in_dim3A_34 = arith.constant 0xFF800000 : f32
    %broadcast_in_dim3A_35 = vector.broadcast %broadcast_in_dim3A_34 : f32 to vector<16xf32>
    %broadcast_in_dim3A_36 = arith.constant 0xFF800000 : f32
    %broadcast_in_dim3A_37 = vector.broadcast %broadcast_in_dim3A_36 : f32 to vector<16xf32>
    %broadcast_in_dim3A_38 = arith.constant 0xFF800000 : f32
    %broadcast_in_dim3A_39 = vector.broadcast %broadcast_in_dim3A_38 : f32 to vector<16xf32>
    %broadcast_in_dim3A_40 = arith.constant 0xFF800000 : f32
    %broadcast_in_dim3A_41 = vector.broadcast %broadcast_in_dim3A_40 : f32 to vector<16xf32>
    %broadcast_in_dim3A_42 = arith.constant 0xFF800000 : f32
    %broadcast_in_dim3A_43 = vector.broadcast %broadcast_in_dim3A_42 : f32 to vector<16xf32>
    %broadcast_in_dim3A_44 = arith.constant 0xFF800000 : f32
    %broadcast_in_dim3A_45 = vector.broadcast %broadcast_in_dim3A_44 : f32 to vector<16xf32>
    %broadcast_in_dim3A_46 = arith.constant 0xFF800000 : f32
    %broadcast_in_dim3A_47 = vector.broadcast %broadcast_in_dim3A_46 : f32 to vector<16xf32>
    %broadcast_in_dim3A_48 = arith.constant 0xFF800000 : f32
    %broadcast_in_dim3A_49 = vector.broadcast %broadcast_in_dim3A_48 : f32 to vector<16xf32>
    %broadcast_in_dim3A_50 = arith.constant 0xFF800000 : f32
    %broadcast_in_dim3A_51 = vector.broadcast %broadcast_in_dim3A_50 : f32 to vector<16xf32>
    %broadcast_in_dim3A_52 = arith.constant 0xFF800000 : f32
    %broadcast_in_dim3A_53 = vector.broadcast %broadcast_in_dim3A_52 : f32 to vector<16xf32>
    %broadcast_in_dim3A_54 = arith.constant 0xFF800000 : f32
    %broadcast_in_dim3A_55 = vector.broadcast %broadcast_in_dim3A_54 : f32 to vector<16xf32>
    %broadcast_in_dim3A_56 = arith.constant 0xFF800000 : f32
    %broadcast_in_dim3A_57 = vector.broadcast %broadcast_in_dim3A_56 : f32 to vector<16xf32>
    %broadcast_in_dim3A_58 = arith.constant 0xFF800000 : f32
    %broadcast_in_dim3A_59 = vector.broadcast %broadcast_in_dim3A_58 : f32 to vector<16xf32>
    %scan3A = arith.constant 0 : i32
    %scan3A_60 = arith.constant 680 : i32
    %scan3A_61 = arith.addi %scan3A, %scan3A_60 : i32
    %scan3A_62 = arith.constant 1 : i32
    %scan3A_63:17 = scf.for %scan3A_285 = %scan3A to %scan3A_61 step %scan3A_62 iter_args(%scan3A_286 = %broadcast_in_dim3A_27, %scan3A_287 = %broadcast_in_dim3A_29, %scan3A_288 = %broadcast_in_dim3A_31, %scan3A_289 = %broadcast_in_dim3A_33, %scan3A_290 = %broadcast_in_dim3A_35, %scan3A_291 = %broadcast_in_dim3A_37, %scan3A_292 = %broadcast_in_dim3A_39, %scan3A_293 = %broadcast_in_dim3A_41, %scan3A_294 = %broadcast_in_dim3A_43, %scan3A_295 = %broadcast_in_dim3A_45, %scan3A_296 = %broadcast_in_dim3A_47, %scan3A_297 = %broadcast_in_dim3A_49, %scan3A_298 = %broadcast_in_dim3A_51, %scan3A_299 = %broadcast_in_dim3A_53, %scan3A_300 = %broadcast_in_dim3A_55, %scan3A_301 = %broadcast_in_dim3A_57, %scan3A_302 = %broadcast_in_dim3A_59) -> (vector<16xf32>, vector<16xf32>, vector<16xf32>, vector<16xf32>, vector<16xf32>, vector<16xf32>, vector<16xf32>, vector<16xf32>, vector<16xf32>, vector<16xf32>, vector<16xf32>, vector<16xf32>, vector<16xf32>, vector<16xf32>, vector<16xf32>, vector<16xf32>, vector<16xf32>)  : i32 {
      %mul3A_303 = arith.constant 16 : i32
      %mul3A_304 = arith.muli %scan3A_285, %mul3A_303 : i32
      %get3A = arith.index_cast %mul3A_304 : i32 to index
      %get3A_305 = tpu.vector_load %arg7[%get3A] {strides = array<i32>} : memref<11264xf32, #tpu.memory_space<vmem>>, vector<16xf32>,
      %get3A_306 = arith.index_cast %mul3A_304 : i32 to index
      %get3A_307 = tpu.vector_load %arg6[%get3A_306] {strides = array<i32>} : memref<11264xf32, #tpu.memory_space<vmem>>, vector<16xf32>,
      %sub3A = arith.subf %get3A_305, %get3A_307 : vector<16xf32>
      %abs3A = math.absf %sub3A : vector<16xf32>
      %eq3A = arith.constant 0x7F800000 : f32
      %eq3A_308 = vector.broadcast %eq3A : f32 to vector<16xf32>
      %eq3A_309 = arith.cmpf oeq, %abs3A, %eq3A_308 : vector<16xf32>
      %jit3A = arith.constant 0.000000e+00 : f32
      %broadcast_in_dim3A_310 = vector.broadcast %jit3A : f32 to vector<16xf32>
      %select_n3A = arith.select %eq3A_309, %broadcast_in_dim3A_310, %sub3A : vector<16xi1>, vector<16xf32>
      %ne3A = arith.cmpf one, %select_n3A, %select_n3A : vector<16xf32>
      %jit3A_311 = arith.constant 0.000000e+00 : f32
      %broadcast_in_dim3A_312 = vector.broadcast %jit3A_311 : f32 to vector<16xf32>
      %select_n3A_313 = arith.select %ne3A, %broadcast_in_dim3A_312, %select_n3A : vector<16xi1>, vector<16xf32>
      %mul3A_314 = arith.mulf %select_n3A_313, %select_n3A_313 : vector<16xf32>
      %add3A_315 = arith.addf %scan3A_286, %mul3A_314 : vector<16xf32>
      %max3A_316 = arith.maximumf %scan3A_287, %select_n3A_313 : vector<16xf32>
      %min3A = arith.minimumf %scan3A_287, %select_n3A_313 : vector<16xf32>
      %max3A_317 = arith.maximumf %scan3A_288, %min3A : vector<16xf32>
      %min3A_318 = arith.minimumf %scan3A_288, %min3A : vector<16xf32>
      %max3A_319 = arith.maximumf %scan3A_289, %min3A_318 : vector<16xf32>
      %min3A_320 = arith.minimumf %scan3A_289, %min3A_318 : vector<16xf32>
      %max3A_321 = arith.maximumf %scan3A_290, %min3A_320 : vector<16xf32>
      %min3A_322 = arith.minimumf %scan3A_290, %min3A_320 : vector<16xf32>
      %max3A_323 = arith.maximumf %scan3A_291, %min3A_322 : vector<16xf32>
      %min3A_324 = arith.minimumf %scan3A_291, %min3A_322 : vector<16xf32>
      %max3A_325 = arith.maximumf %scan3A_292, %min3A_324 : vector<16xf32>
      %min3A_326 = arith.minimumf %scan3A_292, %min3A_324 : vector<16xf32>
      %max3A_327 = arith.maximumf %scan3A_293, %min3A_326 : vector<16xf32>
      %min3A_328 = arith.minimumf %scan3A_293, %min3A_326 : vector<16xf32>
      %max3A_329 = arith.maximumf %scan3A_294, %min3A_328 : vector<16xf32>
      %min3A_330 = arith.minimumf %scan3A_294, %min3A_328 : vector<16xf32>
      %max3A_331 = arith.maximumf %scan3A_295, %min3A_330 : vector<16xf32>
      %min3A_332 = arith.minimumf %scan3A_295, %min3A_330 : vector<16xf32>
      %max3A_333 = arith.maximumf %scan3A_296, %min3A_332 : vector<16xf32>
      %min3A_334 = arith.minimumf %scan3A_296, %min3A_332 : vector<16xf32>
      %max3A_335 = arith.maximumf %scan3A_297, %min3A_334 : vector<16xf32>
      %min3A_336 = arith.minimumf %scan3A_297, %min3A_334 : vector<16xf32>
      %max3A_337 = arith.maximumf %scan3A_298, %min3A_336 : vector<16xf32>
      %min3A_338 = arith.minimumf %scan3A_298, %min3A_336 : vector<16xf32>
      %max3A_339 = arith.maximumf %scan3A_299, %min3A_338 : vector<16xf32>
      %min3A_340 = arith.minimumf %scan3A_299, %min3A_338 : vector<16xf32>
      %max3A_341 = arith.maximumf %scan3A_300, %min3A_340 : vector<16xf32>
      %min3A_342 = arith.minimumf %scan3A_300, %min3A_340 : vector<16xf32>
      %max3A_343 = arith.maximumf %scan3A_301, %min3A_342 : vector<16xf32>
      %min3A_344 = arith.minimumf %scan3A_301, %min3A_342 : vector<16xf32>
      %max3A_345 = arith.maximumf %scan3A_302, %min3A_344 : vector<16xf32>
      %min3A_346 = arith.minimumf %scan3A_302, %min3A_344 : vector<16xf32>
      scf.yield %add3A_315, %max3A_316, %max3A_317, %max3A_319, %max3A_321, %max3A_323, %max3A_325, %max3A_327, %max3A_329, %max3A_331, %max3A_333, %max3A_335, %max3A_337, %max3A_339, %max3A_341, %max3A_343, %max3A_345 : vector<16xf32>, vector<16xf32>, vector<16xf32>, vector<16xf32>, vector<16xf32>, vector<16xf32>, vector<16xf32>, vector<16xf32>, vector<16xf32>, vector<16xf32>, vector<16xf32>, vector<16xf32>, vector<16xf32>, vector<16xf32>, vector<16xf32>, vector<16xf32>, vector<16xf32>
    }
    %scan3A_64 = arith.constant 680 : i32
    %lt3A_65 = arith.constant 31 : i32
    %lt3A_66 = arith.cmpi slt, %add3A, %lt3A_65 : i32
    %convert_element_type3A_67 = arith.extui %lt3A_66 : i1 to i32
    %cond3A_68 = arith.constant 0 : i32
    %cond3A_69 = arith.cmpi ne, %convert_element_type3A_67, %cond3A_68 : i32
    %cond3A_70:17 = scf.if %cond3A_69 -> (vector<16xf32>, vector<16xf32>, vector<16xf32>, vector<16xf32>, vector<16xf32>, vector<16xf32>, vector<16xf32>, vector<16xf32>, vector<16xf32>, vector<16xf32>, vector<16xf32>, vector<16xf32>, vector<16xf32>, vector<16xf32>, vector<16xf32>, vector<16xf32>, vector<16xf32>) {
      %scan3A_285 = arith.constant 680 : i32
      %scan3A_286 = arith.constant 24 : i32
      %scan3A_287 = arith.addi %scan3A_285, %scan3A_286 : i32
      %scan3A_288 = arith.constant 1 : i32
      %scan3A_289:17 = scf.for %scan3A_291 = %scan3A_285 to %scan3A_287 step %scan3A_288 iter_args(%scan3A_292 = %scan3A_63#0, %scan3A_293 = %scan3A_63#1, %scan3A_294 = %scan3A_63#2, %scan3A_295 = %scan3A_63#3, %scan3A_296 = %scan3A_63#4, %scan3A_297 = %scan3A_63#5, %scan3A_298 = %scan3A_63#6, %scan3A_299 = %scan3A_63#7, %scan3A_300 = %scan3A_63#8, %scan3A_301 = %scan3A_63#9, %scan3A_302 = %scan3A_63#10, %scan3A_303 = %scan3A_63#11, %scan3A_304 = %scan3A_63#12, %scan3A_305 = %scan3A_63#13, %scan3A_306 = %scan3A_63#14, %scan3A_307 = %scan3A_63#15, %scan3A_308 = %scan3A_63#16) -> (vector<16xf32>, vector<16xf32>, vector<16xf32>, vector<16xf32>, vector<16xf32>, vector<16xf32>, vector<16xf32>, vector<16xf32>, vector<16xf32>, vector<16xf32>, vector<16xf32>, vector<16xf32>, vector<16xf32>, vector<16xf32>, vector<16xf32>, vector<16xf32>, vector<16xf32>)  : i32 {
        %mul3A_309 = arith.constant 16 : i32
        %mul3A_310 = arith.muli %scan3A_291, %mul3A_309 : i32
        %get3A = arith.index_cast %mul3A_310 : i32 to index
        %get3A_311 = tpu.vector_load %arg7[%get3A] {strides = array<i32>} : memref<11264xf32, #tpu.memory_space<vmem>>, vector<16xf32>,
        %get3A_312 = arith.index_cast %mul3A_310 : i32 to index
        %get3A_313 = tpu.vector_load %arg6[%get3A_312] {strides = array<i32>} : memref<11264xf32, #tpu.memory_space<vmem>>, vector<16xf32>,
        %sub3A = arith.subf %get3A_311, %get3A_313 : vector<16xf32>
        %abs3A = math.absf %sub3A : vector<16xf32>
        %eq3A = arith.constant 0x7F800000 : f32
        %eq3A_314 = vector.broadcast %eq3A : f32 to vector<16xf32>
        %eq3A_315 = arith.cmpf oeq, %abs3A, %eq3A_314 : vector<16xf32>
        %jit3A = arith.constant 0.000000e+00 : f32
        %broadcast_in_dim3A_316 = vector.broadcast %jit3A : f32 to vector<16xf32>
        %select_n3A = arith.select %eq3A_315, %broadcast_in_dim3A_316, %sub3A : vector<16xi1>, vector<16xf32>
        %ne3A = arith.cmpf one, %select_n3A, %select_n3A : vector<16xf32>
        %jit3A_317 = arith.constant 0.000000e+00 : f32
        %broadcast_in_dim3A_318 = vector.broadcast %jit3A_317 : f32 to vector<16xf32>
        %select_n3A_319 = arith.select %ne3A, %broadcast_in_dim3A_318, %select_n3A : vector<16xi1>, vector<16xf32>
        %mul3A_320 = arith.mulf %select_n3A_319, %select_n3A_319 : vector<16xf32>
        %add3A_321 = arith.addf %scan3A_292, %mul3A_320 : vector<16xf32>
        %max3A_322 = arith.maximumf %scan3A_293, %select_n3A_319 : vector<16xf32>
        %min3A = arith.minimumf %scan3A_293, %select_n3A_319 : vector<16xf32>
        %max3A_323 = arith.maximumf %scan3A_294, %min3A : vector<16xf32>
        %min3A_324 = arith.minimumf %scan3A_294, %min3A : vector<16xf32>
        %max3A_325 = arith.maximumf %scan3A_295, %min3A_324 : vector<16xf32>
        %min3A_326 = arith.minimumf %scan3A_295, %min3A_324 : vector<16xf32>
        %max3A_327 = arith.maximumf %scan3A_296, %min3A_326 : vector<16xf32>
        %min3A_328 = arith.minimumf %scan3A_296, %min3A_326 : vector<16xf32>
        %max3A_329 = arith.maximumf %scan3A_297, %min3A_328 : vector<16xf32>
        %min3A_330 = arith.minimumf %scan3A_297, %min3A_328 : vector<16xf32>
        %max3A_331 = arith.maximumf %scan3A_298, %min3A_330 : vector<16xf32>
        %min3A_332 = arith.minimumf %scan3A_298, %min3A_330 : vector<16xf32>
        %max3A_333 = arith.maximumf %scan3A_299, %min3A_332 : vector<16xf32>
        %min3A_334 = arith.minimumf %scan3A_299, %min3A_332 : vector<16xf32>
        %max3A_335 = arith.maximumf %scan3A_300, %min3A_334 : vector<16xf32>
        %min3A_336 = arith.minimumf %scan3A_300, %min3A_334 : vector<16xf32>
        %max3A_337 = arith.maximumf %scan3A_301, %min3A_336 : vector<16xf32>
        %min3A_338 = arith.minimumf %scan3A_301, %min3A_336 : vector<16xf32>
        %max3A_339 = arith.maximumf %scan3A_302, %min3A_338 : vector<16xf32>
        %min3A_340 = arith.minimumf %scan3A_302, %min3A_338 : vector<16xf32>
        %max3A_341 = arith.maximumf %scan3A_303, %min3A_340 : vector<16xf32>
        %min3A_342 = arith.minimumf %scan3A_303, %min3A_340 : vector<16xf32>
        %max3A_343 = arith.maximumf %scan3A_304, %min3A_342 : vector<16xf32>
        %min3A_344 = arith.minimumf %scan3A_304, %min3A_342 : vector<16xf32>
        %max3A_345 = arith.maximumf %scan3A_305, %min3A_344 : vector<16xf32>
        %min3A_346 = arith.minimumf %scan3A_305, %min3A_344 : vector<16xf32>
        %max3A_347 = arith.maximumf %scan3A_306, %min3A_346 : vector<16xf32>
        %min3A_348 = arith.minimumf %scan3A_306, %min3A_346 : vector<16xf32>
        %max3A_349 = arith.maximumf %scan3A_307, %min3A_348 : vector<16xf32>
        %min3A_350 = arith.minimumf %scan3A_307, %min3A_348 : vector<16xf32>
        %max3A_351 = arith.maximumf %scan3A_308, %min3A_350 : vector<16xf32>
        %min3A_352 = arith.minimumf %scan3A_308, %min3A_350 : vector<16xf32>
        scf.yield %add3A_321, %max3A_322, %max3A_323, %max3A_325, %max3A_327, %max3A_329, %max3A_331, %max3A_333, %max3A_335, %max3A_337, %max3A_339, %max3A_341, %max3A_343, %max3A_345, %max3A_347, %max3A_349, %max3A_351 : vector<16xf32>, vector<16xf32>, vector<16xf32>, vector<16xf32>, vector<16xf32>, vector<16xf32>, vector<16xf32>, vector<16xf32>, vector<16xf32>, vector<16xf32>, vector<16xf32>, vector<16xf32>, vector<16xf32>, vector<16xf32>, vector<16xf32>, vector<16xf32>, vector<16xf32>
      }
      %scan3A_290 = arith.constant 24 : i32
      scf.yield %scan3A_289#0, %scan3A_289#1, %scan3A_289#2, %scan3A_289#3, %scan3A_289#4, %scan3A_289#5, %scan3A_289#6, %scan3A_289#7, %scan3A_289#8, %scan3A_289#9, %scan3A_289#10, %scan3A_289#11, %scan3A_289#12, %scan3A_289#13, %scan3A_289#14, %scan3A_289#15, %scan3A_289#16 : vector<16xf32>, vector<16xf32>, vector<16xf32>, vector<16xf32>, vector<16xf32>, vector<16xf32>, vector<16xf32>, vector<16xf32>, vector<16xf32>, vector<16xf32>, vector<16xf32>, vector<16xf32>, vector<16xf32>, vector<16xf32>, vector<16xf32>, vector<16xf32>, vector<16xf32>
    } else {
      scf.yield %scan3A_63#0, %scan3A_63#1, %scan3A_63#2, %scan3A_63#3, %scan3A_63#4, %scan3A_63#5, %scan3A_63#6, %scan3A_63#7, %scan3A_63#8, %scan3A_63#9, %scan3A_63#10, %scan3A_63#11, %scan3A_63#12, %scan3A_63#13, %scan3A_63#14, %scan3A_63#15, %scan3A_63#16 : vector<16xf32>, vector<16xf32>, vector<16xf32>, vector<16xf32>, vector<16xf32>, vector<16xf32>, vector<16xf32>, vector<16xf32>, vector<16xf32>, vector<16xf32>, vector<16xf32>, vector<16xf32>, vector<16xf32>, vector<16xf32>, vector<16xf32>, vector<16xf32>, vector<16xf32>
    }
    %sort3A = arith.constant dense<true> : vector<16xi1>
    %sort3A_71, %sort3A_72, %sort3A_73 = tpu.sort %cond3A_70#1, %cond3A_70#1 masked %sort3A : (vector<16xf32>, vector<16xf32>, vector<16xi1>) -> (vector<16xi1>, vector<16xf32>, vector<16xf32>)
    %sort3A_74 = arith.constant dense<true> : vector<16xi1>
    %sort3A_75, %sort3A_76, %sort3A_77 = tpu.sort %cond3A_70#2, %cond3A_70#2 masked %sort3A_74 : (vector<16xf32>, vector<16xf32>, vector<16xi1>) -> (vector<16xi1>, vector<16xf32>, vector<16xf32>)
    %rev3A = arith.constant 15 : i32
    %rev3A_78 = vector.broadcast %rev3A : i32 to vector<16xi32>
    %rev3A_79 = tpu.iota {dimensions = array<i32: 0>} : vector<16xi32>
    %rev3A_80 = arith.subi %rev3A_78, %rev3A_79 : vector<16xi32>
    %rev3A_81 = tpu.dynamic_gather %sort3A_76[%rev3A_80] in [0] : vector<16xf32>, vector<16xi32> -> vector<16xf32>
    %max3A = arith.maximumf %sort3A_72, %rev3A_81 : vector<16xf32>
    %sort3A_82 = arith.constant dense<true> : vector<16xi1>
    %sort3A_83, %sort3A_84, %sort3A_85 = tpu.sort %max3A, %max3A masked %sort3A_82 : (vector<16xf32>, vector<16xf32>, vector<16xi1>) -> (vector<16xi1>, vector<16xf32>, vector<16xf32>)
    %sort3A_86 = arith.constant dense<true> : vector<16xi1>
    %sort3A_87, %sort3A_88, %sort3A_89 = tpu.sort %cond3A_70#3, %cond3A_70#3 masked %sort3A_86 : (vector<16xf32>, vector<16xf32>, vector<16xi1>) -> (vector<16xi1>, vector<16xf32>, vector<16xf32>)
    %rev3A_90 = arith.constant 15 : i32
    %rev3A_91 = vector.broadcast %rev3A_90 : i32 to vector<16xi32>
    %rev3A_92 = tpu.iota {dimensions = array<i32: 0>} : vector<16xi32>
    %rev3A_93 = arith.subi %rev3A_91, %rev3A_92 : vector<16xi32>
    %rev3A_94 = tpu.dynamic_gather %sort3A_88[%rev3A_93] in [0] : vector<16xf32>, vector<16xi32> -> vector<16xf32>
    %max3A_95 = arith.maximumf %sort3A_84, %rev3A_94 : vector<16xf32>
    %sort3A_96 = arith.constant dense<true> : vector<16xi1>
    %sort3A_97, %sort3A_98, %sort3A_99 = tpu.sort %max3A_95, %max3A_95 masked %sort3A_96 : (vector<16xf32>, vector<16xf32>, vector<16xi1>) -> (vector<16xi1>, vector<16xf32>, vector<16xf32>)
    %sort3A_100 = arith.constant dense<true> : vector<16xi1>
    %sort3A_101, %sort3A_102, %sort3A_103 = tpu.sort %cond3A_70#4, %cond3A_70#4 masked %sort3A_100 : (vector<16xf32>, vector<16xf32>, vector<16xi1>) -> (vector<16xi1>, vector<16xf32>, vector<16xf32>)
    %rev3A_104 = arith.constant 15 : i32
    %rev3A_105 = vector.broadcast %rev3A_104 : i32 to vector<16xi32>
    %rev3A_106 = tpu.iota {dimensions = array<i32: 0>} : vector<16xi32>
    %rev3A_107 = arith.subi %rev3A_105, %rev3A_106 : vector<16xi32>
    %rev3A_108 = tpu.dynamic_gather %sort3A_102[%rev3A_107] in [0] : vector<16xf32>, vector<16xi32> -> vector<16xf32>
    %max3A_109 = arith.maximumf %sort3A_98, %rev3A_108 : vector<16xf32>
    %sort3A_110 = arith.constant dense<true> : vector<16xi1>
    %sort3A_111, %sort3A_112, %sort3A_113 = tpu.sort %max3A_109, %max3A_109 masked %sort3A_110 : (vector<16xf32>, vector<16xf32>, vector<16xi1>) -> (vector<16xi1>, vector<16xf32>, vector<16xf32>)
    %sort3A_114 = arith.constant dense<true> : vector<16xi1>
    %sort3A_115, %sort3A_116, %sort3A_117 = tpu.sort %cond3A_70#5, %cond3A_70#5 masked %sort3A_114 : (vector<16xf32>, vector<16xf32>, vector<16xi1>) -> (vector<16xi1>, vector<16xf32>, vector<16xf32>)
    %rev3A_118 = arith.constant 15 : i32
    %rev3A_119 = vector.broadcast %rev3A_118 : i32 to vector<16xi32>
    %rev3A_120 = tpu.iota {dimensions = array<i32: 0>} : vector<16xi32>
    %rev3A_121 = arith.subi %rev3A_119, %rev3A_120 : vector<16xi32>
    %rev3A_122 = tpu.dynamic_gather %sort3A_116[%rev3A_121] in [0] : vector<16xf32>, vector<16xi32> -> vector<16xf32>
    %max3A_123 = arith.maximumf %sort3A_112, %rev3A_122 : vector<16xf32>
    %sort3A_124 = arith.constant dense<true> : vector<16xi1>
    %sort3A_125, %sort3A_126, %sort3A_127 = tpu.sort %max3A_123, %max3A_123 masked %sort3A_124 : (vector<16xf32>, vector<16xf32>, vector<16xi1>) -> (vector<16xi1>, vector<16xf32>, vector<16xf32>)
    %sort3A_128 = arith.constant dense<true> : vector<16xi1>
    %sort3A_129, %sort3A_130, %sort3A_131 = tpu.sort %cond3A_70#6, %cond3A_70#6 masked %sort3A_128 : (vector<16xf32>, vector<16xf32>, vector<16xi1>) -> (vector<16xi1>, vector<16xf32>, vector<16xf32>)
    %rev3A_132 = arith.constant 15 : i32
    %rev3A_133 = vector.broadcast %rev3A_132 : i32 to vector<16xi32>
    %rev3A_134 = tpu.iota {dimensions = array<i32: 0>} : vector<16xi32>
    %rev3A_135 = arith.subi %rev3A_133, %rev3A_134 : vector<16xi32>
    %rev3A_136 = tpu.dynamic_gather %sort3A_130[%rev3A_135] in [0] : vector<16xf32>, vector<16xi32> -> vector<16xf32>
    %max3A_137 = arith.maximumf %sort3A_126, %rev3A_136 : vector<16xf32>
    %sort3A_138 = arith.constant dense<true> : vector<16xi1>
    %sort3A_139, %sort3A_140, %sort3A_141 = tpu.sort %max3A_137, %max3A_137 masked %sort3A_138 : (vector<16xf32>, vector<16xf32>, vector<16xi1>) -> (vector<16xi1>, vector<16xf32>, vector<16xf32>)
    %sort3A_142 = arith.constant dense<true> : vector<16xi1>
    %sort3A_143, %sort3A_144, %sort3A_145 = tpu.sort %cond3A_70#7, %cond3A_70#7 masked %sort3A_142 : (vector<16xf32>, vector<16xf32>, vector<16xi1>) -> (vector<16xi1>, vector<16xf32>, vector<16xf32>)
    %rev3A_146 = arith.constant 15 : i32
    %rev3A_147 = vector.broadcast %rev3A_146 : i32 to vector<16xi32>
    %rev3A_148 = tpu.iota {dimensions = array<i32: 0>} : vector<16xi32>
    %rev3A_149 = arith.subi %rev3A_147, %rev3A_148 : vector<16xi32>
    %rev3A_150 = tpu.dynamic_gather %sort3A_144[%rev3A_149] in [0] : vector<16xf32>, vector<16xi32> -> vector<16xf32>
    %max3A_151 = arith.maximumf %sort3A_140, %rev3A_150 : vector<16xf32>
    %sort3A_152 = arith.constant dense<true> : vector<16xi1>
    %sort3A_153, %sort3A_154, %sort3A_155 = tpu.sort %max3A_151, %max3A_151 masked %sort3A_152 : (vector<16xf32>, vector<16xf32>, vector<16xi1>) -> (vector<16xi1>, vector<16xf32>, vector<16xf32>)
    %sort3A_156 = arith.constant dense<true> : vector<16xi1>
    %sort3A_157, %sort3A_158, %sort3A_159 = tpu.sort %cond3A_70#8, %cond3A_70#8 masked %sort3A_156 : (vector<16xf32>, vector<16xf32>, vector<16xi1>) -> (vector<16xi1>, vector<16xf32>, vector<16xf32>)
    %rev3A_160 = arith.constant 15 : i32
    %rev3A_161 = vector.broadcast %rev3A_160 : i32 to vector<16xi32>
    %rev3A_162 = tpu.iota {dimensions = array<i32: 0>} : vector<16xi32>
    %rev3A_163 = arith.subi %rev3A_161, %rev3A_162 : vector<16xi32>
    %rev3A_164 = tpu.dynamic_gather %sort3A_158[%rev3A_163] in [0] : vector<16xf32>, vector<16xi32> -> vector<16xf32>
    %max3A_165 = arith.maximumf %sort3A_154, %rev3A_164 : vector<16xf32>
    %sort3A_166 = arith.constant dense<true> : vector<16xi1>
    %sort3A_167, %sort3A_168, %sort3A_169 = tpu.sort %max3A_165, %max3A_165 masked %sort3A_166 : (vector<16xf32>, vector<16xf32>, vector<16xi1>) -> (vector<16xi1>, vector<16xf32>, vector<16xf32>)
    %sort3A_170 = arith.constant dense<true> : vector<16xi1>
    %sort3A_171, %sort3A_172, %sort3A_173 = tpu.sort %cond3A_70#9, %cond3A_70#9 masked %sort3A_170 : (vector<16xf32>, vector<16xf32>, vector<16xi1>) -> (vector<16xi1>, vector<16xf32>, vector<16xf32>)
    %rev3A_174 = arith.constant 15 : i32
    %rev3A_175 = vector.broadcast %rev3A_174 : i32 to vector<16xi32>
    %rev3A_176 = tpu.iota {dimensions = array<i32: 0>} : vector<16xi32>
    %rev3A_177 = arith.subi %rev3A_175, %rev3A_176 : vector<16xi32>
    %rev3A_178 = tpu.dynamic_gather %sort3A_172[%rev3A_177] in [0] : vector<16xf32>, vector<16xi32> -> vector<16xf32>
    %max3A_179 = arith.maximumf %sort3A_168, %rev3A_178 : vector<16xf32>
    %sort3A_180 = arith.constant dense<true> : vector<16xi1>
    %sort3A_181, %sort3A_182, %sort3A_183 = tpu.sort %max3A_179, %max3A_179 masked %sort3A_180 : (vector<16xf32>, vector<16xf32>, vector<16xi1>) -> (vector<16xi1>, vector<16xf32>, vector<16xf32>)
    %sort3A_184 = arith.constant dense<true> : vector<16xi1>
    %sort3A_185, %sort3A_186, %sort3A_187 = tpu.sort %cond3A_70#10, %cond3A_70#10 masked %sort3A_184 : (vector<16xf32>, vector<16xf32>, vector<16xi1>) -> (vector<16xi1>, vector<16xf32>, vector<16xf32>)
    %rev3A_188 = arith.constant 15 : i32
    %rev3A_189 = vector.broadcast %rev3A_188 : i32 to vector<16xi32>
    %rev3A_190 = tpu.iota {dimensions = array<i32: 0>} : vector<16xi32>
    %rev3A_191 = arith.subi %rev3A_189, %rev3A_190 : vector<16xi32>
    %rev3A_192 = tpu.dynamic_gather %sort3A_186[%rev3A_191] in [0] : vector<16xf32>, vector<16xi32> -> vector<16xf32>
    %max3A_193 = arith.maximumf %sort3A_182, %rev3A_192 : vector<16xf32>
    %sort3A_194 = arith.constant dense<true> : vector<16xi1>
    %sort3A_195, %sort3A_196, %sort3A_197 = tpu.sort %max3A_193, %max3A_193 masked %sort3A_194 : (vector<16xf32>, vector<16xf32>, vector<16xi1>) -> (vector<16xi1>, vector<16xf32>, vector<16xf32>)
    %sort3A_198 = arith.constant dense<true> : vector<16xi1>
    %sort3A_199, %sort3A_200, %sort3A_201 = tpu.sort %cond3A_70#11, %cond3A_70#11 masked %sort3A_198 : (vector<16xf32>, vector<16xf32>, vector<16xi1>) -> (vector<16xi1>, vector<16xf32>, vector<16xf32>)
    %rev3A_202 = arith.constant 15 : i32
    %rev3A_203 = vector.broadcast %rev3A_202 : i32 to vector<16xi32>
    %rev3A_204 = tpu.iota {dimensions = array<i32: 0>} : vector<16xi32>
    %rev3A_205 = arith.subi %rev3A_203, %rev3A_204 : vector<16xi32>
    %rev3A_206 = tpu.dynamic_gather %sort3A_200[%rev3A_205] in [0] : vector<16xf32>, vector<16xi32> -> vector<16xf32>
    %max3A_207 = arith.maximumf %sort3A_196, %rev3A_206 : vector<16xf32>
    %sort3A_208 = arith.constant dense<true> : vector<16xi1>
    %sort3A_209, %sort3A_210, %sort3A_211 = tpu.sort %max3A_207, %max3A_207 masked %sort3A_208 : (vector<16xf32>, vector<16xf32>, vector<16xi1>) -> (vector<16xi1>, vector<16xf32>, vector<16xf32>)
    %sort3A_212 = arith.constant dense<true> : vector<16xi1>
    %sort3A_213, %sort3A_214, %sort3A_215 = tpu.sort %cond3A_70#12, %cond3A_70#12 masked %sort3A_212 : (vector<16xf32>, vector<16xf32>, vector<16xi1>) -> (vector<16xi1>, vector<16xf32>, vector<16xf32>)
    %rev3A_216 = arith.constant 15 : i32
    %rev3A_217 = vector.broadcast %rev3A_216 : i32 to vector<16xi32>
    %rev3A_218 = tpu.iota {dimensions = array<i32: 0>} : vector<16xi32>
    %rev3A_219 = arith.subi %rev3A_217, %rev3A_218 : vector<16xi32>
    %rev3A_220 = tpu.dynamic_gather %sort3A_214[%rev3A_219] in [0] : vector<16xf32>, vector<16xi32> -> vector<16xf32>
    %max3A_221 = arith.maximumf %sort3A_210, %rev3A_220 : vector<16xf32>
    %sort3A_222 = arith.constant dense<true> : vector<16xi1>
    %sort3A_223, %sort3A_224, %sort3A_225 = tpu.sort %max3A_221, %max3A_221 masked %sort3A_222 : (vector<16xf32>, vector<16xf32>, vector<16xi1>) -> (vector<16xi1>, vector<16xf32>, vector<16xf32>)
    %sort3A_226 = arith.constant dense<true> : vector<16xi1>
    %sort3A_227, %sort3A_228, %sort3A_229 = tpu.sort %cond3A_70#13, %cond3A_70#13 masked %sort3A_226 : (vector<16xf32>, vector<16xf32>, vector<16xi1>) -> (vector<16xi1>, vector<16xf32>, vector<16xf32>)
    %rev3A_230 = arith.constant 15 : i32
    %rev3A_231 = vector.broadcast %rev3A_230 : i32 to vector<16xi32>
    %rev3A_232 = tpu.iota {dimensions = array<i32: 0>} : vector<16xi32>
    %rev3A_233 = arith.subi %rev3A_231, %rev3A_232 : vector<16xi32>
    %rev3A_234 = tpu.dynamic_gather %sort3A_228[%rev3A_233] in [0] : vector<16xf32>, vector<16xi32> -> vector<16xf32>
    %max3A_235 = arith.maximumf %sort3A_224, %rev3A_234 : vector<16xf32>
    %sort3A_236 = arith.constant dense<true> : vector<16xi1>
    %sort3A_237, %sort3A_238, %sort3A_239 = tpu.sort %max3A_235, %max3A_235 masked %sort3A_236 : (vector<16xf32>, vector<16xf32>, vector<16xi1>) -> (vector<16xi1>, vector<16xf32>, vector<16xf32>)
    %sort3A_240 = arith.constant dense<true> : vector<16xi1>
    %sort3A_241, %sort3A_242, %sort3A_243 = tpu.sort %cond3A_70#14, %cond3A_70#14 masked %sort3A_240 : (vector<16xf32>, vector<16xf32>, vector<16xi1>) -> (vector<16xi1>, vector<16xf32>, vector<16xf32>)
    %rev3A_244 = arith.constant 15 : i32
    %rev3A_245 = vector.broadcast %rev3A_244 : i32 to vector<16xi32>
    %rev3A_246 = tpu.iota {dimensions = array<i32: 0>} : vector<16xi32>
    %rev3A_247 = arith.subi %rev3A_245, %rev3A_246 : vector<16xi32>
    %rev3A_248 = tpu.dynamic_gather %sort3A_242[%rev3A_247] in [0] : vector<16xf32>, vector<16xi32> -> vector<16xf32>
    %max3A_249 = arith.maximumf %sort3A_238, %rev3A_248 : vector<16xf32>
    %sort3A_250 = arith.constant dense<true> : vector<16xi1>
    %sort3A_251, %sort3A_252, %sort3A_253 = tpu.sort %max3A_249, %max3A_249 masked %sort3A_250 : (vector<16xf32>, vector<16xf32>, vector<16xi1>) -> (vector<16xi1>, vector<16xf32>, vector<16xf32>)
    %sort3A_254 = arith.constant dense<true> : vector<16xi1>
    %sort3A_255, %sort3A_256, %sort3A_257 = tpu.sort %cond3A_70#15, %cond3A_70#15 masked %sort3A_254 : (vector<16xf32>, vector<16xf32>, vector<16xi1>) -> (vector<16xi1>, vector<16xf32>, vector<16xf32>)
    %rev3A_258 = arith.constant 15 : i32
    %rev3A_259 = vector.broadcast %rev3A_258 : i32 to vector<16xi32>
    %rev3A_260 = tpu.iota {dimensions = array<i32: 0>} : vector<16xi32>
    %rev3A_261 = arith.subi %rev3A_259, %rev3A_260 : vector<16xi32>
    %rev3A_262 = tpu.dynamic_gather %sort3A_256[%rev3A_261] in [0] : vector<16xf32>, vector<16xi32> -> vector<16xf32>
    %max3A_263 = arith.maximumf %sort3A_252, %rev3A_262 : vector<16xf32>
    %sort3A_264 = arith.constant dense<true> : vector<16xi1>
    %sort3A_265, %sort3A_266, %sort3A_267 = tpu.sort %max3A_263, %max3A_263 masked %sort3A_264 : (vector<16xf32>, vector<16xf32>, vector<16xi1>) -> (vector<16xi1>, vector<16xf32>, vector<16xf32>)
    %sort3A_268 = arith.constant dense<true> : vector<16xi1>
    %sort3A_269, %sort3A_270, %sort3A_271 = tpu.sort %cond3A_70#16, %cond3A_70#16 masked %sort3A_268 : (vector<16xf32>, vector<16xf32>, vector<16xi1>) -> (vector<16xi1>, vector<16xf32>, vector<16xf32>)
    %rev3A_272 = arith.constant 15 : i32
    %rev3A_273 = vector.broadcast %rev3A_272 : i32 to vector<16xi32>
    %rev3A_274 = tpu.iota {dimensions = array<i32: 0>} : vector<16xi32>
    %rev3A_275 = arith.subi %rev3A_273, %rev3A_274 : vector<16xi32>
    %rev3A_276 = tpu.dynamic_gather %sort3A_270[%rev3A_275] in [0] : vector<16xf32>, vector<16xi32> -> vector<16xf32>
    %max3A_277 = arith.maximumf %sort3A_266, %rev3A_276 : vector<16xf32>
    %sort3A_278 = arith.constant dense<true> : vector<16xi1>
    %sort3A_279, %sort3A_280, %sort3A_281 = tpu.sort %max3A_277, %max3A_277 masked %sort3A_278 : (vector<16xf32>, vector<16xf32>, vector<16xi1>) -> (vector<16xi1>, vector<16xf32>, vector<16xf32>)
    %swap3A = arith.constant 0 : index
    %swap3A_282 = tpu.vector_load %arg9[%swap3A] {strides = array<i32>} : memref<16xf32, #tpu.memory_space<vmem>>, vector<16xf32>,
    tpu.vector_store %arg9[%swap3A], %cond3A_70#0 {strides = array<i32>} : memref<16xf32, #tpu.memory_space<vmem>>, vector<16xf32>,
    %swap3A_283 = arith.constant 0 : index
    %swap3A_284 = tpu.vector_load %arg8[%swap3A_283] {strides = array<i32>} : memref<16xf32, #tpu.memory_space<vmem>>, vector<16xf32>,
    tpu.vector_store %arg8[%swap3A_283], %sort3A_280 {strides = array<i32>} : memref<16xf32, #tpu.memory_space<vmem>>, vector<16xf32>,
    "tpu.region"() ({
      %run_scoped3A = tpu.sem_alloc : memref<!tpu.dma_semaphore, #tpu.memory_space<semaphore_mem>>
      %dma_start3A_285 = arith.constant 0 : i32
      %dma_start3A_286 = tpu.memref_slice %arg4[%add3A, %dma_start3A_285] : memref<32x16xf32, #tpu.memory_space<hbm>> -> memref<1x16xf32, #tpu.memory_space<hbm>>
      %dma_start3A_287 = tpu.memref_squeeze %dma_start3A_286 : memref<1x16xf32, #tpu.memory_space<hbm>> -> memref<16xf32, #tpu.memory_space<hbm>>
      %dma_start3A_288 = arith.constant 0 : i32
      %dma_start3A_289 = tpu.memref_slice %arg4[%add3A, %dma_start3A_288] : memref<32x16xf32, #tpu.memory_space<hbm>> -> memref<1x16xf32, #tpu.memory_space<hbm>>
      %dma_start3A_290 = tpu.memref_squeeze %dma_start3A_289 : memref<1x16xf32, #tpu.memory_space<hbm>> -> memref<16xf32, #tpu.memory_space<hbm>>
      tpu.enqueue_dma source(%arg8 : memref<16xf32, #tpu.memory_space<vmem>>) target(%dma_start3A_290 : memref<16xf32, #tpu.memory_space<hbm>>) target_semaphore(%run_scoped3A : memref<!tpu.dma_semaphore, #tpu.memory_space<semaphore_mem>>)
      %dma_wait3A_291 = arith.constant 0 : i32
      %dma_wait3A_292 = tpu.memref_slice %arg4[%add3A, %dma_wait3A_291] : memref<32x16xf32, #tpu.memory_space<hbm>> -> memref<1x16xf32, #tpu.memory_space<hbm>>
      %dma_wait3A_293 = tpu.memref_squeeze %dma_wait3A_292 : memref<1x16xf32, #tpu.memory_space<hbm>> -> memref<16xf32, #tpu.memory_space<hbm>>
      %dma_wait3A_294 = arith.constant 0 : i32
      %dma_wait3A_295 = tpu.memref_slice %arg4[%add3A, %dma_wait3A_294] : memref<32x16xf32, #tpu.memory_space<hbm>> -> memref<1x16xf32, #tpu.memory_space<hbm>>
      %dma_wait3A_296 = tpu.memref_squeeze %dma_wait3A_295 : memref<1x16xf32, #tpu.memory_space<hbm>> -> memref<16xf32, #tpu.memory_space<hbm>>
      tpu.wait_dma2 semaphore(%run_scoped3A : memref<!tpu.dma_semaphore, #tpu.memory_space<semaphore_mem>>) src(%arg8 : memref<16xf32, #tpu.memory_space<vmem>>) dst(%dma_wait3A_296 : memref<16xf32, #tpu.memory_space<hbm>>)
      tpu.yield
    }) : () -> ()
    "tpu.region"() ({
      %run_scoped3A = tpu.sem_alloc : memref<!tpu.dma_semaphore, #tpu.memory_space<semaphore_mem>>
      %dma_start3A_285 = arith.constant 0 : i32
      %dma_start3A_286 = tpu.memref_slice %arg5[%add3A, %dma_start3A_285] : memref<32x16xf32, #tpu.memory_space<hbm>> -> memref<1x16xf32, #tpu.memory_space<hbm>>
      %dma_start3A_287 = tpu.memref_squeeze %dma_start3A_286 : memref<1x16xf32, #tpu.memory_space<hbm>> -> memref<16xf32, #tpu.memory_space<hbm>>
      %dma_start3A_288 = arith.constant 0 : i32
      %dma_start3A_289 = tpu.memref_slice %arg5[%add3A, %dma_start3A_288] : memref<32x16xf32, #tpu.memory_space<hbm>> -> memref<1x16xf32, #tpu.memory_space<hbm>>
      %dma_start3A_290 = tpu.memref_squeeze %dma_start3A_289 : memref<1x16xf32, #tpu.memory_space<hbm>> -> memref<16xf32, #tpu.memory_space<hbm>>
      tpu.enqueue_dma source(%arg9 : memref<16xf32, #tpu.memory_space<vmem>>) target(%dma_start3A_290 : memref<16xf32, #tpu.memory_space<hbm>>) target_semaphore(%run_scoped3A : memref<!tpu.dma_semaphore, #tpu.memory_space<semaphore_mem>>)
      %dma_wait3A_291 = arith.constant 0 : i32
      %dma_wait3A_292 = tpu.memref_slice %arg5[%add3A, %dma_wait3A_291] : memref<32x16xf32, #tpu.memory_space<hbm>> -> memref<1x16xf32, #tpu.memory_space<hbm>>
      %dma_wait3A_293 = tpu.memref_squeeze %dma_wait3A_292 : memref<1x16xf32, #tpu.memory_space<hbm>> -> memref<16xf32, #tpu.memory_space<hbm>>
      %dma_wait3A_294 = arith.constant 0 : i32
      %dma_wait3A_295 = tpu.memref_slice %arg5[%add3A, %dma_wait3A_294] : memref<32x16xf32, #tpu.memory_space<hbm>> -> memref<1x16xf32, #tpu.memory_space<hbm>>
      %dma_wait3A_296 = tpu.memref_squeeze %dma_wait3A_295 : memref<1x16xf32, #tpu.memory_space<hbm>> -> memref<16xf32, #tpu.memory_space<hbm>>
      tpu.wait_dma2 semaphore(%run_scoped3A : memref<!tpu.dma_semaphore, #tpu.memory_space<semaphore_mem>>) src(%arg9 : memref<16xf32, #tpu.memory_space<vmem>>) dst(%dma_wait3A_296 : memref<16xf32, #tpu.memory_space<hbm>>)
      tpu.yield
    }) : () -> ()
    return
  }
}

#map = affine_map<(d0, d1) -> (0)>
#map1 = affine_map<(d0, d1) -> (0, 0)>
module attributes {stable_mosaic.version = 14 : i64} {
  func.func @scan(%arg0: i32, %arg1: i32, %arg2: memref<114304xf32, #tpu.memory_space<hbm>>, %arg3: memref<114304xf32, #tpu.memory_space<hbm>>, %arg4: memref<32x16xf32, #tpu.memory_space<hbm>>, %arg5: memref<32x16xf32, #tpu.memory_space<hbm>>, %arg6: memref<3584xf32, #tpu.memory_space<vmem>>, %arg7: memref<3584xf32, #tpu.memory_space<vmem>>, %arg8: memref<16xf32, #tpu.memory_space<vmem>>, %arg9: memref<16xf32, #tpu.memory_space<vmem>>, %arg10: memref<!tpu.dma_semaphore, #tpu.memory_space<semaphore_mem>>) attributes {dimension_semantics = [#tpu.dimension_semantics<core_parallel>, #tpu.dimension_semantics<subcore_parallel>], iteration_bounds = array<i64: 2, 16>, scalar_prefetch = 0 : i64, scratch_operands = 5 : i64, tpu.core_type = #tpu.core_type<sc_vector_subcore>, window_params = [{transform_indices = #map}, {transform_indices = #map}, {transform_indices = #map1}, {transform_indices = #map1}]} {
    %mul3A = arith.constant 2 : i32
    %mul3A_0 = arith.muli %arg1, %mul3A : i32
    %add3A = arith.addi %mul3A_0, %arg0 : i32
    %mul3A_1 = arith.constant 3584 : i32
    %mul3A_2 = arith.muli %add3A, %mul3A_1 : i32
    %dma_start3A = arith.constant 0 : i32
    %dma_start3A_3 = tpu.memref_slice %arg6[%dma_start3A] : memref<3584xf32, #tpu.memory_space<vmem>> -> memref<3200xf32, #tpu.memory_space<vmem>>
    %dma_start3A_4 = tpu.memref_slice %arg2[%mul3A_2] : memref<114304xf32, #tpu.memory_space<hbm>> -> memref<3200xf32, #tpu.memory_space<hbm>>
    %dma_start3A_5 = arith.constant 0 : i32
    %dma_start3A_6 = tpu.memref_slice %arg6[%dma_start3A_5] : memref<3584xf32, #tpu.memory_space<vmem>> -> memref<3200xf32, #tpu.memory_space<vmem>>
    %dma_start3A_7 = tpu.memref_slice %arg2[%mul3A_2] : memref<114304xf32, #tpu.memory_space<hbm>> -> memref<3200xf32, #tpu.memory_space<hbm>>
    tpu.enqueue_dma source(%dma_start3A_7 : memref<3200xf32, #tpu.memory_space<hbm>>) target(%dma_start3A_6 : memref<3200xf32, #tpu.memory_space<vmem>>) target_semaphore(%arg10 : memref<!tpu.dma_semaphore, #tpu.memory_space<semaphore_mem>>)
    %dma_start3A_8 = arith.constant 0 : i32
    %dma_start3A_9 = tpu.memref_slice %arg7[%dma_start3A_8] : memref<3584xf32, #tpu.memory_space<vmem>> -> memref<3200xf32, #tpu.memory_space<vmem>>
    %dma_start3A_10 = tpu.memref_slice %arg3[%mul3A_2] : memref<114304xf32, #tpu.memory_space<hbm>> -> memref<3200xf32, #tpu.memory_space<hbm>>
    %dma_start3A_11 = arith.constant 0 : i32
    %dma_start3A_12 = tpu.memref_slice %arg7[%dma_start3A_11] : memref<3584xf32, #tpu.memory_space<vmem>> -> memref<3200xf32, #tpu.memory_space<vmem>>
    %dma_start3A_13 = tpu.memref_slice %arg3[%mul3A_2] : memref<114304xf32, #tpu.memory_space<hbm>> -> memref<3200xf32, #tpu.memory_space<hbm>>
    tpu.enqueue_dma source(%dma_start3A_13 : memref<3200xf32, #tpu.memory_space<hbm>>) target(%dma_start3A_12 : memref<3200xf32, #tpu.memory_space<vmem>>) target_semaphore(%arg10 : memref<!tpu.dma_semaphore, #tpu.memory_space<semaphore_mem>>)
    %lt3A = arith.constant 31 : i32
    %lt3A_14 = arith.cmpi slt, %add3A, %lt3A : i32
    %convert_element_type3A = arith.extui %lt3A_14 : i1 to i32
    %cond3A = arith.constant 0 : i32
    %cond3A_15 = arith.cmpi ne, %convert_element_type3A, %cond3A : i32
    scf.if %cond3A_15 {
      %add3A_285 = arith.constant 3200 : i32
      %add3A_286 = arith.addi %mul3A_2, %add3A_285 : i32
      %dma_start3A_287 = arith.constant 3200 : i32
      %dma_start3A_288 = tpu.memref_slice %arg6[%dma_start3A_287] : memref<3584xf32, #tpu.memory_space<vmem>> -> memref<384xf32, #tpu.memory_space<vmem>>
      %dma_start3A_289 = tpu.memref_slice %arg2[%add3A_286] : memref<114304xf32, #tpu.memory_space<hbm>> -> memref<384xf32, #tpu.memory_space<hbm>>
      %dma_start3A_290 = arith.constant 3200 : i32
      %dma_start3A_291 = tpu.memref_slice %arg6[%dma_start3A_290] : memref<3584xf32, #tpu.memory_space<vmem>> -> memref<384xf32, #tpu.memory_space<vmem>>
      %dma_start3A_292 = tpu.memref_slice %arg2[%add3A_286] : memref<114304xf32, #tpu.memory_space<hbm>> -> memref<384xf32, #tpu.memory_space<hbm>>
      tpu.enqueue_dma source(%dma_start3A_292 : memref<384xf32, #tpu.memory_space<hbm>>) target(%dma_start3A_291 : memref<384xf32, #tpu.memory_space<vmem>>) target_semaphore(%arg10 : memref<!tpu.dma_semaphore, #tpu.memory_space<semaphore_mem>>)
      %add3A_293 = arith.constant 3200 : i32
      %add3A_294 = arith.addi %mul3A_2, %add3A_293 : i32
      %dma_start3A_295 = arith.constant 3200 : i32
      %dma_start3A_296 = tpu.memref_slice %arg7[%dma_start3A_295] : memref<3584xf32, #tpu.memory_space<vmem>> -> memref<384xf32, #tpu.memory_space<vmem>>
      %dma_start3A_297 = tpu.memref_slice %arg3[%add3A_294] : memref<114304xf32, #tpu.memory_space<hbm>> -> memref<384xf32, #tpu.memory_space<hbm>>
      %dma_start3A_298 = arith.constant 3200 : i32
      %dma_start3A_299 = tpu.memref_slice %arg7[%dma_start3A_298] : memref<3584xf32, #tpu.memory_space<vmem>> -> memref<384xf32, #tpu.memory_space<vmem>>
      %dma_start3A_300 = tpu.memref_slice %arg3[%add3A_294] : memref<114304xf32, #tpu.memory_space<hbm>> -> memref<384xf32, #tpu.memory_space<hbm>>
      tpu.enqueue_dma source(%dma_start3A_300 : memref<384xf32, #tpu.memory_space<hbm>>) target(%dma_start3A_299 : memref<384xf32, #tpu.memory_space<vmem>>) target_semaphore(%arg10 : memref<!tpu.dma_semaphore, #tpu.memory_space<semaphore_mem>>)
      %dma_wait3A_301 = arith.constant 3200 : i32
      %dma_wait3A_302 = tpu.memref_slice %arg6[%dma_wait3A_301] : memref<3584xf32, #tpu.memory_space<vmem>> -> memref<384xf32, #tpu.memory_space<vmem>>
      %dma_wait3A_303 = tpu.memref_slice %arg2[%add3A_286] : memref<114304xf32, #tpu.memory_space<hbm>> -> memref<384xf32, #tpu.memory_space<hbm>>
      %dma_wait3A_304 = arith.constant 3200 : i32
      %dma_wait3A_305 = tpu.memref_slice %arg6[%dma_wait3A_304] : memref<3584xf32, #tpu.memory_space<vmem>> -> memref<384xf32, #tpu.memory_space<vmem>>
      %dma_wait3A_306 = tpu.memref_slice %arg2[%add3A_286] : memref<114304xf32, #tpu.memory_space<hbm>> -> memref<384xf32, #tpu.memory_space<hbm>>
      tpu.wait_dma2 semaphore(%arg10 : memref<!tpu.dma_semaphore, #tpu.memory_space<semaphore_mem>>) src(%dma_wait3A_306 : memref<384xf32, #tpu.memory_space<hbm>>) dst(%dma_wait3A_305 : memref<384xf32, #tpu.memory_space<vmem>>)
      %dma_wait3A_307 = arith.constant 3200 : i32
      %dma_wait3A_308 = tpu.memref_slice %arg7[%dma_wait3A_307] : memref<3584xf32, #tpu.memory_space<vmem>> -> memref<384xf32, #tpu.memory_space<vmem>>
      %dma_wait3A_309 = tpu.memref_slice %arg3[%add3A_294] : memref<114304xf32, #tpu.memory_space<hbm>> -> memref<384xf32, #tpu.memory_space<hbm>>
      %dma_wait3A_310 = arith.constant 3200 : i32
      %dma_wait3A_311 = tpu.memref_slice %arg7[%dma_wait3A_310] : memref<3584xf32, #tpu.memory_space<vmem>> -> memref<384xf32, #tpu.memory_space<vmem>>
      %dma_wait3A_312 = tpu.memref_slice %arg3[%add3A_294] : memref<114304xf32, #tpu.memory_space<hbm>> -> memref<384xf32, #tpu.memory_space<hbm>>
      tpu.wait_dma2 semaphore(%arg10 : memref<!tpu.dma_semaphore, #tpu.memory_space<semaphore_mem>>) src(%dma_wait3A_312 : memref<384xf32, #tpu.memory_space<hbm>>) dst(%dma_wait3A_311 : memref<384xf32, #tpu.memory_space<vmem>>)
    } else {
    }
    %dma_wait3A = arith.constant 0 : i32
    %dma_wait3A_16 = tpu.memref_slice %arg6[%dma_wait3A] : memref<3584xf32, #tpu.memory_space<vmem>> -> memref<3200xf32, #tpu.memory_space<vmem>>
    %dma_wait3A_17 = tpu.memref_slice %arg2[%mul3A_2] : memref<114304xf32, #tpu.memory_space<hbm>> -> memref<3200xf32, #tpu.memory_space<hbm>>
    %dma_wait3A_18 = arith.constant 0 : i32
    %dma_wait3A_19 = tpu.memref_slice %arg6[%dma_wait3A_18] : memref<3584xf32, #tpu.memory_space<vmem>> -> memref<3200xf32, #tpu.memory_space<vmem>>
    %dma_wait3A_20 = tpu.memref_slice %arg2[%mul3A_2] : memref<114304xf32, #tpu.memory_space<hbm>> -> memref<3200xf32, #tpu.memory_space<hbm>>
    tpu.wait_dma2 semaphore(%arg10 : memref<!tpu.dma_semaphore, #tpu.memory_space<semaphore_mem>>) src(%dma_wait3A_20 : memref<3200xf32, #tpu.memory_space<hbm>>) dst(%dma_wait3A_19 : memref<3200xf32, #tpu.memory_space<vmem>>)
    %dma_wait3A_21 = arith.constant 0 : i32
    %dma_wait3A_22 = tpu.memref_slice %arg7[%dma_wait3A_21] : memref<3584xf32, #tpu.memory_space<vmem>> -> memref<3200xf32, #tpu.memory_space<vmem>>
    %dma_wait3A_23 = tpu.memref_slice %arg3[%mul3A_2] : memref<114304xf32, #tpu.memory_space<hbm>> -> memref<3200xf32, #tpu.memory_space<hbm>>
    %dma_wait3A_24 = arith.constant 0 : i32
    %dma_wait3A_25 = tpu.memref_slice %arg7[%dma_wait3A_24] : memref<3584xf32, #tpu.memory_space<vmem>> -> memref<3200xf32, #tpu.memory_space<vmem>>
    %dma_wait3A_26 = tpu.memref_slice %arg3[%mul3A_2] : memref<114304xf32, #tpu.memory_space<hbm>> -> memref<3200xf32, #tpu.memory_space<hbm>>
    tpu.wait_dma2 semaphore(%arg10 : memref<!tpu.dma_semaphore, #tpu.memory_space<semaphore_mem>>) src(%dma_wait3A_26 : memref<3200xf32, #tpu.memory_space<hbm>>) dst(%dma_wait3A_25 : memref<3200xf32, #tpu.memory_space<vmem>>)
    %broadcast_in_dim3A = arith.constant 0.000000e+00 : f32
    %broadcast_in_dim3A_27 = vector.broadcast %broadcast_in_dim3A : f32 to vector<16xf32>
    %broadcast_in_dim3A_28 = arith.constant 0xFF800000 : f32
    %broadcast_in_dim3A_29 = vector.broadcast %broadcast_in_dim3A_28 : f32 to vector<16xf32>
    %broadcast_in_dim3A_30 = arith.constant 0xFF800000 : f32
    %broadcast_in_dim3A_31 = vector.broadcast %broadcast_in_dim3A_30 : f32 to vector<16xf32>
    %broadcast_in_dim3A_32 = arith.constant 0xFF800000 : f32
    %broadcast_in_dim3A_33 = vector.broadcast %broadcast_in_dim3A_32 : f32 to vector<16xf32>
    %broadcast_in_dim3A_34 = arith.constant 0xFF800000 : f32
    %broadcast_in_dim3A_35 = vector.broadcast %broadcast_in_dim3A_34 : f32 to vector<16xf32>
    %broadcast_in_dim3A_36 = arith.constant 0xFF800000 : f32
    %broadcast_in_dim3A_37 = vector.broadcast %broadcast_in_dim3A_36 : f32 to vector<16xf32>
    %broadcast_in_dim3A_38 = arith.constant 0xFF800000 : f32
    %broadcast_in_dim3A_39 = vector.broadcast %broadcast_in_dim3A_38 : f32 to vector<16xf32>
    %broadcast_in_dim3A_40 = arith.constant 0xFF800000 : f32
    %broadcast_in_dim3A_41 = vector.broadcast %broadcast_in_dim3A_40 : f32 to vector<16xf32>
    %broadcast_in_dim3A_42 = arith.constant 0xFF800000 : f32
    %broadcast_in_dim3A_43 = vector.broadcast %broadcast_in_dim3A_42 : f32 to vector<16xf32>
    %broadcast_in_dim3A_44 = arith.constant 0xFF800000 : f32
    %broadcast_in_dim3A_45 = vector.broadcast %broadcast_in_dim3A_44 : f32 to vector<16xf32>
    %broadcast_in_dim3A_46 = arith.constant 0xFF800000 : f32
    %broadcast_in_dim3A_47 = vector.broadcast %broadcast_in_dim3A_46 : f32 to vector<16xf32>
    %broadcast_in_dim3A_48 = arith.constant 0xFF800000 : f32
    %broadcast_in_dim3A_49 = vector.broadcast %broadcast_in_dim3A_48 : f32 to vector<16xf32>
    %broadcast_in_dim3A_50 = arith.constant 0xFF800000 : f32
    %broadcast_in_dim3A_51 = vector.broadcast %broadcast_in_dim3A_50 : f32 to vector<16xf32>
    %broadcast_in_dim3A_52 = arith.constant 0xFF800000 : f32
    %broadcast_in_dim3A_53 = vector.broadcast %broadcast_in_dim3A_52 : f32 to vector<16xf32>
    %broadcast_in_dim3A_54 = arith.constant 0xFF800000 : f32
    %broadcast_in_dim3A_55 = vector.broadcast %broadcast_in_dim3A_54 : f32 to vector<16xf32>
    %broadcast_in_dim3A_56 = arith.constant 0xFF800000 : f32
    %broadcast_in_dim3A_57 = vector.broadcast %broadcast_in_dim3A_56 : f32 to vector<16xf32>
    %broadcast_in_dim3A_58 = arith.constant 0xFF800000 : f32
    %broadcast_in_dim3A_59 = vector.broadcast %broadcast_in_dim3A_58 : f32 to vector<16xf32>
    %scan3A = arith.constant 0 : i32
    %scan3A_60 = arith.constant 200 : i32
    %scan3A_61 = arith.addi %scan3A, %scan3A_60 : i32
    %scan3A_62 = arith.constant 1 : i32
    %scan3A_63:17 = scf.for %scan3A_285 = %scan3A to %scan3A_61 step %scan3A_62 iter_args(%scan3A_286 = %broadcast_in_dim3A_27, %scan3A_287 = %broadcast_in_dim3A_29, %scan3A_288 = %broadcast_in_dim3A_31, %scan3A_289 = %broadcast_in_dim3A_33, %scan3A_290 = %broadcast_in_dim3A_35, %scan3A_291 = %broadcast_in_dim3A_37, %scan3A_292 = %broadcast_in_dim3A_39, %scan3A_293 = %broadcast_in_dim3A_41, %scan3A_294 = %broadcast_in_dim3A_43, %scan3A_295 = %broadcast_in_dim3A_45, %scan3A_296 = %broadcast_in_dim3A_47, %scan3A_297 = %broadcast_in_dim3A_49, %scan3A_298 = %broadcast_in_dim3A_51, %scan3A_299 = %broadcast_in_dim3A_53, %scan3A_300 = %broadcast_in_dim3A_55, %scan3A_301 = %broadcast_in_dim3A_57, %scan3A_302 = %broadcast_in_dim3A_59) -> (vector<16xf32>, vector<16xf32>, vector<16xf32>, vector<16xf32>, vector<16xf32>, vector<16xf32>, vector<16xf32>, vector<16xf32>, vector<16xf32>, vector<16xf32>, vector<16xf32>, vector<16xf32>, vector<16xf32>, vector<16xf32>, vector<16xf32>, vector<16xf32>, vector<16xf32>)  : i32 {
      %mul3A_303 = arith.constant 16 : i32
      %mul3A_304 = arith.muli %scan3A_285, %mul3A_303 : i32
      %get3A = arith.index_cast %mul3A_304 : i32 to index
      %get3A_305 = tpu.vector_load %arg7[%get3A] {strides = array<i32>} : memref<3584xf32, #tpu.memory_space<vmem>>, vector<16xf32>,
      %get3A_306 = arith.index_cast %mul3A_304 : i32 to index
      %get3A_307 = tpu.vector_load %arg6[%get3A_306] {strides = array<i32>} : memref<3584xf32, #tpu.memory_space<vmem>>, vector<16xf32>,
      %sub3A = arith.subf %get3A_305, %get3A_307 : vector<16xf32>
      %abs3A = math.absf %sub3A : vector<16xf32>
      %eq3A = arith.constant 0x7F800000 : f32
      %eq3A_308 = vector.broadcast %eq3A : f32 to vector<16xf32>
      %eq3A_309 = arith.cmpf oeq, %abs3A, %eq3A_308 : vector<16xf32>
      %jit3A = arith.constant 0.000000e+00 : f32
      %broadcast_in_dim3A_310 = vector.broadcast %jit3A : f32 to vector<16xf32>
      %select_n3A = arith.select %eq3A_309, %broadcast_in_dim3A_310, %sub3A : vector<16xi1>, vector<16xf32>
      %ne3A = arith.cmpf one, %select_n3A, %select_n3A : vector<16xf32>
      %jit3A_311 = arith.constant 0.000000e+00 : f32
      %broadcast_in_dim3A_312 = vector.broadcast %jit3A_311 : f32 to vector<16xf32>
      %select_n3A_313 = arith.select %ne3A, %broadcast_in_dim3A_312, %select_n3A : vector<16xi1>, vector<16xf32>
      %mul3A_314 = arith.mulf %select_n3A_313, %select_n3A_313 : vector<16xf32>
      %add3A_315 = arith.addf %scan3A_286, %mul3A_314 : vector<16xf32>
      %max3A_316 = arith.maximumf %scan3A_287, %select_n3A_313 : vector<16xf32>
      %min3A = arith.minimumf %scan3A_287, %select_n3A_313 : vector<16xf32>
      %max3A_317 = arith.maximumf %scan3A_288, %min3A : vector<16xf32>
      %min3A_318 = arith.minimumf %scan3A_288, %min3A : vector<16xf32>
      %max3A_319 = arith.maximumf %scan3A_289, %min3A_318 : vector<16xf32>
      %min3A_320 = arith.minimumf %scan3A_289, %min3A_318 : vector<16xf32>
      %max3A_321 = arith.maximumf %scan3A_290, %min3A_320 : vector<16xf32>
      %min3A_322 = arith.minimumf %scan3A_290, %min3A_320 : vector<16xf32>
      %max3A_323 = arith.maximumf %scan3A_291, %min3A_322 : vector<16xf32>
      %min3A_324 = arith.minimumf %scan3A_291, %min3A_322 : vector<16xf32>
      %max3A_325 = arith.maximumf %scan3A_292, %min3A_324 : vector<16xf32>
      %min3A_326 = arith.minimumf %scan3A_292, %min3A_324 : vector<16xf32>
      %max3A_327 = arith.maximumf %scan3A_293, %min3A_326 : vector<16xf32>
      %min3A_328 = arith.minimumf %scan3A_293, %min3A_326 : vector<16xf32>
      %max3A_329 = arith.maximumf %scan3A_294, %min3A_328 : vector<16xf32>
      %min3A_330 = arith.minimumf %scan3A_294, %min3A_328 : vector<16xf32>
      %max3A_331 = arith.maximumf %scan3A_295, %min3A_330 : vector<16xf32>
      %min3A_332 = arith.minimumf %scan3A_295, %min3A_330 : vector<16xf32>
      %max3A_333 = arith.maximumf %scan3A_296, %min3A_332 : vector<16xf32>
      %min3A_334 = arith.minimumf %scan3A_296, %min3A_332 : vector<16xf32>
      %max3A_335 = arith.maximumf %scan3A_297, %min3A_334 : vector<16xf32>
      %min3A_336 = arith.minimumf %scan3A_297, %min3A_334 : vector<16xf32>
      %max3A_337 = arith.maximumf %scan3A_298, %min3A_336 : vector<16xf32>
      %min3A_338 = arith.minimumf %scan3A_298, %min3A_336 : vector<16xf32>
      %max3A_339 = arith.maximumf %scan3A_299, %min3A_338 : vector<16xf32>
      %min3A_340 = arith.minimumf %scan3A_299, %min3A_338 : vector<16xf32>
      %max3A_341 = arith.maximumf %scan3A_300, %min3A_340 : vector<16xf32>
      %min3A_342 = arith.minimumf %scan3A_300, %min3A_340 : vector<16xf32>
      %max3A_343 = arith.maximumf %scan3A_301, %min3A_342 : vector<16xf32>
      %min3A_344 = arith.minimumf %scan3A_301, %min3A_342 : vector<16xf32>
      %max3A_345 = arith.maximumf %scan3A_302, %min3A_344 : vector<16xf32>
      %min3A_346 = arith.minimumf %scan3A_302, %min3A_344 : vector<16xf32>
      scf.yield %add3A_315, %max3A_316, %max3A_317, %max3A_319, %max3A_321, %max3A_323, %max3A_325, %max3A_327, %max3A_329, %max3A_331, %max3A_333, %max3A_335, %max3A_337, %max3A_339, %max3A_341, %max3A_343, %max3A_345 : vector<16xf32>, vector<16xf32>, vector<16xf32>, vector<16xf32>, vector<16xf32>, vector<16xf32>, vector<16xf32>, vector<16xf32>, vector<16xf32>, vector<16xf32>, vector<16xf32>, vector<16xf32>, vector<16xf32>, vector<16xf32>, vector<16xf32>, vector<16xf32>, vector<16xf32>
    }
    %scan3A_64 = arith.constant 200 : i32
    %lt3A_65 = arith.constant 31 : i32
    %lt3A_66 = arith.cmpi slt, %add3A, %lt3A_65 : i32
    %convert_element_type3A_67 = arith.extui %lt3A_66 : i1 to i32
    %cond3A_68 = arith.constant 0 : i32
    %cond3A_69 = arith.cmpi ne, %convert_element_type3A_67, %cond3A_68 : i32
    %cond3A_70:17 = scf.if %cond3A_69 -> (vector<16xf32>, vector<16xf32>, vector<16xf32>, vector<16xf32>, vector<16xf32>, vector<16xf32>, vector<16xf32>, vector<16xf32>, vector<16xf32>, vector<16xf32>, vector<16xf32>, vector<16xf32>, vector<16xf32>, vector<16xf32>, vector<16xf32>, vector<16xf32>, vector<16xf32>) {
      %scan3A_285 = arith.constant 200 : i32
      %scan3A_286 = arith.constant 24 : i32
      %scan3A_287 = arith.addi %scan3A_285, %scan3A_286 : i32
      %scan3A_288 = arith.constant 1 : i32
      %scan3A_289:17 = scf.for %scan3A_291 = %scan3A_285 to %scan3A_287 step %scan3A_288 iter_args(%scan3A_292 = %scan3A_63#0, %scan3A_293 = %scan3A_63#1, %scan3A_294 = %scan3A_63#2, %scan3A_295 = %scan3A_63#3, %scan3A_296 = %scan3A_63#4, %scan3A_297 = %scan3A_63#5, %scan3A_298 = %scan3A_63#6, %scan3A_299 = %scan3A_63#7, %scan3A_300 = %scan3A_63#8, %scan3A_301 = %scan3A_63#9, %scan3A_302 = %scan3A_63#10, %scan3A_303 = %scan3A_63#11, %scan3A_304 = %scan3A_63#12, %scan3A_305 = %scan3A_63#13, %scan3A_306 = %scan3A_63#14, %scan3A_307 = %scan3A_63#15, %scan3A_308 = %scan3A_63#16) -> (vector<16xf32>, vector<16xf32>, vector<16xf32>, vector<16xf32>, vector<16xf32>, vector<16xf32>, vector<16xf32>, vector<16xf32>, vector<16xf32>, vector<16xf32>, vector<16xf32>, vector<16xf32>, vector<16xf32>, vector<16xf32>, vector<16xf32>, vector<16xf32>, vector<16xf32>)  : i32 {
        %mul3A_309 = arith.constant 16 : i32
        %mul3A_310 = arith.muli %scan3A_291, %mul3A_309 : i32
        %get3A = arith.index_cast %mul3A_310 : i32 to index
        %get3A_311 = tpu.vector_load %arg7[%get3A] {strides = array<i32>} : memref<3584xf32, #tpu.memory_space<vmem>>, vector<16xf32>,
        %get3A_312 = arith.index_cast %mul3A_310 : i32 to index
        %get3A_313 = tpu.vector_load %arg6[%get3A_312] {strides = array<i32>} : memref<3584xf32, #tpu.memory_space<vmem>>, vector<16xf32>,
        %sub3A = arith.subf %get3A_311, %get3A_313 : vector<16xf32>
        %abs3A = math.absf %sub3A : vector<16xf32>
        %eq3A = arith.constant 0x7F800000 : f32
        %eq3A_314 = vector.broadcast %eq3A : f32 to vector<16xf32>
        %eq3A_315 = arith.cmpf oeq, %abs3A, %eq3A_314 : vector<16xf32>
        %jit3A = arith.constant 0.000000e+00 : f32
        %broadcast_in_dim3A_316 = vector.broadcast %jit3A : f32 to vector<16xf32>
        %select_n3A = arith.select %eq3A_315, %broadcast_in_dim3A_316, %sub3A : vector<16xi1>, vector<16xf32>
        %ne3A = arith.cmpf one, %select_n3A, %select_n3A : vector<16xf32>
        %jit3A_317 = arith.constant 0.000000e+00 : f32
        %broadcast_in_dim3A_318 = vector.broadcast %jit3A_317 : f32 to vector<16xf32>
        %select_n3A_319 = arith.select %ne3A, %broadcast_in_dim3A_318, %select_n3A : vector<16xi1>, vector<16xf32>
        %mul3A_320 = arith.mulf %select_n3A_319, %select_n3A_319 : vector<16xf32>
        %add3A_321 = arith.addf %scan3A_292, %mul3A_320 : vector<16xf32>
        %max3A_322 = arith.maximumf %scan3A_293, %select_n3A_319 : vector<16xf32>
        %min3A = arith.minimumf %scan3A_293, %select_n3A_319 : vector<16xf32>
        %max3A_323 = arith.maximumf %scan3A_294, %min3A : vector<16xf32>
        %min3A_324 = arith.minimumf %scan3A_294, %min3A : vector<16xf32>
        %max3A_325 = arith.maximumf %scan3A_295, %min3A_324 : vector<16xf32>
        %min3A_326 = arith.minimumf %scan3A_295, %min3A_324 : vector<16xf32>
        %max3A_327 = arith.maximumf %scan3A_296, %min3A_326 : vector<16xf32>
        %min3A_328 = arith.minimumf %scan3A_296, %min3A_326 : vector<16xf32>
        %max3A_329 = arith.maximumf %scan3A_297, %min3A_328 : vector<16xf32>
        %min3A_330 = arith.minimumf %scan3A_297, %min3A_328 : vector<16xf32>
        %max3A_331 = arith.maximumf %scan3A_298, %min3A_330 : vector<16xf32>
        %min3A_332 = arith.minimumf %scan3A_298, %min3A_330 : vector<16xf32>
        %max3A_333 = arith.maximumf %scan3A_299, %min3A_332 : vector<16xf32>
        %min3A_334 = arith.minimumf %scan3A_299, %min3A_332 : vector<16xf32>
        %max3A_335 = arith.maximumf %scan3A_300, %min3A_334 : vector<16xf32>
        %min3A_336 = arith.minimumf %scan3A_300, %min3A_334 : vector<16xf32>
        %max3A_337 = arith.maximumf %scan3A_301, %min3A_336 : vector<16xf32>
        %min3A_338 = arith.minimumf %scan3A_301, %min3A_336 : vector<16xf32>
        %max3A_339 = arith.maximumf %scan3A_302, %min3A_338 : vector<16xf32>
        %min3A_340 = arith.minimumf %scan3A_302, %min3A_338 : vector<16xf32>
        %max3A_341 = arith.maximumf %scan3A_303, %min3A_340 : vector<16xf32>
        %min3A_342 = arith.minimumf %scan3A_303, %min3A_340 : vector<16xf32>
        %max3A_343 = arith.maximumf %scan3A_304, %min3A_342 : vector<16xf32>
        %min3A_344 = arith.minimumf %scan3A_304, %min3A_342 : vector<16xf32>
        %max3A_345 = arith.maximumf %scan3A_305, %min3A_344 : vector<16xf32>
        %min3A_346 = arith.minimumf %scan3A_305, %min3A_344 : vector<16xf32>
        %max3A_347 = arith.maximumf %scan3A_306, %min3A_346 : vector<16xf32>
        %min3A_348 = arith.minimumf %scan3A_306, %min3A_346 : vector<16xf32>
        %max3A_349 = arith.maximumf %scan3A_307, %min3A_348 : vector<16xf32>
        %min3A_350 = arith.minimumf %scan3A_307, %min3A_348 : vector<16xf32>
        %max3A_351 = arith.maximumf %scan3A_308, %min3A_350 : vector<16xf32>
        %min3A_352 = arith.minimumf %scan3A_308, %min3A_350 : vector<16xf32>
        scf.yield %add3A_321, %max3A_322, %max3A_323, %max3A_325, %max3A_327, %max3A_329, %max3A_331, %max3A_333, %max3A_335, %max3A_337, %max3A_339, %max3A_341, %max3A_343, %max3A_345, %max3A_347, %max3A_349, %max3A_351 : vector<16xf32>, vector<16xf32>, vector<16xf32>, vector<16xf32>, vector<16xf32>, vector<16xf32>, vector<16xf32>, vector<16xf32>, vector<16xf32>, vector<16xf32>, vector<16xf32>, vector<16xf32>, vector<16xf32>, vector<16xf32>, vector<16xf32>, vector<16xf32>, vector<16xf32>
      }
      %scan3A_290 = arith.constant 24 : i32
      scf.yield %scan3A_289#0, %scan3A_289#1, %scan3A_289#2, %scan3A_289#3, %scan3A_289#4, %scan3A_289#5, %scan3A_289#6, %scan3A_289#7, %scan3A_289#8, %scan3A_289#9, %scan3A_289#10, %scan3A_289#11, %scan3A_289#12, %scan3A_289#13, %scan3A_289#14, %scan3A_289#15, %scan3A_289#16 : vector<16xf32>, vector<16xf32>, vector<16xf32>, vector<16xf32>, vector<16xf32>, vector<16xf32>, vector<16xf32>, vector<16xf32>, vector<16xf32>, vector<16xf32>, vector<16xf32>, vector<16xf32>, vector<16xf32>, vector<16xf32>, vector<16xf32>, vector<16xf32>, vector<16xf32>
    } else {
      scf.yield %scan3A_63#0, %scan3A_63#1, %scan3A_63#2, %scan3A_63#3, %scan3A_63#4, %scan3A_63#5, %scan3A_63#6, %scan3A_63#7, %scan3A_63#8, %scan3A_63#9, %scan3A_63#10, %scan3A_63#11, %scan3A_63#12, %scan3A_63#13, %scan3A_63#14, %scan3A_63#15, %scan3A_63#16 : vector<16xf32>, vector<16xf32>, vector<16xf32>, vector<16xf32>, vector<16xf32>, vector<16xf32>, vector<16xf32>, vector<16xf32>, vector<16xf32>, vector<16xf32>, vector<16xf32>, vector<16xf32>, vector<16xf32>, vector<16xf32>, vector<16xf32>, vector<16xf32>, vector<16xf32>
    }
    %sort3A = arith.constant dense<true> : vector<16xi1>
    %sort3A_71, %sort3A_72, %sort3A_73 = tpu.sort %cond3A_70#1, %cond3A_70#1 masked %sort3A : (vector<16xf32>, vector<16xf32>, vector<16xi1>) -> (vector<16xi1>, vector<16xf32>, vector<16xf32>)
    %sort3A_74 = arith.constant dense<true> : vector<16xi1>
    %sort3A_75, %sort3A_76, %sort3A_77 = tpu.sort %cond3A_70#2, %cond3A_70#2 masked %sort3A_74 : (vector<16xf32>, vector<16xf32>, vector<16xi1>) -> (vector<16xi1>, vector<16xf32>, vector<16xf32>)
    %rev3A = arith.constant 15 : i32
    %rev3A_78 = vector.broadcast %rev3A : i32 to vector<16xi32>
    %rev3A_79 = tpu.iota {dimensions = array<i32: 0>} : vector<16xi32>
    %rev3A_80 = arith.subi %rev3A_78, %rev3A_79 : vector<16xi32>
    %rev3A_81 = tpu.dynamic_gather %sort3A_76[%rev3A_80] in [0] : vector<16xf32>, vector<16xi32> -> vector<16xf32>
    %max3A = arith.maximumf %sort3A_72, %rev3A_81 : vector<16xf32>
    %sort3A_82 = arith.constant dense<true> : vector<16xi1>
    %sort3A_83, %sort3A_84, %sort3A_85 = tpu.sort %max3A, %max3A masked %sort3A_82 : (vector<16xf32>, vector<16xf32>, vector<16xi1>) -> (vector<16xi1>, vector<16xf32>, vector<16xf32>)
    %sort3A_86 = arith.constant dense<true> : vector<16xi1>
    %sort3A_87, %sort3A_88, %sort3A_89 = tpu.sort %cond3A_70#3, %cond3A_70#3 masked %sort3A_86 : (vector<16xf32>, vector<16xf32>, vector<16xi1>) -> (vector<16xi1>, vector<16xf32>, vector<16xf32>)
    %rev3A_90 = arith.constant 15 : i32
    %rev3A_91 = vector.broadcast %rev3A_90 : i32 to vector<16xi32>
    %rev3A_92 = tpu.iota {dimensions = array<i32: 0>} : vector<16xi32>
    %rev3A_93 = arith.subi %rev3A_91, %rev3A_92 : vector<16xi32>
    %rev3A_94 = tpu.dynamic_gather %sort3A_88[%rev3A_93] in [0] : vector<16xf32>, vector<16xi32> -> vector<16xf32>
    %max3A_95 = arith.maximumf %sort3A_84, %rev3A_94 : vector<16xf32>
    %sort3A_96 = arith.constant dense<true> : vector<16xi1>
    %sort3A_97, %sort3A_98, %sort3A_99 = tpu.sort %max3A_95, %max3A_95 masked %sort3A_96 : (vector<16xf32>, vector<16xf32>, vector<16xi1>) -> (vector<16xi1>, vector<16xf32>, vector<16xf32>)
    %sort3A_100 = arith.constant dense<true> : vector<16xi1>
    %sort3A_101, %sort3A_102, %sort3A_103 = tpu.sort %cond3A_70#4, %cond3A_70#4 masked %sort3A_100 : (vector<16xf32>, vector<16xf32>, vector<16xi1>) -> (vector<16xi1>, vector<16xf32>, vector<16xf32>)
    %rev3A_104 = arith.constant 15 : i32
    %rev3A_105 = vector.broadcast %rev3A_104 : i32 to vector<16xi32>
    %rev3A_106 = tpu.iota {dimensions = array<i32: 0>} : vector<16xi32>
    %rev3A_107 = arith.subi %rev3A_105, %rev3A_106 : vector<16xi32>
    %rev3A_108 = tpu.dynamic_gather %sort3A_102[%rev3A_107] in [0] : vector<16xf32>, vector<16xi32> -> vector<16xf32>
    %max3A_109 = arith.maximumf %sort3A_98, %rev3A_108 : vector<16xf32>
    %sort3A_110 = arith.constant dense<true> : vector<16xi1>
    %sort3A_111, %sort3A_112, %sort3A_113 = tpu.sort %max3A_109, %max3A_109 masked %sort3A_110 : (vector<16xf32>, vector<16xf32>, vector<16xi1>) -> (vector<16xi1>, vector<16xf32>, vector<16xf32>)
    %sort3A_114 = arith.constant dense<true> : vector<16xi1>
    %sort3A_115, %sort3A_116, %sort3A_117 = tpu.sort %cond3A_70#5, %cond3A_70#5 masked %sort3A_114 : (vector<16xf32>, vector<16xf32>, vector<16xi1>) -> (vector<16xi1>, vector<16xf32>, vector<16xf32>)
    %rev3A_118 = arith.constant 15 : i32
    %rev3A_119 = vector.broadcast %rev3A_118 : i32 to vector<16xi32>
    %rev3A_120 = tpu.iota {dimensions = array<i32: 0>} : vector<16xi32>
    %rev3A_121 = arith.subi %rev3A_119, %rev3A_120 : vector<16xi32>
    %rev3A_122 = tpu.dynamic_gather %sort3A_116[%rev3A_121] in [0] : vector<16xf32>, vector<16xi32> -> vector<16xf32>
    %max3A_123 = arith.maximumf %sort3A_112, %rev3A_122 : vector<16xf32>
    %sort3A_124 = arith.constant dense<true> : vector<16xi1>
    %sort3A_125, %sort3A_126, %sort3A_127 = tpu.sort %max3A_123, %max3A_123 masked %sort3A_124 : (vector<16xf32>, vector<16xf32>, vector<16xi1>) -> (vector<16xi1>, vector<16xf32>, vector<16xf32>)
    %sort3A_128 = arith.constant dense<true> : vector<16xi1>
    %sort3A_129, %sort3A_130, %sort3A_131 = tpu.sort %cond3A_70#6, %cond3A_70#6 masked %sort3A_128 : (vector<16xf32>, vector<16xf32>, vector<16xi1>) -> (vector<16xi1>, vector<16xf32>, vector<16xf32>)
    %rev3A_132 = arith.constant 15 : i32
    %rev3A_133 = vector.broadcast %rev3A_132 : i32 to vector<16xi32>
    %rev3A_134 = tpu.iota {dimensions = array<i32: 0>} : vector<16xi32>
    %rev3A_135 = arith.subi %rev3A_133, %rev3A_134 : vector<16xi32>
    %rev3A_136 = tpu.dynamic_gather %sort3A_130[%rev3A_135] in [0] : vector<16xf32>, vector<16xi32> -> vector<16xf32>
    %max3A_137 = arith.maximumf %sort3A_126, %rev3A_136 : vector<16xf32>
    %sort3A_138 = arith.constant dense<true> : vector<16xi1>
    %sort3A_139, %sort3A_140, %sort3A_141 = tpu.sort %max3A_137, %max3A_137 masked %sort3A_138 : (vector<16xf32>, vector<16xf32>, vector<16xi1>) -> (vector<16xi1>, vector<16xf32>, vector<16xf32>)
    %sort3A_142 = arith.constant dense<true> : vector<16xi1>
    %sort3A_143, %sort3A_144, %sort3A_145 = tpu.sort %cond3A_70#7, %cond3A_70#7 masked %sort3A_142 : (vector<16xf32>, vector<16xf32>, vector<16xi1>) -> (vector<16xi1>, vector<16xf32>, vector<16xf32>)
    %rev3A_146 = arith.constant 15 : i32
    %rev3A_147 = vector.broadcast %rev3A_146 : i32 to vector<16xi32>
    %rev3A_148 = tpu.iota {dimensions = array<i32: 0>} : vector<16xi32>
    %rev3A_149 = arith.subi %rev3A_147, %rev3A_148 : vector<16xi32>
    %rev3A_150 = tpu.dynamic_gather %sort3A_144[%rev3A_149] in [0] : vector<16xf32>, vector<16xi32> -> vector<16xf32>
    %max3A_151 = arith.maximumf %sort3A_140, %rev3A_150 : vector<16xf32>
    %sort3A_152 = arith.constant dense<true> : vector<16xi1>
    %sort3A_153, %sort3A_154, %sort3A_155 = tpu.sort %max3A_151, %max3A_151 masked %sort3A_152 : (vector<16xf32>, vector<16xf32>, vector<16xi1>) -> (vector<16xi1>, vector<16xf32>, vector<16xf32>)
    %sort3A_156 = arith.constant dense<true> : vector<16xi1>
    %sort3A_157, %sort3A_158, %sort3A_159 = tpu.sort %cond3A_70#8, %cond3A_70#8 masked %sort3A_156 : (vector<16xf32>, vector<16xf32>, vector<16xi1>) -> (vector<16xi1>, vector<16xf32>, vector<16xf32>)
    %rev3A_160 = arith.constant 15 : i32
    %rev3A_161 = vector.broadcast %rev3A_160 : i32 to vector<16xi32>
    %rev3A_162 = tpu.iota {dimensions = array<i32: 0>} : vector<16xi32>
    %rev3A_163 = arith.subi %rev3A_161, %rev3A_162 : vector<16xi32>
    %rev3A_164 = tpu.dynamic_gather %sort3A_158[%rev3A_163] in [0] : vector<16xf32>, vector<16xi32> -> vector<16xf32>
    %max3A_165 = arith.maximumf %sort3A_154, %rev3A_164 : vector<16xf32>
    %sort3A_166 = arith.constant dense<true> : vector<16xi1>
    %sort3A_167, %sort3A_168, %sort3A_169 = tpu.sort %max3A_165, %max3A_165 masked %sort3A_166 : (vector<16xf32>, vector<16xf32>, vector<16xi1>) -> (vector<16xi1>, vector<16xf32>, vector<16xf32>)
    %sort3A_170 = arith.constant dense<true> : vector<16xi1>
    %sort3A_171, %sort3A_172, %sort3A_173 = tpu.sort %cond3A_70#9, %cond3A_70#9 masked %sort3A_170 : (vector<16xf32>, vector<16xf32>, vector<16xi1>) -> (vector<16xi1>, vector<16xf32>, vector<16xf32>)
    %rev3A_174 = arith.constant 15 : i32
    %rev3A_175 = vector.broadcast %rev3A_174 : i32 to vector<16xi32>
    %rev3A_176 = tpu.iota {dimensions = array<i32: 0>} : vector<16xi32>
    %rev3A_177 = arith.subi %rev3A_175, %rev3A_176 : vector<16xi32>
    %rev3A_178 = tpu.dynamic_gather %sort3A_172[%rev3A_177] in [0] : vector<16xf32>, vector<16xi32> -> vector<16xf32>
    %max3A_179 = arith.maximumf %sort3A_168, %rev3A_178 : vector<16xf32>
    %sort3A_180 = arith.constant dense<true> : vector<16xi1>
    %sort3A_181, %sort3A_182, %sort3A_183 = tpu.sort %max3A_179, %max3A_179 masked %sort3A_180 : (vector<16xf32>, vector<16xf32>, vector<16xi1>) -> (vector<16xi1>, vector<16xf32>, vector<16xf32>)
    %sort3A_184 = arith.constant dense<true> : vector<16xi1>
    %sort3A_185, %sort3A_186, %sort3A_187 = tpu.sort %cond3A_70#10, %cond3A_70#10 masked %sort3A_184 : (vector<16xf32>, vector<16xf32>, vector<16xi1>) -> (vector<16xi1>, vector<16xf32>, vector<16xf32>)
    %rev3A_188 = arith.constant 15 : i32
    %rev3A_189 = vector.broadcast %rev3A_188 : i32 to vector<16xi32>
    %rev3A_190 = tpu.iota {dimensions = array<i32: 0>} : vector<16xi32>
    %rev3A_191 = arith.subi %rev3A_189, %rev3A_190 : vector<16xi32>
    %rev3A_192 = tpu.dynamic_gather %sort3A_186[%rev3A_191] in [0] : vector<16xf32>, vector<16xi32> -> vector<16xf32>
    %max3A_193 = arith.maximumf %sort3A_182, %rev3A_192 : vector<16xf32>
    %sort3A_194 = arith.constant dense<true> : vector<16xi1>
    %sort3A_195, %sort3A_196, %sort3A_197 = tpu.sort %max3A_193, %max3A_193 masked %sort3A_194 : (vector<16xf32>, vector<16xf32>, vector<16xi1>) -> (vector<16xi1>, vector<16xf32>, vector<16xf32>)
    %sort3A_198 = arith.constant dense<true> : vector<16xi1>
    %sort3A_199, %sort3A_200, %sort3A_201 = tpu.sort %cond3A_70#11, %cond3A_70#11 masked %sort3A_198 : (vector<16xf32>, vector<16xf32>, vector<16xi1>) -> (vector<16xi1>, vector<16xf32>, vector<16xf32>)
    %rev3A_202 = arith.constant 15 : i32
    %rev3A_203 = vector.broadcast %rev3A_202 : i32 to vector<16xi32>
    %rev3A_204 = tpu.iota {dimensions = array<i32: 0>} : vector<16xi32>
    %rev3A_205 = arith.subi %rev3A_203, %rev3A_204 : vector<16xi32>
    %rev3A_206 = tpu.dynamic_gather %sort3A_200[%rev3A_205] in [0] : vector<16xf32>, vector<16xi32> -> vector<16xf32>
    %max3A_207 = arith.maximumf %sort3A_196, %rev3A_206 : vector<16xf32>
    %sort3A_208 = arith.constant dense<true> : vector<16xi1>
    %sort3A_209, %sort3A_210, %sort3A_211 = tpu.sort %max3A_207, %max3A_207 masked %sort3A_208 : (vector<16xf32>, vector<16xf32>, vector<16xi1>) -> (vector<16xi1>, vector<16xf32>, vector<16xf32>)
    %sort3A_212 = arith.constant dense<true> : vector<16xi1>
    %sort3A_213, %sort3A_214, %sort3A_215 = tpu.sort %cond3A_70#12, %cond3A_70#12 masked %sort3A_212 : (vector<16xf32>, vector<16xf32>, vector<16xi1>) -> (vector<16xi1>, vector<16xf32>, vector<16xf32>)
    %rev3A_216 = arith.constant 15 : i32
    %rev3A_217 = vector.broadcast %rev3A_216 : i32 to vector<16xi32>
    %rev3A_218 = tpu.iota {dimensions = array<i32: 0>} : vector<16xi32>
    %rev3A_219 = arith.subi %rev3A_217, %rev3A_218 : vector<16xi32>
    %rev3A_220 = tpu.dynamic_gather %sort3A_214[%rev3A_219] in [0] : vector<16xf32>, vector<16xi32> -> vector<16xf32>
    %max3A_221 = arith.maximumf %sort3A_210, %rev3A_220 : vector<16xf32>
    %sort3A_222 = arith.constant dense<true> : vector<16xi1>
    %sort3A_223, %sort3A_224, %sort3A_225 = tpu.sort %max3A_221, %max3A_221 masked %sort3A_222 : (vector<16xf32>, vector<16xf32>, vector<16xi1>) -> (vector<16xi1>, vector<16xf32>, vector<16xf32>)
    %sort3A_226 = arith.constant dense<true> : vector<16xi1>
    %sort3A_227, %sort3A_228, %sort3A_229 = tpu.sort %cond3A_70#13, %cond3A_70#13 masked %sort3A_226 : (vector<16xf32>, vector<16xf32>, vector<16xi1>) -> (vector<16xi1>, vector<16xf32>, vector<16xf32>)
    %rev3A_230 = arith.constant 15 : i32
    %rev3A_231 = vector.broadcast %rev3A_230 : i32 to vector<16xi32>
    %rev3A_232 = tpu.iota {dimensions = array<i32: 0>} : vector<16xi32>
    %rev3A_233 = arith.subi %rev3A_231, %rev3A_232 : vector<16xi32>
    %rev3A_234 = tpu.dynamic_gather %sort3A_228[%rev3A_233] in [0] : vector<16xf32>, vector<16xi32> -> vector<16xf32>
    %max3A_235 = arith.maximumf %sort3A_224, %rev3A_234 : vector<16xf32>
    %sort3A_236 = arith.constant dense<true> : vector<16xi1>
    %sort3A_237, %sort3A_238, %sort3A_239 = tpu.sort %max3A_235, %max3A_235 masked %sort3A_236 : (vector<16xf32>, vector<16xf32>, vector<16xi1>) -> (vector<16xi1>, vector<16xf32>, vector<16xf32>)
    %sort3A_240 = arith.constant dense<true> : vector<16xi1>
    %sort3A_241, %sort3A_242, %sort3A_243 = tpu.sort %cond3A_70#14, %cond3A_70#14 masked %sort3A_240 : (vector<16xf32>, vector<16xf32>, vector<16xi1>) -> (vector<16xi1>, vector<16xf32>, vector<16xf32>)
    %rev3A_244 = arith.constant 15 : i32
    %rev3A_245 = vector.broadcast %rev3A_244 : i32 to vector<16xi32>
    %rev3A_246 = tpu.iota {dimensions = array<i32: 0>} : vector<16xi32>
    %rev3A_247 = arith.subi %rev3A_245, %rev3A_246 : vector<16xi32>
    %rev3A_248 = tpu.dynamic_gather %sort3A_242[%rev3A_247] in [0] : vector<16xf32>, vector<16xi32> -> vector<16xf32>
    %max3A_249 = arith.maximumf %sort3A_238, %rev3A_248 : vector<16xf32>
    %sort3A_250 = arith.constant dense<true> : vector<16xi1>
    %sort3A_251, %sort3A_252, %sort3A_253 = tpu.sort %max3A_249, %max3A_249 masked %sort3A_250 : (vector<16xf32>, vector<16xf32>, vector<16xi1>) -> (vector<16xi1>, vector<16xf32>, vector<16xf32>)
    %sort3A_254 = arith.constant dense<true> : vector<16xi1>
    %sort3A_255, %sort3A_256, %sort3A_257 = tpu.sort %cond3A_70#15, %cond3A_70#15 masked %sort3A_254 : (vector<16xf32>, vector<16xf32>, vector<16xi1>) -> (vector<16xi1>, vector<16xf32>, vector<16xf32>)
    %rev3A_258 = arith.constant 15 : i32
    %rev3A_259 = vector.broadcast %rev3A_258 : i32 to vector<16xi32>
    %rev3A_260 = tpu.iota {dimensions = array<i32: 0>} : vector<16xi32>
    %rev3A_261 = arith.subi %rev3A_259, %rev3A_260 : vector<16xi32>
    %rev3A_262 = tpu.dynamic_gather %sort3A_256[%rev3A_261] in [0] : vector<16xf32>, vector<16xi32> -> vector<16xf32>
    %max3A_263 = arith.maximumf %sort3A_252, %rev3A_262 : vector<16xf32>
    %sort3A_264 = arith.constant dense<true> : vector<16xi1>
    %sort3A_265, %sort3A_266, %sort3A_267 = tpu.sort %max3A_263, %max3A_263 masked %sort3A_264 : (vector<16xf32>, vector<16xf32>, vector<16xi1>) -> (vector<16xi1>, vector<16xf32>, vector<16xf32>)
    %sort3A_268 = arith.constant dense<true> : vector<16xi1>
    %sort3A_269, %sort3A_270, %sort3A_271 = tpu.sort %cond3A_70#16, %cond3A_70#16 masked %sort3A_268 : (vector<16xf32>, vector<16xf32>, vector<16xi1>) -> (vector<16xi1>, vector<16xf32>, vector<16xf32>)
    %rev3A_272 = arith.constant 15 : i32
    %rev3A_273 = vector.broadcast %rev3A_272 : i32 to vector<16xi32>
    %rev3A_274 = tpu.iota {dimensions = array<i32: 0>} : vector<16xi32>
    %rev3A_275 = arith.subi %rev3A_273, %rev3A_274 : vector<16xi32>
    %rev3A_276 = tpu.dynamic_gather %sort3A_270[%rev3A_275] in [0] : vector<16xf32>, vector<16xi32> -> vector<16xf32>
    %max3A_277 = arith.maximumf %sort3A_266, %rev3A_276 : vector<16xf32>
    %sort3A_278 = arith.constant dense<true> : vector<16xi1>
    %sort3A_279, %sort3A_280, %sort3A_281 = tpu.sort %max3A_277, %max3A_277 masked %sort3A_278 : (vector<16xf32>, vector<16xf32>, vector<16xi1>) -> (vector<16xi1>, vector<16xf32>, vector<16xf32>)
    %swap3A = arith.constant 0 : index
    %swap3A_282 = tpu.vector_load %arg9[%swap3A] {strides = array<i32>} : memref<16xf32, #tpu.memory_space<vmem>>, vector<16xf32>,
    tpu.vector_store %arg9[%swap3A], %cond3A_70#0 {strides = array<i32>} : memref<16xf32, #tpu.memory_space<vmem>>, vector<16xf32>,
    %swap3A_283 = arith.constant 0 : index
    %swap3A_284 = tpu.vector_load %arg8[%swap3A_283] {strides = array<i32>} : memref<16xf32, #tpu.memory_space<vmem>>, vector<16xf32>,
    tpu.vector_store %arg8[%swap3A_283], %sort3A_280 {strides = array<i32>} : memref<16xf32, #tpu.memory_space<vmem>>, vector<16xf32>,
    "tpu.region"() ({
      %run_scoped3A = tpu.sem_alloc : memref<!tpu.dma_semaphore, #tpu.memory_space<semaphore_mem>>
      %dma_start3A_285 = arith.constant 0 : i32
      %dma_start3A_286 = tpu.memref_slice %arg4[%add3A, %dma_start3A_285] : memref<32x16xf32, #tpu.memory_space<hbm>> -> memref<1x16xf32, #tpu.memory_space<hbm>>
      %dma_start3A_287 = tpu.memref_squeeze %dma_start3A_286 : memref<1x16xf32, #tpu.memory_space<hbm>> -> memref<16xf32, #tpu.memory_space<hbm>>
      %dma_start3A_288 = arith.constant 0 : i32
      %dma_start3A_289 = tpu.memref_slice %arg4[%add3A, %dma_start3A_288] : memref<32x16xf32, #tpu.memory_space<hbm>> -> memref<1x16xf32, #tpu.memory_space<hbm>>
      %dma_start3A_290 = tpu.memref_squeeze %dma_start3A_289 : memref<1x16xf32, #tpu.memory_space<hbm>> -> memref<16xf32, #tpu.memory_space<hbm>>
      tpu.enqueue_dma source(%arg8 : memref<16xf32, #tpu.memory_space<vmem>>) target(%dma_start3A_290 : memref<16xf32, #tpu.memory_space<hbm>>) target_semaphore(%run_scoped3A : memref<!tpu.dma_semaphore, #tpu.memory_space<semaphore_mem>>)
      %dma_wait3A_291 = arith.constant 0 : i32
      %dma_wait3A_292 = tpu.memref_slice %arg4[%add3A, %dma_wait3A_291] : memref<32x16xf32, #tpu.memory_space<hbm>> -> memref<1x16xf32, #tpu.memory_space<hbm>>
      %dma_wait3A_293 = tpu.memref_squeeze %dma_wait3A_292 : memref<1x16xf32, #tpu.memory_space<hbm>> -> memref<16xf32, #tpu.memory_space<hbm>>
      %dma_wait3A_294 = arith.constant 0 : i32
      %dma_wait3A_295 = tpu.memref_slice %arg4[%add3A, %dma_wait3A_294] : memref<32x16xf32, #tpu.memory_space<hbm>> -> memref<1x16xf32, #tpu.memory_space<hbm>>
      %dma_wait3A_296 = tpu.memref_squeeze %dma_wait3A_295 : memref<1x16xf32, #tpu.memory_space<hbm>> -> memref<16xf32, #tpu.memory_space<hbm>>
      tpu.wait_dma2 semaphore(%run_scoped3A : memref<!tpu.dma_semaphore, #tpu.memory_space<semaphore_mem>>) src(%arg8 : memref<16xf32, #tpu.memory_space<vmem>>) dst(%dma_wait3A_296 : memref<16xf32, #tpu.memory_space<hbm>>)
      tpu.yield
    }) : () -> ()
    "tpu.region"() ({
      %run_scoped3A = tpu.sem_alloc : memref<!tpu.dma_semaphore, #tpu.memory_space<semaphore_mem>>
      %dma_start3A_285 = arith.constant 0 : i32
      %dma_start3A_286 = tpu.memref_slice %arg5[%add3A, %dma_start3A_285] : memref<32x16xf32, #tpu.memory_space<hbm>> -> memref<1x16xf32, #tpu.memory_space<hbm>>
      %dma_start3A_287 = tpu.memref_squeeze %dma_start3A_286 : memref<1x16xf32, #tpu.memory_space<hbm>> -> memref<16xf32, #tpu.memory_space<hbm>>
      %dma_start3A_288 = arith.constant 0 : i32
      %dma_start3A_289 = tpu.memref_slice %arg5[%add3A, %dma_start3A_288] : memref<32x16xf32, #tpu.memory_space<hbm>> -> memref<1x16xf32, #tpu.memory_space<hbm>>
      %dma_start3A_290 = tpu.memref_squeeze %dma_start3A_289 : memref<1x16xf32, #tpu.memory_space<hbm>> -> memref<16xf32, #tpu.memory_space<hbm>>
      tpu.enqueue_dma source(%arg9 : memref<16xf32, #tpu.memory_space<vmem>>) target(%dma_start3A_290 : memref<16xf32, #tpu.memory_space<hbm>>) target_semaphore(%run_scoped3A : memref<!tpu.dma_semaphore, #tpu.memory_space<semaphore_mem>>)
      %dma_wait3A_291 = arith.constant 0 : i32
      %dma_wait3A_292 = tpu.memref_slice %arg5[%add3A, %dma_wait3A_291] : memref<32x16xf32, #tpu.memory_space<hbm>> -> memref<1x16xf32, #tpu.memory_space<hbm>>
      %dma_wait3A_293 = tpu.memref_squeeze %dma_wait3A_292 : memref<1x16xf32, #tpu.memory_space<hbm>> -> memref<16xf32, #tpu.memory_space<hbm>>
      %dma_wait3A_294 = arith.constant 0 : i32
      %dma_wait3A_295 = tpu.memref_slice %arg5[%add3A, %dma_wait3A_294] : memref<32x16xf32, #tpu.memory_space<hbm>> -> memref<1x16xf32, #tpu.memory_space<hbm>>
      %dma_wait3A_296 = tpu.memref_squeeze %dma_wait3A_295 : memref<1x16xf32, #tpu.memory_space<hbm>> -> memref<16xf32, #tpu.memory_space<hbm>>
      tpu.wait_dma2 semaphore(%run_scoped3A : memref<!tpu.dma_semaphore, #tpu.memory_space<semaphore_mem>>) src(%arg9 : memref<16xf32, #tpu.memory_space<vmem>>) dst(%dma_wait3A_296 : memref<16xf32, #tpu.memory_space<hbm>>)
      tpu.yield
    }) : () -> ()
    return
  }
}

#map = affine_map<(d0, d1) -> (0)>
module attributes {stable_mosaic.version = 14 : i64} {
  func.func @_final_kernel(%arg0: i32, %arg1: i32, %arg2: memref<25632xf32, #tpu.memory_space<hbm>>, %arg3: memref<25632xf32, #tpu.memory_space<hbm>>, %arg4: memref<512xf32, #tpu.memory_space<hbm>>, %arg5: memref<512xf32, #tpu.memory_space<hbm>>, %arg6: memref<512xf32, #tpu.memory_space<hbm>>, %arg7: memref<512xf32, #tpu.memory_space<hbm>>, %arg8: memref<16xf32, #tpu.memory_space<hbm>>, %arg9: memref<1616xf32, #tpu.memory_space<vmem>>, %arg10: memref<1616xf32, #tpu.memory_space<vmem>>, %arg11: memref<1024xf32, #tpu.memory_space<vmem>>, %arg12: memref<1024xf32, #tpu.memory_space<vmem>>, %arg13: memref<16x32xf32, #tpu.memory_space<vmem>>, %arg14: memref<16x32xf32, #tpu.memory_space<vmem_shared>>, %arg15: memref<32xf32, #tpu.memory_space<vmem>>, %arg16: memref<16xf32, #tpu.memory_space<vmem>>, %arg17: memref<!tpu.dma_semaphore, #tpu.memory_space<semaphore_mem>>, %arg18: memref<!tpu.dma_semaphore, #tpu.memory_space<semaphore_mem>>) attributes {dimension_semantics = [#tpu.dimension_semantics<core_parallel>, #tpu.dimension_semantics<subcore_parallel>], iteration_bounds = array<i64: 1, 16>, scalar_prefetch = 0 : i64, scratch_operands = 10 : i64, tpu.core_type = #tpu.core_type<sc_vector_subcore>, window_params = [{transform_indices = #map}, {transform_indices = #map}, {transform_indices = #map}, {transform_indices = #map}, {transform_indices = #map}, {transform_indices = #map}, {transform_indices = #map}]} {
    %eq3A = arith.constant 0 : i32
    %eq3A_0 = arith.cmpi eq, %arg1, %eq3A : i32
    %convert_element_type3A = arith.extui %eq3A_0 : i1 to i32
    %cond3A = arith.constant 0 : i32
    %cond3A_1 = arith.cmpi ne, %convert_element_type3A, %cond3A : i32
    scf.if %cond3A_1 {
      %dma_start3A_292 = arith.constant 0 : i32
      %dma_start3A_293 = tpu.memref_slice %arg11[%dma_start3A_292] : memref<1024xf32, #tpu.memory_space<vmem>> -> memref<512xf32, #tpu.memory_space<vmem>>
      %dma_start3A_294 = arith.constant 0 : i32
      %dma_start3A_295 = tpu.memref_slice %arg11[%dma_start3A_294] : memref<1024xf32, #tpu.memory_space<vmem>> -> memref<512xf32, #tpu.memory_space<vmem>>
      tpu.enqueue_dma source(%arg4 : memref<512xf32, #tpu.memory_space<hbm>>) target(%dma_start3A_295 : memref<512xf32, #tpu.memory_space<vmem>>) target_semaphore(%arg18 : memref<!tpu.dma_semaphore, #tpu.memory_space<semaphore_mem>>)
      %dma_start3A_296 = arith.constant 512 : i32
      %dma_start3A_297 = tpu.memref_slice %arg11[%dma_start3A_296] : memref<1024xf32, #tpu.memory_space<vmem>> -> memref<512xf32, #tpu.memory_space<vmem>>
      %dma_start3A_298 = arith.constant 512 : i32
      %dma_start3A_299 = tpu.memref_slice %arg11[%dma_start3A_298] : memref<1024xf32, #tpu.memory_space<vmem>> -> memref<512xf32, #tpu.memory_space<vmem>>
      tpu.enqueue_dma source(%arg6 : memref<512xf32, #tpu.memory_space<hbm>>) target(%dma_start3A_299 : memref<512xf32, #tpu.memory_space<vmem>>) target_semaphore(%arg18 : memref<!tpu.dma_semaphore, #tpu.memory_space<semaphore_mem>>)
      %dma_start3A_300 = arith.constant 0 : i32
      %dma_start3A_301 = tpu.memref_slice %arg12[%dma_start3A_300] : memref<1024xf32, #tpu.memory_space<vmem>> -> memref<512xf32, #tpu.memory_space<vmem>>
      %dma_start3A_302 = arith.constant 0 : i32
      %dma_start3A_303 = tpu.memref_slice %arg12[%dma_start3A_302] : memref<1024xf32, #tpu.memory_space<vmem>> -> memref<512xf32, #tpu.memory_space<vmem>>
      tpu.enqueue_dma source(%arg5 : memref<512xf32, #tpu.memory_space<hbm>>) target(%dma_start3A_303 : memref<512xf32, #tpu.memory_space<vmem>>) target_semaphore(%arg18 : memref<!tpu.dma_semaphore, #tpu.memory_space<semaphore_mem>>)
      %dma_start3A_304 = arith.constant 512 : i32
      %dma_start3A_305 = tpu.memref_slice %arg12[%dma_start3A_304] : memref<1024xf32, #tpu.memory_space<vmem>> -> memref<512xf32, #tpu.memory_space<vmem>>
      %dma_start3A_306 = arith.constant 512 : i32
      %dma_start3A_307 = tpu.memref_slice %arg12[%dma_start3A_306] : memref<1024xf32, #tpu.memory_space<vmem>> -> memref<512xf32, #tpu.memory_space<vmem>>
      tpu.enqueue_dma source(%arg7 : memref<512xf32, #tpu.memory_space<hbm>>) target(%dma_start3A_307 : memref<512xf32, #tpu.memory_space<vmem>>) target_semaphore(%arg18 : memref<!tpu.dma_semaphore, #tpu.memory_space<semaphore_mem>>)
    } else {
    }
    %mul3A = arith.constant 1616 : i32
    %mul3A_2 = arith.muli %arg1, %mul3A : i32
    %dma_start3A = arith.constant 0 : i32
    %dma_start3A_3 = tpu.memref_slice %arg9[%dma_start3A] : memref<1616xf32, #tpu.memory_space<vmem>> -> memref<1392xf32, #tpu.memory_space<vmem>>
    %dma_start3A_4 = tpu.memref_slice %arg2[%mul3A_2] : memref<25632xf32, #tpu.memory_space<hbm>> -> memref<1392xf32, #tpu.memory_space<hbm>>
    %dma_start3A_5 = arith.constant 0 : i32
    %dma_start3A_6 = tpu.memref_slice %arg9[%dma_start3A_5] : memref<1616xf32, #tpu.memory_space<vmem>> -> memref<1392xf32, #tpu.memory_space<vmem>>
    %dma_start3A_7 = tpu.memref_slice %arg2[%mul3A_2] : memref<25632xf32, #tpu.memory_space<hbm>> -> memref<1392xf32, #tpu.memory_space<hbm>>
    tpu.enqueue_dma source(%dma_start3A_7 : memref<1392xf32, #tpu.memory_space<hbm>>) target(%dma_start3A_6 : memref<1392xf32, #tpu.memory_space<vmem>>) target_semaphore(%arg17 : memref<!tpu.dma_semaphore, #tpu.memory_space<semaphore_mem>>)
    %dma_start3A_8 = arith.constant 0 : i32
    %dma_start3A_9 = tpu.memref_slice %arg10[%dma_start3A_8] : memref<1616xf32, #tpu.memory_space<vmem>> -> memref<1392xf32, #tpu.memory_space<vmem>>
    %dma_start3A_10 = tpu.memref_slice %arg3[%mul3A_2] : memref<25632xf32, #tpu.memory_space<hbm>> -> memref<1392xf32, #tpu.memory_space<hbm>>
    %dma_start3A_11 = arith.constant 0 : i32
    %dma_start3A_12 = tpu.memref_slice %arg10[%dma_start3A_11] : memref<1616xf32, #tpu.memory_space<vmem>> -> memref<1392xf32, #tpu.memory_space<vmem>>
    %dma_start3A_13 = tpu.memref_slice %arg3[%mul3A_2] : memref<25632xf32, #tpu.memory_space<hbm>> -> memref<1392xf32, #tpu.memory_space<hbm>>
    tpu.enqueue_dma source(%dma_start3A_13 : memref<1392xf32, #tpu.memory_space<hbm>>) target(%dma_start3A_12 : memref<1392xf32, #tpu.memory_space<vmem>>) target_semaphore(%arg17 : memref<!tpu.dma_semaphore, #tpu.memory_space<semaphore_mem>>)
    %lt3A = arith.constant 15 : i32
    %lt3A_14 = arith.cmpi slt, %arg1, %lt3A : i32
    %convert_element_type3A_15 = arith.extui %lt3A_14 : i1 to i32
    %cond3A_16 = arith.constant 0 : i32
    %cond3A_17 = arith.cmpi ne, %convert_element_type3A_15, %cond3A_16 : i32
    scf.if %cond3A_17 {
      %add3A = arith.constant 1392 : i32
      %add3A_292 = arith.addi %mul3A_2, %add3A : i32
      %dma_start3A_293 = arith.constant 1392 : i32
      %dma_start3A_294 = tpu.memref_slice %arg9[%dma_start3A_293] : memref<1616xf32, #tpu.memory_space<vmem>> -> memref<224xf32, #tpu.memory_space<vmem>>
      %dma_start3A_295 = tpu.memref_slice %arg2[%add3A_292] : memref<25632xf32, #tpu.memory_space<hbm>> -> memref<224xf32, #tpu.memory_space<hbm>>
      %dma_start3A_296 = arith.constant 1392 : i32
      %dma_start3A_297 = tpu.memref_slice %arg9[%dma_start3A_296] : memref<1616xf32, #tpu.memory_space<vmem>> -> memref<224xf32, #tpu.memory_space<vmem>>
      %dma_start3A_298 = tpu.memref_slice %arg2[%add3A_292] : memref<25632xf32, #tpu.memory_space<hbm>> -> memref<224xf32, #tpu.memory_space<hbm>>
      tpu.enqueue_dma source(%dma_start3A_298 : memref<224xf32, #tpu.memory_space<hbm>>) target(%dma_start3A_297 : memref<224xf32, #tpu.memory_space<vmem>>) target_semaphore(%arg17 : memref<!tpu.dma_semaphore, #tpu.memory_space<semaphore_mem>>)
      %add3A_299 = arith.constant 1392 : i32
      %add3A_300 = arith.addi %mul3A_2, %add3A_299 : i32
      %dma_start3A_301 = arith.constant 1392 : i32
      %dma_start3A_302 = tpu.memref_slice %arg10[%dma_start3A_301] : memref<1616xf32, #tpu.memory_space<vmem>> -> memref<224xf32, #tpu.memory_space<vmem>>
      %dma_start3A_303 = tpu.memref_slice %arg3[%add3A_300] : memref<25632xf32, #tpu.memory_space<hbm>> -> memref<224xf32, #tpu.memory_space<hbm>>
      %dma_start3A_304 = arith.constant 1392 : i32
      %dma_start3A_305 = tpu.memref_slice %arg10[%dma_start3A_304] : memref<1616xf32, #tpu.memory_space<vmem>> -> memref<224xf32, #tpu.memory_space<vmem>>
      %dma_start3A_306 = tpu.memref_slice %arg3[%add3A_300] : memref<25632xf32, #tpu.memory_space<hbm>> -> memref<224xf32, #tpu.memory_space<hbm>>
      tpu.enqueue_dma source(%dma_start3A_306 : memref<224xf32, #tpu.memory_space<hbm>>) target(%dma_start3A_305 : memref<224xf32, #tpu.memory_space<vmem>>) target_semaphore(%arg17 : memref<!tpu.dma_semaphore, #tpu.memory_space<semaphore_mem>>)
      %dma_wait3A_307 = arith.constant 1392 : i32
      %dma_wait3A_308 = tpu.memref_slice %arg9[%dma_wait3A_307] : memref<1616xf32, #tpu.memory_space<vmem>> -> memref<224xf32, #tpu.memory_space<vmem>>
      %dma_wait3A_309 = tpu.memref_slice %arg2[%add3A_292] : memref<25632xf32, #tpu.memory_space<hbm>> -> memref<224xf32, #tpu.memory_space<hbm>>
      %dma_wait3A_310 = arith.constant 1392 : i32
      %dma_wait3A_311 = tpu.memref_slice %arg9[%dma_wait3A_310] : memref<1616xf32, #tpu.memory_space<vmem>> -> memref<224xf32, #tpu.memory_space<vmem>>
      %dma_wait3A_312 = tpu.memref_slice %arg2[%add3A_292] : memref<25632xf32, #tpu.memory_space<hbm>> -> memref<224xf32, #tpu.memory_space<hbm>>
      tpu.wait_dma2 semaphore(%arg17 : memref<!tpu.dma_semaphore, #tpu.memory_space<semaphore_mem>>) src(%dma_wait3A_312 : memref<224xf32, #tpu.memory_space<hbm>>) dst(%dma_wait3A_311 : memref<224xf32, #tpu.memory_space<vmem>>)
      %dma_wait3A_313 = arith.constant 1392 : i32
      %dma_wait3A_314 = tpu.memref_slice %arg10[%dma_wait3A_313] : memref<1616xf32, #tpu.memory_space<vmem>> -> memref<224xf32, #tpu.memory_space<vmem>>
      %dma_wait3A_315 = tpu.memref_slice %arg3[%add3A_300] : memref<25632xf32, #tpu.memory_space<hbm>> -> memref<224xf32, #tpu.memory_space<hbm>>
      %dma_wait3A_316 = arith.constant 1392 : i32
      %dma_wait3A_317 = tpu.memref_slice %arg10[%dma_wait3A_316] : memref<1616xf32, #tpu.memory_space<vmem>> -> memref<224xf32, #tpu.memory_space<vmem>>
      %dma_wait3A_318 = tpu.memref_slice %arg3[%add3A_300] : memref<25632xf32, #tpu.memory_space<hbm>> -> memref<224xf32, #tpu.memory_space<hbm>>
      tpu.wait_dma2 semaphore(%arg17 : memref<!tpu.dma_semaphore, #tpu.memory_space<semaphore_mem>>) src(%dma_wait3A_318 : memref<224xf32, #tpu.memory_space<hbm>>) dst(%dma_wait3A_317 : memref<224xf32, #tpu.memory_space<vmem>>)
    } else {
    }
    %dma_wait3A = arith.constant 0 : i32
    %dma_wait3A_18 = tpu.memref_slice %arg9[%dma_wait3A] : memref<1616xf32, #tpu.memory_space<vmem>> -> memref<1392xf32, #tpu.memory_space<vmem>>
    %dma_wait3A_19 = tpu.memref_slice %arg2[%mul3A_2] : memref<25632xf32, #tpu.memory_space<hbm>> -> memref<1392xf32, #tpu.memory_space<hbm>>
    %dma_wait3A_20 = arith.constant 0 : i32
    %dma_wait3A_21 = tpu.memref_slice %arg9[%dma_wait3A_20] : memref<1616xf32, #tpu.memory_space<vmem>> -> memref<1392xf32, #tpu.memory_space<vmem>>
    %dma_wait3A_22 = tpu.memref_slice %arg2[%mul3A_2] : memref<25632xf32, #tpu.memory_space<hbm>> -> memref<1392xf32, #tpu.memory_space<hbm>>
    tpu.wait_dma2 semaphore(%arg17 : memref<!tpu.dma_semaphore, #tpu.memory_space<semaphore_mem>>) src(%dma_wait3A_22 : memref<1392xf32, #tpu.memory_space<hbm>>) dst(%dma_wait3A_21 : memref<1392xf32, #tpu.memory_space<vmem>>)
    %dma_wait3A_23 = arith.constant 0 : i32
    %dma_wait3A_24 = tpu.memref_slice %arg10[%dma_wait3A_23] : memref<1616xf32, #tpu.memory_space<vmem>> -> memref<1392xf32, #tpu.memory_space<vmem>>
    %dma_wait3A_25 = tpu.memref_slice %arg3[%mul3A_2] : memref<25632xf32, #tpu.memory_space<hbm>> -> memref<1392xf32, #tpu.memory_space<hbm>>
    %dma_wait3A_26 = arith.constant 0 : i32
    %dma_wait3A_27 = tpu.memref_slice %arg10[%dma_wait3A_26] : memref<1616xf32, #tpu.memory_space<vmem>> -> memref<1392xf32, #tpu.memory_space<vmem>>
    %dma_wait3A_28 = tpu.memref_slice %arg3[%mul3A_2] : memref<25632xf32, #tpu.memory_space<hbm>> -> memref<1392xf32, #tpu.memory_space<hbm>>
    tpu.wait_dma2 semaphore(%arg17 : memref<!tpu.dma_semaphore, #tpu.memory_space<semaphore_mem>>) src(%dma_wait3A_28 : memref<1392xf32, #tpu.memory_space<hbm>>) dst(%dma_wait3A_27 : memref<1392xf32, #tpu.memory_space<vmem>>)
    %broadcast_in_dim3A = arith.constant 0.000000e+00 : f32
    %broadcast_in_dim3A_29 = vector.broadcast %broadcast_in_dim3A : f32 to vector<16xf32>
    %broadcast_in_dim3A_30 = arith.constant 0xFF800000 : f32
    %broadcast_in_dim3A_31 = vector.broadcast %broadcast_in_dim3A_30 : f32 to vector<16xf32>
    %broadcast_in_dim3A_32 = arith.constant 0xFF800000 : f32
    %broadcast_in_dim3A_33 = vector.broadcast %broadcast_in_dim3A_32 : f32 to vector<16xf32>
    %broadcast_in_dim3A_34 = arith.constant 0xFF800000 : f32
    %broadcast_in_dim3A_35 = vector.broadcast %broadcast_in_dim3A_34 : f32 to vector<16xf32>
    %broadcast_in_dim3A_36 = arith.constant 0xFF800000 : f32
    %broadcast_in_dim3A_37 = vector.broadcast %broadcast_in_dim3A_36 : f32 to vector<16xf32>
    %broadcast_in_dim3A_38 = arith.constant 0xFF800000 : f32
    %broadcast_in_dim3A_39 = vector.broadcast %broadcast_in_dim3A_38 : f32 to vector<16xf32>
    %broadcast_in_dim3A_40 = arith.constant 0xFF800000 : f32
    %broadcast_in_dim3A_41 = vector.broadcast %broadcast_in_dim3A_40 : f32 to vector<16xf32>
    %broadcast_in_dim3A_42 = arith.constant 0xFF800000 : f32
    %broadcast_in_dim3A_43 = vector.broadcast %broadcast_in_dim3A_42 : f32 to vector<16xf32>
    %broadcast_in_dim3A_44 = arith.constant 0xFF800000 : f32
    %broadcast_in_dim3A_45 = vector.broadcast %broadcast_in_dim3A_44 : f32 to vector<16xf32>
    %broadcast_in_dim3A_46 = arith.constant 0xFF800000 : f32
    %broadcast_in_dim3A_47 = vector.broadcast %broadcast_in_dim3A_46 : f32 to vector<16xf32>
    %broadcast_in_dim3A_48 = arith.constant 0xFF800000 : f32
    %broadcast_in_dim3A_49 = vector.broadcast %broadcast_in_dim3A_48 : f32 to vector<16xf32>
    %broadcast_in_dim3A_50 = arith.constant 0xFF800000 : f32
    %broadcast_in_dim3A_51 = vector.broadcast %broadcast_in_dim3A_50 : f32 to vector<16xf32>
    %broadcast_in_dim3A_52 = arith.constant 0xFF800000 : f32
    %broadcast_in_dim3A_53 = vector.broadcast %broadcast_in_dim3A_52 : f32 to vector<16xf32>
    %broadcast_in_dim3A_54 = arith.constant 0xFF800000 : f32
    %broadcast_in_dim3A_55 = vector.broadcast %broadcast_in_dim3A_54 : f32 to vector<16xf32>
    %broadcast_in_dim3A_56 = arith.constant 0xFF800000 : f32
    %broadcast_in_dim3A_57 = vector.broadcast %broadcast_in_dim3A_56 : f32 to vector<16xf32>
    %broadcast_in_dim3A_58 = arith.constant 0xFF800000 : f32
    %broadcast_in_dim3A_59 = vector.broadcast %broadcast_in_dim3A_58 : f32 to vector<16xf32>
    %broadcast_in_dim3A_60 = arith.constant 0xFF800000 : f32
    %broadcast_in_dim3A_61 = vector.broadcast %broadcast_in_dim3A_60 : f32 to vector<16xf32>
    %scan3A = arith.constant 0 : i32
    %scan3A_62 = arith.constant 87 : i32
    %scan3A_63 = arith.addi %scan3A, %scan3A_62 : i32
    %scan3A_64 = arith.constant 1 : i32
    %scan3A_65:17 = scf.for %scan3A_292 = %scan3A to %scan3A_63 step %scan3A_64 iter_args(%scan3A_293 = %broadcast_in_dim3A_29, %scan3A_294 = %broadcast_in_dim3A_31, %scan3A_295 = %broadcast_in_dim3A_33, %scan3A_296 = %broadcast_in_dim3A_35, %scan3A_297 = %broadcast_in_dim3A_37, %scan3A_298 = %broadcast_in_dim3A_39, %scan3A_299 = %broadcast_in_dim3A_41, %scan3A_300 = %broadcast_in_dim3A_43, %scan3A_301 = %broadcast_in_dim3A_45, %scan3A_302 = %broadcast_in_dim3A_47, %scan3A_303 = %broadcast_in_dim3A_49, %scan3A_304 = %broadcast_in_dim3A_51, %scan3A_305 = %broadcast_in_dim3A_53, %scan3A_306 = %broadcast_in_dim3A_55, %scan3A_307 = %broadcast_in_dim3A_57, %scan3A_308 = %broadcast_in_dim3A_59, %scan3A_309 = %broadcast_in_dim3A_61) -> (vector<16xf32>, vector<16xf32>, vector<16xf32>, vector<16xf32>, vector<16xf32>, vector<16xf32>, vector<16xf32>, vector<16xf32>, vector<16xf32>, vector<16xf32>, vector<16xf32>, vector<16xf32>, vector<16xf32>, vector<16xf32>, vector<16xf32>, vector<16xf32>, vector<16xf32>)  : i32 {
      %mul3A_310 = arith.constant 16 : i32
      %mul3A_311 = arith.muli %scan3A_292, %mul3A_310 : i32
      %get3A = arith.index_cast %mul3A_311 : i32 to index
      %get3A_312 = tpu.vector_load %arg10[%get3A] {strides = array<i32>} : memref<1616xf32, #tpu.memory_space<vmem>>, vector<16xf32>,
      %get3A_313 = arith.index_cast %mul3A_311 : i32 to index
      %get3A_314 = tpu.vector_load %arg9[%get3A_313] {strides = array<i32>} : memref<1616xf32, #tpu.memory_space<vmem>>, vector<16xf32>,
      %sub3A = arith.subf %get3A_312, %get3A_314 : vector<16xf32>
      %abs3A = math.absf %sub3A : vector<16xf32>
      %eq3A_315 = arith.constant 0x7F800000 : f32
      %eq3A_316 = vector.broadcast %eq3A_315 : f32 to vector<16xf32>
      %eq3A_317 = arith.cmpf oeq, %abs3A, %eq3A_316 : vector<16xf32>
      %jit3A = arith.constant 0.000000e+00 : f32
      %broadcast_in_dim3A_318 = vector.broadcast %jit3A : f32 to vector<16xf32>
      %select_n3A = arith.select %eq3A_317, %broadcast_in_dim3A_318, %sub3A : vector<16xi1>, vector<16xf32>
      %ne3A = arith.cmpf one, %select_n3A, %select_n3A : vector<16xf32>
      %jit3A_319 = arith.constant 0.000000e+00 : f32
      %broadcast_in_dim3A_320 = vector.broadcast %jit3A_319 : f32 to vector<16xf32>
      %select_n3A_321 = arith.select %ne3A, %broadcast_in_dim3A_320, %select_n3A : vector<16xi1>, vector<16xf32>
      %mul3A_322 = arith.mulf %select_n3A_321, %select_n3A_321 : vector<16xf32>
      %add3A = arith.addf %scan3A_293, %mul3A_322 : vector<16xf32>
      %max3A_323 = arith.maximumf %scan3A_294, %select_n3A_321 : vector<16xf32>
      %min3A = arith.minimumf %scan3A_294, %select_n3A_321 : vector<16xf32>
      %max3A_324 = arith.maximumf %scan3A_295, %min3A : vector<16xf32>
      %min3A_325 = arith.minimumf %scan3A_295, %min3A : vector<16xf32>
      %max3A_326 = arith.maximumf %scan3A_296, %min3A_325 : vector<16xf32>
      %min3A_327 = arith.minimumf %scan3A_296, %min3A_325 : vector<16xf32>
      %max3A_328 = arith.maximumf %scan3A_297, %min3A_327 : vector<16xf32>
      %min3A_329 = arith.minimumf %scan3A_297, %min3A_327 : vector<16xf32>
      %max3A_330 = arith.maximumf %scan3A_298, %min3A_329 : vector<16xf32>
      %min3A_331 = arith.minimumf %scan3A_298, %min3A_329 : vector<16xf32>
      %max3A_332 = arith.maximumf %scan3A_299, %min3A_331 : vector<16xf32>
      %min3A_333 = arith.minimumf %scan3A_299, %min3A_331 : vector<16xf32>
      %max3A_334 = arith.maximumf %scan3A_300, %min3A_333 : vector<16xf32>
      %min3A_335 = arith.minimumf %scan3A_300, %min3A_333 : vector<16xf32>
      %max3A_336 = arith.maximumf %scan3A_301, %min3A_335 : vector<16xf32>
      %min3A_337 = arith.minimumf %scan3A_301, %min3A_335 : vector<16xf32>
      %max3A_338 = arith.maximumf %scan3A_302, %min3A_337 : vector<16xf32>
      %min3A_339 = arith.minimumf %scan3A_302, %min3A_337 : vector<16xf32>
      %max3A_340 = arith.maximumf %scan3A_303, %min3A_339 : vector<16xf32>
      %min3A_341 = arith.minimumf %scan3A_303, %min3A_339 : vector<16xf32>
      %max3A_342 = arith.maximumf %scan3A_304, %min3A_341 : vector<16xf32>
      %min3A_343 = arith.minimumf %scan3A_304, %min3A_341 : vector<16xf32>
      %max3A_344 = arith.maximumf %scan3A_305, %min3A_343 : vector<16xf32>
      %min3A_345 = arith.minimumf %scan3A_305, %min3A_343 : vector<16xf32>
      %max3A_346 = arith.maximumf %scan3A_306, %min3A_345 : vector<16xf32>
      %min3A_347 = arith.minimumf %scan3A_306, %min3A_345 : vector<16xf32>
      %max3A_348 = arith.maximumf %scan3A_307, %min3A_347 : vector<16xf32>
      %min3A_349 = arith.minimumf %scan3A_307, %min3A_347 : vector<16xf32>
      %max3A_350 = arith.maximumf %scan3A_308, %min3A_349 : vector<16xf32>
      %min3A_351 = arith.minimumf %scan3A_308, %min3A_349 : vector<16xf32>
      %max3A_352 = arith.maximumf %scan3A_309, %min3A_351 : vector<16xf32>
      %min3A_353 = arith.minimumf %scan3A_309, %min3A_351 : vector<16xf32>
      scf.yield %add3A, %max3A_323, %max3A_324, %max3A_326, %max3A_328, %max3A_330, %max3A_332, %max3A_334, %max3A_336, %max3A_338, %max3A_340, %max3A_342, %max3A_344, %max3A_346, %max3A_348, %max3A_350, %max3A_352 : vector<16xf32>, vector<16xf32>, vector<16xf32>, vector<16xf32>, vector<16xf32>, vector<16xf32>, vector<16xf32>, vector<16xf32>, vector<16xf32>, vector<16xf32>, vector<16xf32>, vector<16xf32>, vector<16xf32>, vector<16xf32>, vector<16xf32>, vector<16xf32>, vector<16xf32>
    }
    %scan3A_66 = arith.constant 87 : i32
    %lt3A_67 = arith.constant 15 : i32
    %lt3A_68 = arith.cmpi slt, %arg1, %lt3A_67 : i32
    %convert_element_type3A_69 = arith.extui %lt3A_68 : i1 to i32
    %cond3A_70 = arith.constant 0 : i32
    %cond3A_71 = arith.cmpi ne, %convert_element_type3A_69, %cond3A_70 : i32
    %cond3A_72:17 = scf.if %cond3A_71 -> (vector<16xf32>, vector<16xf32>, vector<16xf32>, vector<16xf32>, vector<16xf32>, vector<16xf32>, vector<16xf32>, vector<16xf32>, vector<16xf32>, vector<16xf32>, vector<16xf32>, vector<16xf32>, vector<16xf32>, vector<16xf32>, vector<16xf32>, vector<16xf32>, vector<16xf32>) {
      %scan3A_292 = arith.constant 87 : i32
      %scan3A_293 = arith.constant 14 : i32
      %scan3A_294 = arith.addi %scan3A_292, %scan3A_293 : i32
      %scan3A_295 = arith.constant 1 : i32
      %scan3A_296:17 = scf.for %scan3A_298 = %scan3A_292 to %scan3A_294 step %scan3A_295 iter_args(%scan3A_299 = %scan3A_65#0, %scan3A_300 = %scan3A_65#1, %scan3A_301 = %scan3A_65#2, %scan3A_302 = %scan3A_65#3, %scan3A_303 = %scan3A_65#4, %scan3A_304 = %scan3A_65#5, %scan3A_305 = %scan3A_65#6, %scan3A_306 = %scan3A_65#7, %scan3A_307 = %scan3A_65#8, %scan3A_308 = %scan3A_65#9, %scan3A_309 = %scan3A_65#10, %scan3A_310 = %scan3A_65#11, %scan3A_311 = %scan3A_65#12, %scan3A_312 = %scan3A_65#13, %scan3A_313 = %scan3A_65#14, %scan3A_314 = %scan3A_65#15, %scan3A_315 = %scan3A_65#16) -> (vector<16xf32>, vector<16xf32>, vector<16xf32>, vector<16xf32>, vector<16xf32>, vector<16xf32>, vector<16xf32>, vector<16xf32>, vector<16xf32>, vector<16xf32>, vector<16xf32>, vector<16xf32>, vector<16xf32>, vector<16xf32>, vector<16xf32>, vector<16xf32>, vector<16xf32>)  : i32 {
        %mul3A_316 = arith.constant 16 : i32
        %mul3A_317 = arith.muli %scan3A_298, %mul3A_316 : i32
        %get3A = arith.index_cast %mul3A_317 : i32 to index
        %get3A_318 = tpu.vector_load %arg10[%get3A] {strides = array<i32>} : memref<1616xf32, #tpu.memory_space<vmem>>, vector<16xf32>,
        %get3A_319 = arith.index_cast %mul3A_317 : i32 to index
        %get3A_320 = tpu.vector_load %arg9[%get3A_319] {strides = array<i32>} : memref<1616xf32, #tpu.memory_space<vmem>>, vector<16xf32>,
        %sub3A = arith.subf %get3A_318, %get3A_320 : vector<16xf32>
        %abs3A = math.absf %sub3A : vector<16xf32>
        %eq3A_321 = arith.constant 0x7F800000 : f32
        %eq3A_322 = vector.broadcast %eq3A_321 : f32 to vector<16xf32>
        %eq3A_323 = arith.cmpf oeq, %abs3A, %eq3A_322 : vector<16xf32>
        %jit3A = arith.constant 0.000000e+00 : f32
        %broadcast_in_dim3A_324 = vector.broadcast %jit3A : f32 to vector<16xf32>
        %select_n3A = arith.select %eq3A_323, %broadcast_in_dim3A_324, %sub3A : vector<16xi1>, vector<16xf32>
        %ne3A = arith.cmpf one, %select_n3A, %select_n3A : vector<16xf32>
        %jit3A_325 = arith.constant 0.000000e+00 : f32
        %broadcast_in_dim3A_326 = vector.broadcast %jit3A_325 : f32 to vector<16xf32>
        %select_n3A_327 = arith.select %ne3A, %broadcast_in_dim3A_326, %select_n3A : vector<16xi1>, vector<16xf32>
        %mul3A_328 = arith.mulf %select_n3A_327, %select_n3A_327 : vector<16xf32>
        %add3A = arith.addf %scan3A_299, %mul3A_328 : vector<16xf32>
        %max3A_329 = arith.maximumf %scan3A_300, %select_n3A_327 : vector<16xf32>
        %min3A = arith.minimumf %scan3A_300, %select_n3A_327 : vector<16xf32>
        %max3A_330 = arith.maximumf %scan3A_301, %min3A : vector<16xf32>
        %min3A_331 = arith.minimumf %scan3A_301, %min3A : vector<16xf32>
        %max3A_332 = arith.maximumf %scan3A_302, %min3A_331 : vector<16xf32>
        %min3A_333 = arith.minimumf %scan3A_302, %min3A_331 : vector<16xf32>
        %max3A_334 = arith.maximumf %scan3A_303, %min3A_333 : vector<16xf32>
        %min3A_335 = arith.minimumf %scan3A_303, %min3A_333 : vector<16xf32>
        %max3A_336 = arith.maximumf %scan3A_304, %min3A_335 : vector<16xf32>
        %min3A_337 = arith.minimumf %scan3A_304, %min3A_335 : vector<16xf32>
        %max3A_338 = arith.maximumf %scan3A_305, %min3A_337 : vector<16xf32>
        %min3A_339 = arith.minimumf %scan3A_305, %min3A_337 : vector<16xf32>
        %max3A_340 = arith.maximumf %scan3A_306, %min3A_339 : vector<16xf32>
        %min3A_341 = arith.minimumf %scan3A_306, %min3A_339 : vector<16xf32>
        %max3A_342 = arith.maximumf %scan3A_307, %min3A_341 : vector<16xf32>
        %min3A_343 = arith.minimumf %scan3A_307, %min3A_341 : vector<16xf32>
        %max3A_344 = arith.maximumf %scan3A_308, %min3A_343 : vector<16xf32>
        %min3A_345 = arith.minimumf %scan3A_308, %min3A_343 : vector<16xf32>
        %max3A_346 = arith.maximumf %scan3A_309, %min3A_345 : vector<16xf32>
        %min3A_347 = arith.minimumf %scan3A_309, %min3A_345 : vector<16xf32>
        %max3A_348 = arith.maximumf %scan3A_310, %min3A_347 : vector<16xf32>
        %min3A_349 = arith.minimumf %scan3A_310, %min3A_347 : vector<16xf32>
        %max3A_350 = arith.maximumf %scan3A_311, %min3A_349 : vector<16xf32>
        %min3A_351 = arith.minimumf %scan3A_311, %min3A_349 : vector<16xf32>
        %max3A_352 = arith.maximumf %scan3A_312, %min3A_351 : vector<16xf32>
        %min3A_353 = arith.minimumf %scan3A_312, %min3A_351 : vector<16xf32>
        %max3A_354 = arith.maximumf %scan3A_313, %min3A_353 : vector<16xf32>
        %min3A_355 = arith.minimumf %scan3A_313, %min3A_353 : vector<16xf32>
        %max3A_356 = arith.maximumf %scan3A_314, %min3A_355 : vector<16xf32>
        %min3A_357 = arith.minimumf %scan3A_314, %min3A_355 : vector<16xf32>
        %max3A_358 = arith.maximumf %scan3A_315, %min3A_357 : vector<16xf32>
        %min3A_359 = arith.minimumf %scan3A_315, %min3A_357 : vector<16xf32>
        scf.yield %add3A, %max3A_329, %max3A_330, %max3A_332, %max3A_334, %max3A_336, %max3A_338, %max3A_340, %max3A_342, %max3A_344, %max3A_346, %max3A_348, %max3A_350, %max3A_352, %max3A_354, %max3A_356, %max3A_358 : vector<16xf32>, vector<16xf32>, vector<16xf32>, vector<16xf32>, vector<16xf32>, vector<16xf32>, vector<16xf32>, vector<16xf32>, vector<16xf32>, vector<16xf32>, vector<16xf32>, vector<16xf32>, vector<16xf32>, vector<16xf32>, vector<16xf32>, vector<16xf32>, vector<16xf32>
      }
      %scan3A_297 = arith.constant 14 : i32
      scf.yield %scan3A_296#0, %scan3A_296#1, %scan3A_296#2, %scan3A_296#3, %scan3A_296#4, %scan3A_296#5, %scan3A_296#6, %scan3A_296#7, %scan3A_296#8, %scan3A_296#9, %scan3A_296#10, %scan3A_296#11, %scan3A_296#12, %scan3A_296#13, %scan3A_296#14, %scan3A_296#15, %scan3A_296#16 : vector<16xf32>, vector<16xf32>, vector<16xf32>, vector<16xf32>, vector<16xf32>, vector<16xf32>, vector<16xf32>, vector<16xf32>, vector<16xf32>, vector<16xf32>, vector<16xf32>, vector<16xf32>, vector<16xf32>, vector<16xf32>, vector<16xf32>, vector<16xf32>, vector<16xf32>
    } else {
      scf.yield %scan3A_65#0, %scan3A_65#1, %scan3A_65#2, %scan3A_65#3, %scan3A_65#4, %scan3A_65#5, %scan3A_65#6, %scan3A_65#7, %scan3A_65#8, %scan3A_65#9, %scan3A_65#10, %scan3A_65#11, %scan3A_65#12, %scan3A_65#13, %scan3A_65#14, %scan3A_65#15, %scan3A_65#16 : vector<16xf32>, vector<16xf32>, vector<16xf32>, vector<16xf32>, vector<16xf32>, vector<16xf32>, vector<16xf32>, vector<16xf32>, vector<16xf32>, vector<16xf32>, vector<16xf32>, vector<16xf32>, vector<16xf32>, vector<16xf32>, vector<16xf32>, vector<16xf32>, vector<16xf32>
    }
    %sort3A = arith.constant dense<true> : vector<16xi1>
    %sort3A_73, %sort3A_74, %sort3A_75 = tpu.sort %cond3A_72#1, %cond3A_72#1 masked %sort3A : (vector<16xf32>, vector<16xf32>, vector<16xi1>) -> (vector<16xi1>, vector<16xf32>, vector<16xf32>)
    %sort3A_76 = arith.constant dense<true> : vector<16xi1>
    %sort3A_77, %sort3A_78, %sort3A_79 = tpu.sort %cond3A_72#2, %cond3A_72#2 masked %sort3A_76 : (vector<16xf32>, vector<16xf32>, vector<16xi1>) -> (vector<16xi1>, vector<16xf32>, vector<16xf32>)
    %rev3A = arith.constant 15 : i32
    %rev3A_80 = vector.broadcast %rev3A : i32 to vector<16xi32>
    %rev3A_81 = tpu.iota {dimensions = array<i32: 0>} : vector<16xi32>
    %rev3A_82 = arith.subi %rev3A_80, %rev3A_81 : vector<16xi32>
    %rev3A_83 = tpu.dynamic_gather %sort3A_78[%rev3A_82] in [0] : vector<16xf32>, vector<16xi32> -> vector<16xf32>
    %max3A = arith.maximumf %sort3A_74, %rev3A_83 : vector<16xf32>
    %sort3A_84 = arith.constant dense<true> : vector<16xi1>
    %sort3A_85, %sort3A_86, %sort3A_87 = tpu.sort %max3A, %max3A masked %sort3A_84 : (vector<16xf32>, vector<16xf32>, vector<16xi1>) -> (vector<16xi1>, vector<16xf32>, vector<16xf32>)
    %sort3A_88 = arith.constant dense<true> : vector<16xi1>
    %sort3A_89, %sort3A_90, %sort3A_91 = tpu.sort %cond3A_72#3, %cond3A_72#3 masked %sort3A_88 : (vector<16xf32>, vector<16xf32>, vector<16xi1>) -> (vector<16xi1>, vector<16xf32>, vector<16xf32>)
    %rev3A_92 = arith.constant 15 : i32
    %rev3A_93 = vector.broadcast %rev3A_92 : i32 to vector<16xi32>
    %rev3A_94 = tpu.iota {dimensions = array<i32: 0>} : vector<16xi32>
    %rev3A_95 = arith.subi %rev3A_93, %rev3A_94 : vector<16xi32>
    %rev3A_96 = tpu.dynamic_gather %sort3A_90[%rev3A_95] in [0] : vector<16xf32>, vector<16xi32> -> vector<16xf32>
    %max3A_97 = arith.maximumf %sort3A_86, %rev3A_96 : vector<16xf32>
    %sort3A_98 = arith.constant dense<true> : vector<16xi1>
    %sort3A_99, %sort3A_100, %sort3A_101 = tpu.sort %max3A_97, %max3A_97 masked %sort3A_98 : (vector<16xf32>, vector<16xf32>, vector<16xi1>) -> (vector<16xi1>, vector<16xf32>, vector<16xf32>)
    %sort3A_102 = arith.constant dense<true> : vector<16xi1>
    %sort3A_103, %sort3A_104, %sort3A_105 = tpu.sort %cond3A_72#4, %cond3A_72#4 masked %sort3A_102 : (vector<16xf32>, vector<16xf32>, vector<16xi1>) -> (vector<16xi1>, vector<16xf32>, vector<16xf32>)
    %rev3A_106 = arith.constant 15 : i32
    %rev3A_107 = vector.broadcast %rev3A_106 : i32 to vector<16xi32>
    %rev3A_108 = tpu.iota {dimensions = array<i32: 0>} : vector<16xi32>
    %rev3A_109 = arith.subi %rev3A_107, %rev3A_108 : vector<16xi32>
    %rev3A_110 = tpu.dynamic_gather %sort3A_104[%rev3A_109] in [0] : vector<16xf32>, vector<16xi32> -> vector<16xf32>
    %max3A_111 = arith.maximumf %sort3A_100, %rev3A_110 : vector<16xf32>
    %sort3A_112 = arith.constant dense<true> : vector<16xi1>
    %sort3A_113, %sort3A_114, %sort3A_115 = tpu.sort %max3A_111, %max3A_111 masked %sort3A_112 : (vector<16xf32>, vector<16xf32>, vector<16xi1>) -> (vector<16xi1>, vector<16xf32>, vector<16xf32>)
    %sort3A_116 = arith.constant dense<true> : vector<16xi1>
    %sort3A_117, %sort3A_118, %sort3A_119 = tpu.sort %cond3A_72#5, %cond3A_72#5 masked %sort3A_116 : (vector<16xf32>, vector<16xf32>, vector<16xi1>) -> (vector<16xi1>, vector<16xf32>, vector<16xf32>)
    %rev3A_120 = arith.constant 15 : i32
    %rev3A_121 = vector.broadcast %rev3A_120 : i32 to vector<16xi32>
    %rev3A_122 = tpu.iota {dimensions = array<i32: 0>} : vector<16xi32>
    %rev3A_123 = arith.subi %rev3A_121, %rev3A_122 : vector<16xi32>
    %rev3A_124 = tpu.dynamic_gather %sort3A_118[%rev3A_123] in [0] : vector<16xf32>, vector<16xi32> -> vector<16xf32>
    %max3A_125 = arith.maximumf %sort3A_114, %rev3A_124 : vector<16xf32>
    %sort3A_126 = arith.constant dense<true> : vector<16xi1>
    %sort3A_127, %sort3A_128, %sort3A_129 = tpu.sort %max3A_125, %max3A_125 masked %sort3A_126 : (vector<16xf32>, vector<16xf32>, vector<16xi1>) -> (vector<16xi1>, vector<16xf32>, vector<16xf32>)
    %sort3A_130 = arith.constant dense<true> : vector<16xi1>
    %sort3A_131, %sort3A_132, %sort3A_133 = tpu.sort %cond3A_72#6, %cond3A_72#6 masked %sort3A_130 : (vector<16xf32>, vector<16xf32>, vector<16xi1>) -> (vector<16xi1>, vector<16xf32>, vector<16xf32>)
    %rev3A_134 = arith.constant 15 : i32
    %rev3A_135 = vector.broadcast %rev3A_134 : i32 to vector<16xi32>
    %rev3A_136 = tpu.iota {dimensions = array<i32: 0>} : vector<16xi32>
    %rev3A_137 = arith.subi %rev3A_135, %rev3A_136 : vector<16xi32>
    %rev3A_138 = tpu.dynamic_gather %sort3A_132[%rev3A_137] in [0] : vector<16xf32>, vector<16xi32> -> vector<16xf32>
    %max3A_139 = arith.maximumf %sort3A_128, %rev3A_138 : vector<16xf32>
    %sort3A_140 = arith.constant dense<true> : vector<16xi1>
    %sort3A_141, %sort3A_142, %sort3A_143 = tpu.sort %max3A_139, %max3A_139 masked %sort3A_140 : (vector<16xf32>, vector<16xf32>, vector<16xi1>) -> (vector<16xi1>, vector<16xf32>, vector<16xf32>)
    %sort3A_144 = arith.constant dense<true> : vector<16xi1>
    %sort3A_145, %sort3A_146, %sort3A_147 = tpu.sort %cond3A_72#7, %cond3A_72#7 masked %sort3A_144 : (vector<16xf32>, vector<16xf32>, vector<16xi1>) -> (vector<16xi1>, vector<16xf32>, vector<16xf32>)
    %rev3A_148 = arith.constant 15 : i32
    %rev3A_149 = vector.broadcast %rev3A_148 : i32 to vector<16xi32>
    %rev3A_150 = tpu.iota {dimensions = array<i32: 0>} : vector<16xi32>
    %rev3A_151 = arith.subi %rev3A_149, %rev3A_150 : vector<16xi32>
    %rev3A_152 = tpu.dynamic_gather %sort3A_146[%rev3A_151] in [0] : vector<16xf32>, vector<16xi32> -> vector<16xf32>
    %max3A_153 = arith.maximumf %sort3A_142, %rev3A_152 : vector<16xf32>
    %sort3A_154 = arith.constant dense<true> : vector<16xi1>
    %sort3A_155, %sort3A_156, %sort3A_157 = tpu.sort %max3A_153, %max3A_153 masked %sort3A_154 : (vector<16xf32>, vector<16xf32>, vector<16xi1>) -> (vector<16xi1>, vector<16xf32>, vector<16xf32>)
    %sort3A_158 = arith.constant dense<true> : vector<16xi1>
    %sort3A_159, %sort3A_160, %sort3A_161 = tpu.sort %cond3A_72#8, %cond3A_72#8 masked %sort3A_158 : (vector<16xf32>, vector<16xf32>, vector<16xi1>) -> (vector<16xi1>, vector<16xf32>, vector<16xf32>)
    %rev3A_162 = arith.constant 15 : i32
    %rev3A_163 = vector.broadcast %rev3A_162 : i32 to vector<16xi32>
    %rev3A_164 = tpu.iota {dimensions = array<i32: 0>} : vector<16xi32>
    %rev3A_165 = arith.subi %rev3A_163, %rev3A_164 : vector<16xi32>
    %rev3A_166 = tpu.dynamic_gather %sort3A_160[%rev3A_165] in [0] : vector<16xf32>, vector<16xi32> -> vector<16xf32>
    %max3A_167 = arith.maximumf %sort3A_156, %rev3A_166 : vector<16xf32>
    %sort3A_168 = arith.constant dense<true> : vector<16xi1>
    %sort3A_169, %sort3A_170, %sort3A_171 = tpu.sort %max3A_167, %max3A_167 masked %sort3A_168 : (vector<16xf32>, vector<16xf32>, vector<16xi1>) -> (vector<16xi1>, vector<16xf32>, vector<16xf32>)
    %sort3A_172 = arith.constant dense<true> : vector<16xi1>
    %sort3A_173, %sort3A_174, %sort3A_175 = tpu.sort %cond3A_72#9, %cond3A_72#9 masked %sort3A_172 : (vector<16xf32>, vector<16xf32>, vector<16xi1>) -> (vector<16xi1>, vector<16xf32>, vector<16xf32>)
    %rev3A_176 = arith.constant 15 : i32
    %rev3A_177 = vector.broadcast %rev3A_176 : i32 to vector<16xi32>
    %rev3A_178 = tpu.iota {dimensions = array<i32: 0>} : vector<16xi32>
    %rev3A_179 = arith.subi %rev3A_177, %rev3A_178 : vector<16xi32>
    %rev3A_180 = tpu.dynamic_gather %sort3A_174[%rev3A_179] in [0] : vector<16xf32>, vector<16xi32> -> vector<16xf32>
    %max3A_181 = arith.maximumf %sort3A_170, %rev3A_180 : vector<16xf32>
    %sort3A_182 = arith.constant dense<true> : vector<16xi1>
    %sort3A_183, %sort3A_184, %sort3A_185 = tpu.sort %max3A_181, %max3A_181 masked %sort3A_182 : (vector<16xf32>, vector<16xf32>, vector<16xi1>) -> (vector<16xi1>, vector<16xf32>, vector<16xf32>)
    %sort3A_186 = arith.constant dense<true> : vector<16xi1>
    %sort3A_187, %sort3A_188, %sort3A_189 = tpu.sort %cond3A_72#10, %cond3A_72#10 masked %sort3A_186 : (vector<16xf32>, vector<16xf32>, vector<16xi1>) -> (vector<16xi1>, vector<16xf32>, vector<16xf32>)
    %rev3A_190 = arith.constant 15 : i32
    %rev3A_191 = vector.broadcast %rev3A_190 : i32 to vector<16xi32>
    %rev3A_192 = tpu.iota {dimensions = array<i32: 0>} : vector<16xi32>
    %rev3A_193 = arith.subi %rev3A_191, %rev3A_192 : vector<16xi32>
    %rev3A_194 = tpu.dynamic_gather %sort3A_188[%rev3A_193] in [0] : vector<16xf32>, vector<16xi32> -> vector<16xf32>
    %max3A_195 = arith.maximumf %sort3A_184, %rev3A_194 : vector<16xf32>
    %sort3A_196 = arith.constant dense<true> : vector<16xi1>
    %sort3A_197, %sort3A_198, %sort3A_199 = tpu.sort %max3A_195, %max3A_195 masked %sort3A_196 : (vector<16xf32>, vector<16xf32>, vector<16xi1>) -> (vector<16xi1>, vector<16xf32>, vector<16xf32>)
    %sort3A_200 = arith.constant dense<true> : vector<16xi1>
    %sort3A_201, %sort3A_202, %sort3A_203 = tpu.sort %cond3A_72#11, %cond3A_72#11 masked %sort3A_200 : (vector<16xf32>, vector<16xf32>, vector<16xi1>) -> (vector<16xi1>, vector<16xf32>, vector<16xf32>)
    %rev3A_204 = arith.constant 15 : i32
    %rev3A_205 = vector.broadcast %rev3A_204 : i32 to vector<16xi32>
    %rev3A_206 = tpu.iota {dimensions = array<i32: 0>} : vector<16xi32>
    %rev3A_207 = arith.subi %rev3A_205, %rev3A_206 : vector<16xi32>
    %rev3A_208 = tpu.dynamic_gather %sort3A_202[%rev3A_207] in [0] : vector<16xf32>, vector<16xi32> -> vector<16xf32>
    %max3A_209 = arith.maximumf %sort3A_198, %rev3A_208 : vector<16xf32>
    %sort3A_210 = arith.constant dense<true> : vector<16xi1>
    %sort3A_211, %sort3A_212, %sort3A_213 = tpu.sort %max3A_209, %max3A_209 masked %sort3A_210 : (vector<16xf32>, vector<16xf32>, vector<16xi1>) -> (vector<16xi1>, vector<16xf32>, vector<16xf32>)
    %sort3A_214 = arith.constant dense<true> : vector<16xi1>
    %sort3A_215, %sort3A_216, %sort3A_217 = tpu.sort %cond3A_72#12, %cond3A_72#12 masked %sort3A_214 : (vector<16xf32>, vector<16xf32>, vector<16xi1>) -> (vector<16xi1>, vector<16xf32>, vector<16xf32>)
    %rev3A_218 = arith.constant 15 : i32
    %rev3A_219 = vector.broadcast %rev3A_218 : i32 to vector<16xi32>
    %rev3A_220 = tpu.iota {dimensions = array<i32: 0>} : vector<16xi32>
    %rev3A_221 = arith.subi %rev3A_219, %rev3A_220 : vector<16xi32>
    %rev3A_222 = tpu.dynamic_gather %sort3A_216[%rev3A_221] in [0] : vector<16xf32>, vector<16xi32> -> vector<16xf32>
    %max3A_223 = arith.maximumf %sort3A_212, %rev3A_222 : vector<16xf32>
    %sort3A_224 = arith.constant dense<true> : vector<16xi1>
    %sort3A_225, %sort3A_226, %sort3A_227 = tpu.sort %max3A_223, %max3A_223 masked %sort3A_224 : (vector<16xf32>, vector<16xf32>, vector<16xi1>) -> (vector<16xi1>, vector<16xf32>, vector<16xf32>)
    %sort3A_228 = arith.constant dense<true> : vector<16xi1>
    %sort3A_229, %sort3A_230, %sort3A_231 = tpu.sort %cond3A_72#13, %cond3A_72#13 masked %sort3A_228 : (vector<16xf32>, vector<16xf32>, vector<16xi1>) -> (vector<16xi1>, vector<16xf32>, vector<16xf32>)
    %rev3A_232 = arith.constant 15 : i32
    %rev3A_233 = vector.broadcast %rev3A_232 : i32 to vector<16xi32>
    %rev3A_234 = tpu.iota {dimensions = array<i32: 0>} : vector<16xi32>
    %rev3A_235 = arith.subi %rev3A_233, %rev3A_234 : vector<16xi32>
    %rev3A_236 = tpu.dynamic_gather %sort3A_230[%rev3A_235] in [0] : vector<16xf32>, vector<16xi32> -> vector<16xf32>
    %max3A_237 = arith.maximumf %sort3A_226, %rev3A_236 : vector<16xf32>
    %sort3A_238 = arith.constant dense<true> : vector<16xi1>
    %sort3A_239, %sort3A_240, %sort3A_241 = tpu.sort %max3A_237, %max3A_237 masked %sort3A_238 : (vector<16xf32>, vector<16xf32>, vector<16xi1>) -> (vector<16xi1>, vector<16xf32>, vector<16xf32>)
    %sort3A_242 = arith.constant dense<true> : vector<16xi1>
    %sort3A_243, %sort3A_244, %sort3A_245 = tpu.sort %cond3A_72#14, %cond3A_72#14 masked %sort3A_242 : (vector<16xf32>, vector<16xf32>, vector<16xi1>) -> (vector<16xi1>, vector<16xf32>, vector<16xf32>)
    %rev3A_246 = arith.constant 15 : i32
    %rev3A_247 = vector.broadcast %rev3A_246 : i32 to vector<16xi32>
    %rev3A_248 = tpu.iota {dimensions = array<i32: 0>} : vector<16xi32>
    %rev3A_249 = arith.subi %rev3A_247, %rev3A_248 : vector<16xi32>
    %rev3A_250 = tpu.dynamic_gather %sort3A_244[%rev3A_249] in [0] : vector<16xf32>, vector<16xi32> -> vector<16xf32>
    %max3A_251 = arith.maximumf %sort3A_240, %rev3A_250 : vector<16xf32>
    %sort3A_252 = arith.constant dense<true> : vector<16xi1>
    %sort3A_253, %sort3A_254, %sort3A_255 = tpu.sort %max3A_251, %max3A_251 masked %sort3A_252 : (vector<16xf32>, vector<16xf32>, vector<16xi1>) -> (vector<16xi1>, vector<16xf32>, vector<16xf32>)
    %sort3A_256 = arith.constant dense<true> : vector<16xi1>
    %sort3A_257, %sort3A_258, %sort3A_259 = tpu.sort %cond3A_72#15, %cond3A_72#15 masked %sort3A_256 : (vector<16xf32>, vector<16xf32>, vector<16xi1>) -> (vector<16xi1>, vector<16xf32>, vector<16xf32>)
    %rev3A_260 = arith.constant 15 : i32
    %rev3A_261 = vector.broadcast %rev3A_260 : i32 to vector<16xi32>
    %rev3A_262 = tpu.iota {dimensions = array<i32: 0>} : vector<16xi32>
    %rev3A_263 = arith.subi %rev3A_261, %rev3A_262 : vector<16xi32>
    %rev3A_264 = tpu.dynamic_gather %sort3A_258[%rev3A_263] in [0] : vector<16xf32>, vector<16xi32> -> vector<16xf32>
    %max3A_265 = arith.maximumf %sort3A_254, %rev3A_264 : vector<16xf32>
    %sort3A_266 = arith.constant dense<true> : vector<16xi1>
    %sort3A_267, %sort3A_268, %sort3A_269 = tpu.sort %max3A_265, %max3A_265 masked %sort3A_266 : (vector<16xf32>, vector<16xf32>, vector<16xi1>) -> (vector<16xi1>, vector<16xf32>, vector<16xf32>)
    %sort3A_270 = arith.constant dense<true> : vector<16xi1>
    %sort3A_271, %sort3A_272, %sort3A_273 = tpu.sort %cond3A_72#16, %cond3A_72#16 masked %sort3A_270 : (vector<16xf32>, vector<16xf32>, vector<16xi1>) -> (vector<16xi1>, vector<16xf32>, vector<16xf32>)
    %rev3A_274 = arith.constant 15 : i32
    %rev3A_275 = vector.broadcast %rev3A_274 : i32 to vector<16xi32>
    %rev3A_276 = tpu.iota {dimensions = array<i32: 0>} : vector<16xi32>
    %rev3A_277 = arith.subi %rev3A_275, %rev3A_276 : vector<16xi32>
    %rev3A_278 = tpu.dynamic_gather %sort3A_272[%rev3A_277] in [0] : vector<16xf32>, vector<16xi32> -> vector<16xf32>
    %max3A_279 = arith.maximumf %sort3A_268, %rev3A_278 : vector<16xf32>
    %sort3A_280 = arith.constant dense<true> : vector<16xi1>
    %sort3A_281, %sort3A_282, %sort3A_283 = tpu.sort %max3A_279, %max3A_279 masked %sort3A_280 : (vector<16xf32>, vector<16xf32>, vector<16xi1>) -> (vector<16xi1>, vector<16xf32>, vector<16xf32>)
    %swap3A = arith.constant 0 : index
    %swap3A_284 = tpu.vector_load %arg15[%swap3A] {strides = array<i32>} : memref<32xf32, #tpu.memory_space<vmem>>, vector<16xf32>,
    tpu.vector_store %arg15[%swap3A], %sort3A_282 {strides = array<i32>} : memref<32xf32, #tpu.memory_space<vmem>>, vector<16xf32>,
    %swap3A_285 = arith.constant 16 : index
    %swap3A_286 = tpu.vector_load %arg15[%swap3A_285] {strides = array<i32>} : memref<32xf32, #tpu.memory_space<vmem>>, vector<16xf32>,
    tpu.vector_store %arg15[%swap3A_285], %cond3A_72#0 {strides = array<i32>} : memref<32xf32, #tpu.memory_space<vmem>>, vector<16xf32>,
    "tpu.region"() ({
      %run_scoped3A = tpu.sem_alloc : memref<!tpu.dma_semaphore, #tpu.memory_space<semaphore_mem>>
      %dma_start3A_292 = arith.constant 0 : i32
      %dma_start3A_293 = tpu.memref_slice %arg14[%arg1, %dma_start3A_292] : memref<16x32xf32, #tpu.memory_space<vmem_shared>> -> memref<1x32xf32, #tpu.memory_space<vmem_shared>>
      %dma_start3A_294 = tpu.memref_squeeze %dma_start3A_293 : memref<1x32xf32, #tpu.memory_space<vmem_shared>> -> memref<32xf32, #tpu.memory_space<vmem_shared>>
      %dma_start3A_295 = arith.constant 0 : i32
      %dma_start3A_296 = tpu.memref_slice %arg14[%arg1, %dma_start3A_295] : memref<16x32xf32, #tpu.memory_space<vmem_shared>> -> memref<1x32xf32, #tpu.memory_space<vmem_shared>>
      %dma_start3A_297 = tpu.memref_squeeze %dma_start3A_296 : memref<1x32xf32, #tpu.memory_space<vmem_shared>> -> memref<32xf32, #tpu.memory_space<vmem_shared>>
      tpu.enqueue_dma source(%arg15 : memref<32xf32, #tpu.memory_space<vmem>>) target(%dma_start3A_297 : memref<32xf32, #tpu.memory_space<vmem_shared>>) target_semaphore(%run_scoped3A : memref<!tpu.dma_semaphore, #tpu.memory_space<semaphore_mem>>)
      %dma_wait3A_298 = arith.constant 0 : i32
      %dma_wait3A_299 = tpu.memref_slice %arg14[%arg1, %dma_wait3A_298] : memref<16x32xf32, #tpu.memory_space<vmem_shared>> -> memref<1x32xf32, #tpu.memory_space<vmem_shared>>
      %dma_wait3A_300 = tpu.memref_squeeze %dma_wait3A_299 : memref<1x32xf32, #tpu.memory_space<vmem_shared>> -> memref<32xf32, #tpu.memory_space<vmem_shared>>
      %dma_wait3A_301 = arith.constant 0 : i32
      %dma_wait3A_302 = tpu.memref_slice %arg14[%arg1, %dma_wait3A_301] : memref<16x32xf32, #tpu.memory_space<vmem_shared>> -> memref<1x32xf32, #tpu.memory_space<vmem_shared>>
      %dma_wait3A_303 = tpu.memref_squeeze %dma_wait3A_302 : memref<1x32xf32, #tpu.memory_space<vmem_shared>> -> memref<32xf32, #tpu.memory_space<vmem_shared>>
      tpu.wait_dma2 semaphore(%run_scoped3A : memref<!tpu.dma_semaphore, #tpu.memory_space<semaphore_mem>>) src(%arg15 : memref<32xf32, #tpu.memory_space<vmem>>) dst(%dma_wait3A_303 : memref<32xf32, #tpu.memory_space<vmem_shared>>)
      tpu.yield
    }) : () -> ()
    %barrier3A = arith.constant 0 : index
    tpu.barrier barrier_id(%barrier3A)
    %eq3A_287 = arith.constant 0 : i32
    %eq3A_288 = arith.cmpi eq, %arg1, %eq3A_287 : i32
    %convert_element_type3A_289 = arith.extui %eq3A_288 : i1 to i32
    %cond3A_290 = arith.constant 0 : i32
    %cond3A_291 = arith.cmpi ne, %convert_element_type3A_289, %cond3A_290 : i32
    scf.if %cond3A_291 {
      "tpu.region"() ({
        %run_scoped3A = tpu.sem_alloc : memref<!tpu.dma_semaphore, #tpu.memory_space<semaphore_mem>>
        tpu.enqueue_dma source(%arg14 : memref<16x32xf32, #tpu.memory_space<vmem_shared>>) target(%arg13 : memref<16x32xf32, #tpu.memory_space<vmem>>) target_semaphore(%run_scoped3A : memref<!tpu.dma_semaphore, #tpu.memory_space<semaphore_mem>>)
        tpu.wait_dma2 semaphore(%run_scoped3A : memref<!tpu.dma_semaphore, #tpu.memory_space<semaphore_mem>>) src(%arg14 : memref<16x32xf32, #tpu.memory_space<vmem_shared>>) dst(%arg13 : memref<16x32xf32, #tpu.memory_space<vmem>>)
        tpu.yield
      }) : () -> ()
      %dma_wait3A_292 = arith.constant 0 : i32
      %dma_wait3A_293 = tpu.memref_slice %arg11[%dma_wait3A_292] : memref<1024xf32, #tpu.memory_space<vmem>> -> memref<512xf32, #tpu.memory_space<vmem>>
      %dma_wait3A_294 = arith.constant 0 : i32
      %dma_wait3A_295 = tpu.memref_slice %arg11[%dma_wait3A_294] : memref<1024xf32, #tpu.memory_space<vmem>> -> memref<512xf32, #tpu.memory_space<vmem>>
      tpu.wait_dma2 semaphore(%arg18 : memref<!tpu.dma_semaphore, #tpu.memory_space<semaphore_mem>>) src(%arg4 : memref<512xf32, #tpu.memory_space<hbm>>) dst(%dma_wait3A_295 : memref<512xf32, #tpu.memory_space<vmem>>)
      %dma_wait3A_296 = arith.constant 0 : i32
      %dma_wait3A_297 = tpu.memref_slice %arg11[%dma_wait3A_296] : memref<1024xf32, #tpu.memory_space<vmem>> -> memref<512xf32, #tpu.memory_space<vmem>>
      %dma_wait3A_298 = arith.constant 0 : i32
      %dma_wait3A_299 = tpu.memref_slice %arg11[%dma_wait3A_298] : memref<1024xf32, #tpu.memory_space<vmem>> -> memref<512xf32, #tpu.memory_space<vmem>>
      tpu.wait_dma2 semaphore(%arg18 : memref<!tpu.dma_semaphore, #tpu.memory_space<semaphore_mem>>) src(%arg4 : memref<512xf32, #tpu.memory_space<hbm>>) dst(%dma_wait3A_299 : memref<512xf32, #tpu.memory_space<vmem>>)
      %dma_wait3A_300 = arith.constant 0 : i32
      %dma_wait3A_301 = tpu.memref_slice %arg11[%dma_wait3A_300] : memref<1024xf32, #tpu.memory_space<vmem>> -> memref<512xf32, #tpu.memory_space<vmem>>
      %dma_wait3A_302 = arith.constant 0 : i32
      %dma_wait3A_303 = tpu.memref_slice %arg11[%dma_wait3A_302] : memref<1024xf32, #tpu.memory_space<vmem>> -> memref<512xf32, #tpu.memory_space<vmem>>
      tpu.wait_dma2 semaphore(%arg18 : memref<!tpu.dma_semaphore, #tpu.memory_space<semaphore_mem>>) src(%arg4 : memref<512xf32, #tpu.memory_space<hbm>>) dst(%dma_wait3A_303 : memref<512xf32, #tpu.memory_space<vmem>>)
      %dma_wait3A_304 = arith.constant 0 : i32
      %dma_wait3A_305 = tpu.memref_slice %arg11[%dma_wait3A_304] : memref<1024xf32, #tpu.memory_space<vmem>> -> memref<512xf32, #tpu.memory_space<vmem>>
      %dma_wait3A_306 = arith.constant 0 : i32
      %dma_wait3A_307 = tpu.memref_slice %arg11[%dma_wait3A_306] : memref<1024xf32, #tpu.memory_space<vmem>> -> memref<512xf32, #tpu.memory_space<vmem>>
      tpu.wait_dma2 semaphore(%arg18 : memref<!tpu.dma_semaphore, #tpu.memory_space<semaphore_mem>>) src(%arg4 : memref<512xf32, #tpu.memory_space<hbm>>) dst(%dma_wait3A_307 : memref<512xf32, #tpu.memory_space<vmem>>)
      %broadcast_in_dim3A_308 = arith.constant 0.000000e+00 : f32
      %broadcast_in_dim3A_309 = vector.broadcast %broadcast_in_dim3A_308 : f32 to vector<16xf32>
      %scan3A_310 = arith.constant 0 : i32
      %scan3A_311 = arith.constant 64 : i32
      %scan3A_312 = arith.addi %scan3A_310, %scan3A_311 : i32
      %scan3A_313 = arith.constant 1 : i32
      %scan3A_314 = scf.for %scan3A_591 = %scan3A_310 to %scan3A_312 step %scan3A_313 iter_args(%scan3A_592 = %broadcast_in_dim3A_309) -> (vector<16xf32>)  : i32 {
        %mul3A_593 = arith.constant 16 : i32
        %mul3A_594 = arith.muli %scan3A_591, %mul3A_593 : i32
        %get3A = arith.index_cast %mul3A_594 : i32 to index
        %get3A_595 = tpu.vector_load %arg12[%get3A] {strides = array<i32>} : memref<1024xf32, #tpu.memory_space<vmem>>, vector<16xf32>,
        %add3A = arith.addf %scan3A_592, %get3A_595 : vector<16xf32>
        scf.yield %add3A : vector<16xf32>
      }
      %scan3A_315 = arith.constant 64 : i32
      %scan3A_316 = arith.constant 0 : i32
      %scan3A_317 = arith.constant 16 : i32
      %scan3A_318 = arith.addi %scan3A_316, %scan3A_317 : i32
      %scan3A_319 = arith.constant 1 : i32
      %scan3A_320 = scf.for %scan3A_591 = %scan3A_316 to %scan3A_318 step %scan3A_319 iter_args(%scan3A_592 = %scan3A_314) -> (vector<16xf32>)  : i32 {
        %get3A = arith.index_cast %scan3A_591 : i32 to index
        %get3A_593 = arith.constant 16 : index
        %get3A_594 = tpu.vector_load %arg13[%get3A, %get3A_593] {strides = array<i32>} : memref<16x32xf32, #tpu.memory_space<vmem>>, vector<16xf32>,
        %add3A = arith.addf %scan3A_592, %get3A_594 : vector<16xf32>
        scf.yield %add3A : vector<16xf32>
      }
      %scan3A_321 = arith.constant 16 : i32
      %reduce_sum3A = arith.constant true
      %reduce_sum3A_322 = vector.broadcast %reduce_sum3A : i1 to vector<16xi1>
      %reduce_sum3A_323 = tpu.scan <sum>, %scan3A_320 masked %reduce_sum3A_322 : vector<16xf32>, vector<16xi1> -> vector<16xf32>
      %reduce_sum3A_324 = vector.extract %reduce_sum3A_323[15] : f32 from vector<16xf32>
      %broadcast_in_dim3A_325 = arith.constant 0xFF800000 : f32
      %broadcast_in_dim3A_326 = vector.broadcast %broadcast_in_dim3A_325 : f32 to vector<16xf32>
      %broadcast_in_dim3A_327 = arith.constant 0xFF800000 : f32
      %broadcast_in_dim3A_328 = vector.broadcast %broadcast_in_dim3A_327 : f32 to vector<16xf32>
      %broadcast_in_dim3A_329 = arith.constant 0xFF800000 : f32
      %broadcast_in_dim3A_330 = vector.broadcast %broadcast_in_dim3A_329 : f32 to vector<16xf32>
      %broadcast_in_dim3A_331 = arith.constant 0xFF800000 : f32
      %broadcast_in_dim3A_332 = vector.broadcast %broadcast_in_dim3A_331 : f32 to vector<16xf32>
      %broadcast_in_dim3A_333 = arith.constant 0xFF800000 : f32
      %broadcast_in_dim3A_334 = vector.broadcast %broadcast_in_dim3A_333 : f32 to vector<16xf32>
      %broadcast_in_dim3A_335 = arith.constant 0xFF800000 : f32
      %broadcast_in_dim3A_336 = vector.broadcast %broadcast_in_dim3A_335 : f32 to vector<16xf32>
      %broadcast_in_dim3A_337 = arith.constant 0xFF800000 : f32
      %broadcast_in_dim3A_338 = vector.broadcast %broadcast_in_dim3A_337 : f32 to vector<16xf32>
      %broadcast_in_dim3A_339 = arith.constant 0xFF800000 : f32
      %broadcast_in_dim3A_340 = vector.broadcast %broadcast_in_dim3A_339 : f32 to vector<16xf32>
      %broadcast_in_dim3A_341 = arith.constant 0xFF800000 : f32
      %broadcast_in_dim3A_342 = vector.broadcast %broadcast_in_dim3A_341 : f32 to vector<16xf32>
      %broadcast_in_dim3A_343 = arith.constant 0xFF800000 : f32
      %broadcast_in_dim3A_344 = vector.broadcast %broadcast_in_dim3A_343 : f32 to vector<16xf32>
      %broadcast_in_dim3A_345 = arith.constant 0xFF800000 : f32
      %broadcast_in_dim3A_346 = vector.broadcast %broadcast_in_dim3A_345 : f32 to vector<16xf32>
      %broadcast_in_dim3A_347 = arith.constant 0xFF800000 : f32
      %broadcast_in_dim3A_348 = vector.broadcast %broadcast_in_dim3A_347 : f32 to vector<16xf32>
      %broadcast_in_dim3A_349 = arith.constant 0xFF800000 : f32
      %broadcast_in_dim3A_350 = vector.broadcast %broadcast_in_dim3A_349 : f32 to vector<16xf32>
      %broadcast_in_dim3A_351 = arith.constant 0xFF800000 : f32
      %broadcast_in_dim3A_352 = vector.broadcast %broadcast_in_dim3A_351 : f32 to vector<16xf32>
      %broadcast_in_dim3A_353 = arith.constant 0xFF800000 : f32
      %broadcast_in_dim3A_354 = vector.broadcast %broadcast_in_dim3A_353 : f32 to vector<16xf32>
      %broadcast_in_dim3A_355 = arith.constant 0xFF800000 : f32
      %broadcast_in_dim3A_356 = vector.broadcast %broadcast_in_dim3A_355 : f32 to vector<16xf32>
      %scan3A_357 = arith.constant 0 : i32
      %scan3A_358 = arith.constant 64 : i32
      %scan3A_359 = arith.addi %scan3A_357, %scan3A_358 : i32
      %scan3A_360 = arith.constant 1 : i32
      %scan3A_361:16 = scf.for %scan3A_591 = %scan3A_357 to %scan3A_359 step %scan3A_360 iter_args(%scan3A_592 = %broadcast_in_dim3A_326, %scan3A_593 = %broadcast_in_dim3A_328, %scan3A_594 = %broadcast_in_dim3A_330, %scan3A_595 = %broadcast_in_dim3A_332, %scan3A_596 = %broadcast_in_dim3A_334, %scan3A_597 = %broadcast_in_dim3A_336, %scan3A_598 = %broadcast_in_dim3A_338, %scan3A_599 = %broadcast_in_dim3A_340, %scan3A_600 = %broadcast_in_dim3A_342, %scan3A_601 = %broadcast_in_dim3A_344, %scan3A_602 = %broadcast_in_dim3A_346, %scan3A_603 = %broadcast_in_dim3A_348, %scan3A_604 = %broadcast_in_dim3A_350, %scan3A_605 = %broadcast_in_dim3A_352, %scan3A_606 = %broadcast_in_dim3A_354, %scan3A_607 = %broadcast_in_dim3A_356) -> (vector<16xf32>, vector<16xf32>, vector<16xf32>, vector<16xf32>, vector<16xf32>, vector<16xf32>, vector<16xf32>, vector<16xf32>, vector<16xf32>, vector<16xf32>, vector<16xf32>, vector<16xf32>, vector<16xf32>, vector<16xf32>, vector<16xf32>, vector<16xf32>)  : i32 {
        %mul3A_608 = arith.constant 16 : i32
        %mul3A_609 = arith.muli %scan3A_591, %mul3A_608 : i32
        %get3A = arith.index_cast %mul3A_609 : i32 to index
        %get3A_610 = tpu.vector_load %arg11[%get3A] {strides = array<i32>} : memref<1024xf32, #tpu.memory_space<vmem>>, vector<16xf32>,
        %max3A_611 = arith.maximumf %scan3A_592, %get3A_610 : vector<16xf32>
        %min3A = arith.minimumf %scan3A_592, %get3A_610 : vector<16xf32>
        %max3A_612 = arith.maximumf %scan3A_593, %min3A : vector<16xf32>
        %min3A_613 = arith.minimumf %scan3A_593, %min3A : vector<16xf32>
        %max3A_614 = arith.maximumf %scan3A_594, %min3A_613 : vector<16xf32>
        %min3A_615 = arith.minimumf %scan3A_594, %min3A_613 : vector<16xf32>
        %max3A_616 = arith.maximumf %scan3A_595, %min3A_615 : vector<16xf32>
        %min3A_617 = arith.minimumf %scan3A_595, %min3A_615 : vector<16xf32>
        %max3A_618 = arith.maximumf %scan3A_596, %min3A_617 : vector<16xf32>
        %min3A_619 = arith.minimumf %scan3A_596, %min3A_617 : vector<16xf32>
        %max3A_620 = arith.maximumf %scan3A_597, %min3A_619 : vector<16xf32>
        %min3A_621 = arith.minimumf %scan3A_597, %min3A_619 : vector<16xf32>
        %max3A_622 = arith.maximumf %scan3A_598, %min3A_621 : vector<16xf32>
        %min3A_623 = arith.minimumf %scan3A_598, %min3A_621 : vector<16xf32>
        %max3A_624 = arith.maximumf %scan3A_599, %min3A_623 : vector<16xf32>
        %min3A_625 = arith.minimumf %scan3A_599, %min3A_623 : vector<16xf32>
        %max3A_626 = arith.maximumf %scan3A_600, %min3A_625 : vector<16xf32>
        %min3A_627 = arith.minimumf %scan3A_600, %min3A_625 : vector<16xf32>
        %max3A_628 = arith.maximumf %scan3A_601, %min3A_627 : vector<16xf32>
        %min3A_629 = arith.minimumf %scan3A_601, %min3A_627 : vector<16xf32>
        %max3A_630 = arith.maximumf %scan3A_602, %min3A_629 : vector<16xf32>
        %min3A_631 = arith.minimumf %scan3A_602, %min3A_629 : vector<16xf32>
        %max3A_632 = arith.maximumf %scan3A_603, %min3A_631 : vector<16xf32>
        %min3A_633 = arith.minimumf %scan3A_603, %min3A_631 : vector<16xf32>
        %max3A_634 = arith.maximumf %scan3A_604, %min3A_633 : vector<16xf32>
        %min3A_635 = arith.minimumf %scan3A_604, %min3A_633 : vector<16xf32>
        %max3A_636 = arith.maximumf %scan3A_605, %min3A_635 : vector<16xf32>
        %min3A_637 = arith.minimumf %scan3A_605, %min3A_635 : vector<16xf32>
        %max3A_638 = arith.maximumf %scan3A_606, %min3A_637 : vector<16xf32>
        %min3A_639 = arith.minimumf %scan3A_606, %min3A_637 : vector<16xf32>
        %max3A_640 = arith.maximumf %scan3A_607, %min3A_639 : vector<16xf32>
        %min3A_641 = arith.minimumf %scan3A_607, %min3A_639 : vector<16xf32>
        scf.yield %max3A_611, %max3A_612, %max3A_614, %max3A_616, %max3A_618, %max3A_620, %max3A_622, %max3A_624, %max3A_626, %max3A_628, %max3A_630, %max3A_632, %max3A_634, %max3A_636, %max3A_638, %max3A_640 : vector<16xf32>, vector<16xf32>, vector<16xf32>, vector<16xf32>, vector<16xf32>, vector<16xf32>, vector<16xf32>, vector<16xf32>, vector<16xf32>, vector<16xf32>, vector<16xf32>, vector<16xf32>, vector<16xf32>, vector<16xf32>, vector<16xf32>, vector<16xf32>
      }
      %scan3A_362 = arith.constant 64 : i32
      %scan3A_363 = arith.constant 0 : i32
      %scan3A_364 = arith.constant 16 : i32
      %scan3A_365 = arith.addi %scan3A_363, %scan3A_364 : i32
      %scan3A_366 = arith.constant 1 : i32
      %scan3A_367:16 = scf.for %scan3A_591 = %scan3A_363 to %scan3A_365 step %scan3A_366 iter_args(%scan3A_592 = %scan3A_361#0, %scan3A_593 = %scan3A_361#1, %scan3A_594 = %scan3A_361#2, %scan3A_595 = %scan3A_361#3, %scan3A_596 = %scan3A_361#4, %scan3A_597 = %scan3A_361#5, %scan3A_598 = %scan3A_361#6, %scan3A_599 = %scan3A_361#7, %scan3A_600 = %scan3A_361#8, %scan3A_601 = %scan3A_361#9, %scan3A_602 = %scan3A_361#10, %scan3A_603 = %scan3A_361#11, %scan3A_604 = %scan3A_361#12, %scan3A_605 = %scan3A_361#13, %scan3A_606 = %scan3A_361#14, %scan3A_607 = %scan3A_361#15) -> (vector<16xf32>, vector<16xf32>, vector<16xf32>, vector<16xf32>, vector<16xf32>, vector<16xf32>, vector<16xf32>, vector<16xf32>, vector<16xf32>, vector<16xf32>, vector<16xf32>, vector<16xf32>, vector<16xf32>, vector<16xf32>, vector<16xf32>, vector<16xf32>)  : i32 {
        %get3A = arith.index_cast %scan3A_591 : i32 to index
        %get3A_608 = arith.constant 0 : index
        %get3A_609 = tpu.vector_load %arg13[%get3A, %get3A_608] {strides = array<i32>} : memref<16x32xf32, #tpu.memory_space<vmem>>, vector<16xf32>,
        %max3A_610 = arith.maximumf %scan3A_592, %get3A_609 : vector<16xf32>
        %min3A = arith.minimumf %scan3A_592, %get3A_609 : vector<16xf32>
        %max3A_611 = arith.maximumf %scan3A_593, %min3A : vector<16xf32>
        %min3A_612 = arith.minimumf %scan3A_593, %min3A : vector<16xf32>
        %max3A_613 = arith.maximumf %scan3A_594, %min3A_612 : vector<16xf32>
        %min3A_614 = arith.minimumf %scan3A_594, %min3A_612 : vector<16xf32>
        %max3A_615 = arith.maximumf %scan3A_595, %min3A_614 : vector<16xf32>
        %min3A_616 = arith.minimumf %scan3A_595, %min3A_614 : vector<16xf32>
        %max3A_617 = arith.maximumf %scan3A_596, %min3A_616 : vector<16xf32>
        %min3A_618 = arith.minimumf %scan3A_596, %min3A_616 : vector<16xf32>
        %max3A_619 = arith.maximumf %scan3A_597, %min3A_618 : vector<16xf32>
        %min3A_620 = arith.minimumf %scan3A_597, %min3A_618 : vector<16xf32>
        %max3A_621 = arith.maximumf %scan3A_598, %min3A_620 : vector<16xf32>
        %min3A_622 = arith.minimumf %scan3A_598, %min3A_620 : vector<16xf32>
        %max3A_623 = arith.maximumf %scan3A_599, %min3A_622 : vector<16xf32>
        %min3A_624 = arith.minimumf %scan3A_599, %min3A_622 : vector<16xf32>
        %max3A_625 = arith.maximumf %scan3A_600, %min3A_624 : vector<16xf32>
        %min3A_626 = arith.minimumf %scan3A_600, %min3A_624 : vector<16xf32>
        %max3A_627 = arith.maximumf %scan3A_601, %min3A_626 : vector<16xf32>
        %min3A_628 = arith.minimumf %scan3A_601, %min3A_626 : vector<16xf32>
        %max3A_629 = arith.maximumf %scan3A_602, %min3A_628 : vector<16xf32>
        %min3A_630 = arith.minimumf %scan3A_602, %min3A_628 : vector<16xf32>
        %max3A_631 = arith.maximumf %scan3A_603, %min3A_630 : vector<16xf32>
        %min3A_632 = arith.minimumf %scan3A_603, %min3A_630 : vector<16xf32>
        %max3A_633 = arith.maximumf %scan3A_604, %min3A_632 : vector<16xf32>
        %min3A_634 = arith.minimumf %scan3A_604, %min3A_632 : vector<16xf32>
        %max3A_635 = arith.maximumf %scan3A_605, %min3A_634 : vector<16xf32>
        %min3A_636 = arith.minimumf %scan3A_605, %min3A_634 : vector<16xf32>
        %max3A_637 = arith.maximumf %scan3A_606, %min3A_636 : vector<16xf32>
        %min3A_638 = arith.minimumf %scan3A_606, %min3A_636 : vector<16xf32>
        %max3A_639 = arith.maximumf %scan3A_607, %min3A_638 : vector<16xf32>
        %min3A_640 = arith.minimumf %scan3A_607, %min3A_638 : vector<16xf32>
        scf.yield %max3A_610, %max3A_611, %max3A_613, %max3A_615, %max3A_617, %max3A_619, %max3A_621, %max3A_623, %max3A_625, %max3A_627, %max3A_629, %max3A_631, %max3A_633, %max3A_635, %max3A_637, %max3A_639 : vector<16xf32>, vector<16xf32>, vector<16xf32>, vector<16xf32>, vector<16xf32>, vector<16xf32>, vector<16xf32>, vector<16xf32>, vector<16xf32>, vector<16xf32>, vector<16xf32>, vector<16xf32>, vector<16xf32>, vector<16xf32>, vector<16xf32>, vector<16xf32>
      }
      %scan3A_368 = arith.constant 16 : i32
      %sort3A_369 = arith.constant dense<true> : vector<16xi1>
      %sort3A_370, %sort3A_371, %sort3A_372 = tpu.sort %scan3A_367#0, %scan3A_367#0 masked %sort3A_369 : (vector<16xf32>, vector<16xf32>, vector<16xi1>) -> (vector<16xi1>, vector<16xf32>, vector<16xf32>)
      %sort3A_373 = arith.constant dense<true> : vector<16xi1>
      %sort3A_374, %sort3A_375, %sort3A_376 = tpu.sort %scan3A_367#1, %scan3A_367#1 masked %sort3A_373 : (vector<16xf32>, vector<16xf32>, vector<16xi1>) -> (vector<16xi1>, vector<16xf32>, vector<16xf32>)
      %rev3A_377 = arith.constant 15 : i32
      %rev3A_378 = vector.broadcast %rev3A_377 : i32 to vector<16xi32>
      %rev3A_379 = tpu.iota {dimensions = array<i32: 0>} : vector<16xi32>
      %rev3A_380 = arith.subi %rev3A_378, %rev3A_379 : vector<16xi32>
      %rev3A_381 = tpu.dynamic_gather %sort3A_375[%rev3A_380] in [0] : vector<16xf32>, vector<16xi32> -> vector<16xf32>
      %max3A_382 = arith.maximumf %sort3A_371, %rev3A_381 : vector<16xf32>
      %sort3A_383 = arith.constant dense<true> : vector<16xi1>
      %sort3A_384, %sort3A_385, %sort3A_386 = tpu.sort %max3A_382, %max3A_382 masked %sort3A_383 : (vector<16xf32>, vector<16xf32>, vector<16xi1>) -> (vector<16xi1>, vector<16xf32>, vector<16xf32>)
      %sort3A_387 = arith.constant dense<true> : vector<16xi1>
      %sort3A_388, %sort3A_389, %sort3A_390 = tpu.sort %scan3A_367#2, %scan3A_367#2 masked %sort3A_387 : (vector<16xf32>, vector<16xf32>, vector<16xi1>) -> (vector<16xi1>, vector<16xf32>, vector<16xf32>)
      %rev3A_391 = arith.constant 15 : i32
      %rev3A_392 = vector.broadcast %rev3A_391 : i32 to vector<16xi32>
      %rev3A_393 = tpu.iota {dimensions = array<i32: 0>} : vector<16xi32>
      %rev3A_394 = arith.subi %rev3A_392, %rev3A_393 : vector<16xi32>
      %rev3A_395 = tpu.dynamic_gather %sort3A_389[%rev3A_394] in [0] : vector<16xf32>, vector<16xi32> -> vector<16xf32>
      %max3A_396 = arith.maximumf %sort3A_385, %rev3A_395 : vector<16xf32>
      %sort3A_397 = arith.constant dense<true> : vector<16xi1>
      %sort3A_398, %sort3A_399, %sort3A_400 = tpu.sort %max3A_396, %max3A_396 masked %sort3A_397 : (vector<16xf32>, vector<16xf32>, vector<16xi1>) -> (vector<16xi1>, vector<16xf32>, vector<16xf32>)
      %sort3A_401 = arith.constant dense<true> : vector<16xi1>
      %sort3A_402, %sort3A_403, %sort3A_404 = tpu.sort %scan3A_367#3, %scan3A_367#3 masked %sort3A_401 : (vector<16xf32>, vector<16xf32>, vector<16xi1>) -> (vector<16xi1>, vector<16xf32>, vector<16xf32>)
      %rev3A_405 = arith.constant 15 : i32
      %rev3A_406 = vector.broadcast %rev3A_405 : i32 to vector<16xi32>
      %rev3A_407 = tpu.iota {dimensions = array<i32: 0>} : vector<16xi32>
      %rev3A_408 = arith.subi %rev3A_406, %rev3A_407 : vector<16xi32>
      %rev3A_409 = tpu.dynamic_gather %sort3A_403[%rev3A_408] in [0] : vector<16xf32>, vector<16xi32> -> vector<16xf32>
      %max3A_410 = arith.maximumf %sort3A_399, %rev3A_409 : vector<16xf32>
      %sort3A_411 = arith.constant dense<true> : vector<16xi1>
      %sort3A_412, %sort3A_413, %sort3A_414 = tpu.sort %max3A_410, %max3A_410 masked %sort3A_411 : (vector<16xf32>, vector<16xf32>, vector<16xi1>) -> (vector<16xi1>, vector<16xf32>, vector<16xf32>)
      %sort3A_415 = arith.constant dense<true> : vector<16xi1>
      %sort3A_416, %sort3A_417, %sort3A_418 = tpu.sort %scan3A_367#4, %scan3A_367#4 masked %sort3A_415 : (vector<16xf32>, vector<16xf32>, vector<16xi1>) -> (vector<16xi1>, vector<16xf32>, vector<16xf32>)
      %rev3A_419 = arith.constant 15 : i32
      %rev3A_420 = vector.broadcast %rev3A_419 : i32 to vector<16xi32>
      %rev3A_421 = tpu.iota {dimensions = array<i32: 0>} : vector<16xi32>
      %rev3A_422 = arith.subi %rev3A_420, %rev3A_421 : vector<16xi32>
      %rev3A_423 = tpu.dynamic_gather %sort3A_417[%rev3A_422] in [0] : vector<16xf32>, vector<16xi32> -> vector<16xf32>
      %max3A_424 = arith.maximumf %sort3A_413, %rev3A_423 : vector<16xf32>
      %sort3A_425 = arith.constant dense<true> : vector<16xi1>
      %sort3A_426, %sort3A_427, %sort3A_428 = tpu.sort %max3A_424, %max3A_424 masked %sort3A_425 : (vector<16xf32>, vector<16xf32>, vector<16xi1>) -> (vector<16xi1>, vector<16xf32>, vector<16xf32>)
      %sort3A_429 = arith.constant dense<true> : vector<16xi1>
      %sort3A_430, %sort3A_431, %sort3A_432 = tpu.sort %scan3A_367#5, %scan3A_367#5 masked %sort3A_429 : (vector<16xf32>, vector<16xf32>, vector<16xi1>) -> (vector<16xi1>, vector<16xf32>, vector<16xf32>)
      %rev3A_433 = arith.constant 15 : i32
      %rev3A_434 = vector.broadcast %rev3A_433 : i32 to vector<16xi32>
      %rev3A_435 = tpu.iota {dimensions = array<i32: 0>} : vector<16xi32>
      %rev3A_436 = arith.subi %rev3A_434, %rev3A_435 : vector<16xi32>
      %rev3A_437 = tpu.dynamic_gather %sort3A_431[%rev3A_436] in [0] : vector<16xf32>, vector<16xi32> -> vector<16xf32>
      %max3A_438 = arith.maximumf %sort3A_427, %rev3A_437 : vector<16xf32>
      %sort3A_439 = arith.constant dense<true> : vector<16xi1>
      %sort3A_440, %sort3A_441, %sort3A_442 = tpu.sort %max3A_438, %max3A_438 masked %sort3A_439 : (vector<16xf32>, vector<16xf32>, vector<16xi1>) -> (vector<16xi1>, vector<16xf32>, vector<16xf32>)
      %sort3A_443 = arith.constant dense<true> : vector<16xi1>
      %sort3A_444, %sort3A_445, %sort3A_446 = tpu.sort %scan3A_367#6, %scan3A_367#6 masked %sort3A_443 : (vector<16xf32>, vector<16xf32>, vector<16xi1>) -> (vector<16xi1>, vector<16xf32>, vector<16xf32>)
      %rev3A_447 = arith.constant 15 : i32
      %rev3A_448 = vector.broadcast %rev3A_447 : i32 to vector<16xi32>
      %rev3A_449 = tpu.iota {dimensions = array<i32: 0>} : vector<16xi32>
      %rev3A_450 = arith.subi %rev3A_448, %rev3A_449 : vector<16xi32>
      %rev3A_451 = tpu.dynamic_gather %sort3A_445[%rev3A_450] in [0] : vector<16xf32>, vector<16xi32> -> vector<16xf32>
      %max3A_452 = arith.maximumf %sort3A_441, %rev3A_451 : vector<16xf32>
      %sort3A_453 = arith.constant dense<true> : vector<16xi1>
      %sort3A_454, %sort3A_455, %sort3A_456 = tpu.sort %max3A_452, %max3A_452 masked %sort3A_453 : (vector<16xf32>, vector<16xf32>, vector<16xi1>) -> (vector<16xi1>, vector<16xf32>, vector<16xf32>)
      %sort3A_457 = arith.constant dense<true> : vector<16xi1>
      %sort3A_458, %sort3A_459, %sort3A_460 = tpu.sort %scan3A_367#7, %scan3A_367#7 masked %sort3A_457 : (vector<16xf32>, vector<16xf32>, vector<16xi1>) -> (vector<16xi1>, vector<16xf32>, vector<16xf32>)
      %rev3A_461 = arith.constant 15 : i32
      %rev3A_462 = vector.broadcast %rev3A_461 : i32 to vector<16xi32>
      %rev3A_463 = tpu.iota {dimensions = array<i32: 0>} : vector<16xi32>
      %rev3A_464 = arith.subi %rev3A_462, %rev3A_463 : vector<16xi32>
      %rev3A_465 = tpu.dynamic_gather %sort3A_459[%rev3A_464] in [0] : vector<16xf32>, vector<16xi32> -> vector<16xf32>
      %max3A_466 = arith.maximumf %sort3A_455, %rev3A_465 : vector<16xf32>
      %sort3A_467 = arith.constant dense<true> : vector<16xi1>
      %sort3A_468, %sort3A_469, %sort3A_470 = tpu.sort %max3A_466, %max3A_466 masked %sort3A_467 : (vector<16xf32>, vector<16xf32>, vector<16xi1>) -> (vector<16xi1>, vector<16xf32>, vector<16xf32>)
      %sort3A_471 = arith.constant dense<true> : vector<16xi1>
      %sort3A_472, %sort3A_473, %sort3A_474 = tpu.sort %scan3A_367#8, %scan3A_367#8 masked %sort3A_471 : (vector<16xf32>, vector<16xf32>, vector<16xi1>) -> (vector<16xi1>, vector<16xf32>, vector<16xf32>)
      %rev3A_475 = arith.constant 15 : i32
      %rev3A_476 = vector.broadcast %rev3A_475 : i32 to vector<16xi32>
      %rev3A_477 = tpu.iota {dimensions = array<i32: 0>} : vector<16xi32>
      %rev3A_478 = arith.subi %rev3A_476, %rev3A_477 : vector<16xi32>
      %rev3A_479 = tpu.dynamic_gather %sort3A_473[%rev3A_478] in [0] : vector<16xf32>, vector<16xi32> -> vector<16xf32>
      %max3A_480 = arith.maximumf %sort3A_469, %rev3A_479 : vector<16xf32>
      %sort3A_481 = arith.constant dense<true> : vector<16xi1>
      %sort3A_482, %sort3A_483, %sort3A_484 = tpu.sort %max3A_480, %max3A_480 masked %sort3A_481 : (vector<16xf32>, vector<16xf32>, vector<16xi1>) -> (vector<16xi1>, vector<16xf32>, vector<16xf32>)
      %sort3A_485 = arith.constant dense<true> : vector<16xi1>
      %sort3A_486, %sort3A_487, %sort3A_488 = tpu.sort %scan3A_367#9, %scan3A_367#9 masked %sort3A_485 : (vector<16xf32>, vector<16xf32>, vector<16xi1>) -> (vector<16xi1>, vector<16xf32>, vector<16xf32>)
      %rev3A_489 = arith.constant 15 : i32
      %rev3A_490 = vector.broadcast %rev3A_489 : i32 to vector<16xi32>
      %rev3A_491 = tpu.iota {dimensions = array<i32: 0>} : vector<16xi32>
      %rev3A_492 = arith.subi %rev3A_490, %rev3A_491 : vector<16xi32>
      %rev3A_493 = tpu.dynamic_gather %sort3A_487[%rev3A_492] in [0] : vector<16xf32>, vector<16xi32> -> vector<16xf32>
      %max3A_494 = arith.maximumf %sort3A_483, %rev3A_493 : vector<16xf32>
      %sort3A_495 = arith.constant dense<true> : vector<16xi1>
      %sort3A_496, %sort3A_497, %sort3A_498 = tpu.sort %max3A_494, %max3A_494 masked %sort3A_495 : (vector<16xf32>, vector<16xf32>, vector<16xi1>) -> (vector<16xi1>, vector<16xf32>, vector<16xf32>)
      %sort3A_499 = arith.constant dense<true> : vector<16xi1>
      %sort3A_500, %sort3A_501, %sort3A_502 = tpu.sort %scan3A_367#10, %scan3A_367#10 masked %sort3A_499 : (vector<16xf32>, vector<16xf32>, vector<16xi1>) -> (vector<16xi1>, vector<16xf32>, vector<16xf32>)
      %rev3A_503 = arith.constant 15 : i32
      %rev3A_504 = vector.broadcast %rev3A_503 : i32 to vector<16xi32>
      %rev3A_505 = tpu.iota {dimensions = array<i32: 0>} : vector<16xi32>
      %rev3A_506 = arith.subi %rev3A_504, %rev3A_505 : vector<16xi32>
      %rev3A_507 = tpu.dynamic_gather %sort3A_501[%rev3A_506] in [0] : vector<16xf32>, vector<16xi32> -> vector<16xf32>
      %max3A_508 = arith.maximumf %sort3A_497, %rev3A_507 : vector<16xf32>
      %sort3A_509 = arith.constant dense<true> : vector<16xi1>
      %sort3A_510, %sort3A_511, %sort3A_512 = tpu.sort %max3A_508, %max3A_508 masked %sort3A_509 : (vector<16xf32>, vector<16xf32>, vector<16xi1>) -> (vector<16xi1>, vector<16xf32>, vector<16xf32>)
      %sort3A_513 = arith.constant dense<true> : vector<16xi1>
      %sort3A_514, %sort3A_515, %sort3A_516 = tpu.sort %scan3A_367#11, %scan3A_367#11 masked %sort3A_513 : (vector<16xf32>, vector<16xf32>, vector<16xi1>) -> (vector<16xi1>, vector<16xf32>, vector<16xf32>)
      %rev3A_517 = arith.constant 15 : i32
      %rev3A_518 = vector.broadcast %rev3A_517 : i32 to vector<16xi32>
      %rev3A_519 = tpu.iota {dimensions = array<i32: 0>} : vector<16xi32>
      %rev3A_520 = arith.subi %rev3A_518, %rev3A_519 : vector<16xi32>
      %rev3A_521 = tpu.dynamic_gather %sort3A_515[%rev3A_520] in [0] : vector<16xf32>, vector<16xi32> -> vector<16xf32>
      %max3A_522 = arith.maximumf %sort3A_511, %rev3A_521 : vector<16xf32>
      %sort3A_523 = arith.constant dense<true> : vector<16xi1>
      %sort3A_524, %sort3A_525, %sort3A_526 = tpu.sort %max3A_522, %max3A_522 masked %sort3A_523 : (vector<16xf32>, vector<16xf32>, vector<16xi1>) -> (vector<16xi1>, vector<16xf32>, vector<16xf32>)
      %sort3A_527 = arith.constant dense<true> : vector<16xi1>
      %sort3A_528, %sort3A_529, %sort3A_530 = tpu.sort %scan3A_367#12, %scan3A_367#12 masked %sort3A_527 : (vector<16xf32>, vector<16xf32>, vector<16xi1>) -> (vector<16xi1>, vector<16xf32>, vector<16xf32>)
      %rev3A_531 = arith.constant 15 : i32
      %rev3A_532 = vector.broadcast %rev3A_531 : i32 to vector<16xi32>
      %rev3A_533 = tpu.iota {dimensions = array<i32: 0>} : vector<16xi32>
      %rev3A_534 = arith.subi %rev3A_532, %rev3A_533 : vector<16xi32>
      %rev3A_535 = tpu.dynamic_gather %sort3A_529[%rev3A_534] in [0] : vector<16xf32>, vector<16xi32> -> vector<16xf32>
      %max3A_536 = arith.maximumf %sort3A_525, %rev3A_535 : vector<16xf32>
      %sort3A_537 = arith.constant dense<true> : vector<16xi1>
      %sort3A_538, %sort3A_539, %sort3A_540 = tpu.sort %max3A_536, %max3A_536 masked %sort3A_537 : (vector<16xf32>, vector<16xf32>, vector<16xi1>) -> (vector<16xi1>, vector<16xf32>, vector<16xf32>)
      %sort3A_541 = arith.constant dense<true> : vector<16xi1>
      %sort3A_542, %sort3A_543, %sort3A_544 = tpu.sort %scan3A_367#13, %scan3A_367#13 masked %sort3A_541 : (vector<16xf32>, vector<16xf32>, vector<16xi1>) -> (vector<16xi1>, vector<16xf32>, vector<16xf32>)
      %rev3A_545 = arith.constant 15 : i32
      %rev3A_546 = vector.broadcast %rev3A_545 : i32 to vector<16xi32>
      %rev3A_547 = tpu.iota {dimensions = array<i32: 0>} : vector<16xi32>
      %rev3A_548 = arith.subi %rev3A_546, %rev3A_547 : vector<16xi32>
      %rev3A_549 = tpu.dynamic_gather %sort3A_543[%rev3A_548] in [0] : vector<16xf32>, vector<16xi32> -> vector<16xf32>
      %max3A_550 = arith.maximumf %sort3A_539, %rev3A_549 : vector<16xf32>
      %sort3A_551 = arith.constant dense<true> : vector<16xi1>
      %sort3A_552, %sort3A_553, %sort3A_554 = tpu.sort %max3A_550, %max3A_550 masked %sort3A_551 : (vector<16xf32>, vector<16xf32>, vector<16xi1>) -> (vector<16xi1>, vector<16xf32>, vector<16xf32>)
      %sort3A_555 = arith.constant dense<true> : vector<16xi1>
      %sort3A_556, %sort3A_557, %sort3A_558 = tpu.sort %scan3A_367#14, %scan3A_367#14 masked %sort3A_555 : (vector<16xf32>, vector<16xf32>, vector<16xi1>) -> (vector<16xi1>, vector<16xf32>, vector<16xf32>)
      %rev3A_559 = arith.constant 15 : i32
      %rev3A_560 = vector.broadcast %rev3A_559 : i32 to vector<16xi32>
      %rev3A_561 = tpu.iota {dimensions = array<i32: 0>} : vector<16xi32>
      %rev3A_562 = arith.subi %rev3A_560, %rev3A_561 : vector<16xi32>
      %rev3A_563 = tpu.dynamic_gather %sort3A_557[%rev3A_562] in [0] : vector<16xf32>, vector<16xi32> -> vector<16xf32>
      %max3A_564 = arith.maximumf %sort3A_553, %rev3A_563 : vector<16xf32>
      %sort3A_565 = arith.constant dense<true> : vector<16xi1>
      %sort3A_566, %sort3A_567, %sort3A_568 = tpu.sort %max3A_564, %max3A_564 masked %sort3A_565 : (vector<16xf32>, vector<16xf32>, vector<16xi1>) -> (vector<16xi1>, vector<16xf32>, vector<16xf32>)
      %sort3A_569 = arith.constant dense<true> : vector<16xi1>
      %sort3A_570, %sort3A_571, %sort3A_572 = tpu.sort %scan3A_367#15, %scan3A_367#15 masked %sort3A_569 : (vector<16xf32>, vector<16xf32>, vector<16xi1>) -> (vector<16xi1>, vector<16xf32>, vector<16xf32>)
      %rev3A_573 = arith.constant 15 : i32
      %rev3A_574 = vector.broadcast %rev3A_573 : i32 to vector<16xi32>
      %rev3A_575 = tpu.iota {dimensions = array<i32: 0>} : vector<16xi32>
      %rev3A_576 = arith.subi %rev3A_574, %rev3A_575 : vector<16xi32>
      %rev3A_577 = tpu.dynamic_gather %sort3A_571[%rev3A_576] in [0] : vector<16xf32>, vector<16xi32> -> vector<16xf32>
      %max3A_578 = arith.maximumf %sort3A_567, %rev3A_577 : vector<16xf32>
      %sort3A_579 = arith.constant dense<true> : vector<16xi1>
      %sort3A_580, %sort3A_581, %sort3A_582 = tpu.sort %max3A_578, %max3A_578 masked %sort3A_579 : (vector<16xf32>, vector<16xf32>, vector<16xi1>) -> (vector<16xi1>, vector<16xf32>, vector<16xf32>)
      %mul3A_583 = arith.mulf %sort3A_581, %sort3A_581 : vector<16xf32>
      %reduce_sum3A_584 = arith.constant true
      %reduce_sum3A_585 = vector.broadcast %reduce_sum3A_584 : i1 to vector<16xi1>
      %reduce_sum3A_586 = tpu.scan <sum>, %mul3A_583 masked %reduce_sum3A_585 : vector<16xf32>, vector<16xi1> -> vector<16xf32>
      %reduce_sum3A_587 = vector.extract %reduce_sum3A_586[15] : f32 from vector<16xf32>
      %sub3A = arith.subf %reduce_sum3A_324, %reduce_sum3A_587 : f32
      %broadcast_in_dim3A_588 = vector.broadcast %sub3A : f32 to vector<16xf32>
      %swap3A_589 = arith.constant 0 : index
      %swap3A_590 = tpu.vector_load %arg16[%swap3A_589] {strides = array<i32>} : memref<16xf32, #tpu.memory_space<vmem>>, vector<16xf32>,
      tpu.vector_store %arg16[%swap3A_589], %broadcast_in_dim3A_588 {strides = array<i32>} : memref<16xf32, #tpu.memory_space<vmem>>, vector<16xf32>,
      "tpu.region"() ({
        %run_scoped3A = tpu.sem_alloc : memref<!tpu.dma_semaphore, #tpu.memory_space<semaphore_mem>>
        tpu.enqueue_dma source(%arg16 : memref<16xf32, #tpu.memory_space<vmem>>) target(%arg8 : memref<16xf32, #tpu.memory_space<hbm>>) target_semaphore(%run_scoped3A : memref<!tpu.dma_semaphore, #tpu.memory_space<semaphore_mem>>)
        tpu.wait_dma2 semaphore(%run_scoped3A : memref<!tpu.dma_semaphore, #tpu.memory_space<semaphore_mem>>) src(%arg16 : memref<16xf32, #tpu.memory_space<vmem>>) dst(%arg8 : memref<16xf32, #tpu.memory_space<hbm>>)
        tpu.yield
      }) : () -> ()
    } else {
    }
    return
  }
}

</mosaic_0001>

<sc_bundles>
// kernel: kernel.11.cloned.1.call-start
scs
__scs_entry_jumppad:
0x0: {  	(pc) =	sbr.rel $0x88, $3  }
0x1: {  	(tag) =	ssettag $0x0;
	lr =	simm.s32 $0x1  }
0x2: {  	[smem:$0x3FA0] =	sst lr;
	_ =	strace $0xD0000000  }
0x3: {  	_ = 	snop  }
0x4: {  	_ = 	snop  }
0x5: {  	_ = 	snop  }
0x6: {  	_ = 	snop  }
0x7: {  	_ = 	snop  }
__scs_overlays_trampoline_lowered:
0x8: {  	[smem:$0x3FAF] =	sst s0  }
0x9: {  	[smem:$0x3FB0] =	sst s1  }
0xa: {  	[smem:$0x3FB1] =	sst s2  }
0xb: {  	[smem:$0x3FB2] =	sst s3  }
0xc: {  	[smem:$0x3FB3] =	sst s4  }
0xd: {  	[smem:$0x3FB4] =	sst s5  }
0xe: {  	[smem:$0x3FB5] =	sst s6  }
0xf: {  	[smem:$0x3FB6] =	sst s7  }
0x10: {  	[smem:$0x3FB7] =	sst s8  }
0x11: {  	[smem:$0x3FB8] =	sst s9;
	s0 =	simm.s32 @!p0 $0x0  }
0x12: {  	s1 =	sld [smem:$0x3F9E];
	s0 =	simm.s32 @p0 $0x1  }
0x13: {  	[smem:$0x3FB9] =	sst s0;
	s0 =	simm.s32 @!p1 $0x0  }
0x14: {  	s2 =	sld [smem:$0x3F9D];
	s0 =	simm.s32 @p1 $0x1  }
0x15: {  	[smem:$0x3FBA] =	sst s0;
	s0 =	simm.s32 @!p2 $0x0  }
0x16: {  	s3 =	sld [smem:$0x3FDB];
	s0 =	simm.s32 @p2 $0x1  }
0x17: {  	s4 =	simm.s32 $0x1BF5;
	[smem:$0x3FBC] =	sst s0  }
0x18: {  	s0 =	sld [smem:$0x3F9F];
	_ =	swait.ge [sflag:s4], $0x0  }
0x19: {  	s7 =	sld [smem:$0x3FA0]  }
0x1a: {  	s8 =	sadd.s32 $0xFFFFE003, lr  }
0x1b: {  	s9 =	sadd.s32 $0xFFFFFEF7, lr;
	s5 =	simm.s32 $0xFFFFFFFF;
	p2 =	slt.u32 s8, $0xFFFFF086  }
0x1c: {  	p1 =	slt.u32 s9, $0xF7A;
	s5 =	simm.s32 @!p2 $0x0  }
0x1d: {  	s5 =	simm.s32 @p1 $0x1;
	p0 =	seq.s32 s7, s2  }
0x1e: {  	s7 =	smul.u32 @!p0 $0xF7A, s2;
	p2 =	seq.s32 @!p0 s5, $0x0  }
0x1f: {  	s9 =	smul.u32 $0xF7A, s1;
	s8 =	simm.s32 @!p0 $0x1BF5;
	p2 =	por !p2, p0  }
0x20: {  	[sflag:s8] =	ssyncset.s32 @!p0 $0xFFFFF086;
	s6 =	sadd.s32 @!p0 s3, s7;
	s7 =	simm.s32 @!p0 $0x108  }
0x21: {  	s3 =	sadd.s32 s3, s9;
	s6 =	sadd.s32 @!p0 $0x88, s6;
	s7 =	simm.s32 @p2 $0x1082  }
0x22: {  	[simem:s7], [sflag:s8] =	dma.local @!p0 [hbm:s6], $0xF7A  }
0x23: {  	s9 =	sor.u32 $0xD0000000, s2;
	s6 =	simm.s32 $0x108;
	_ =	swait.ge @!p0 [sflag:s8], $0x0  }
0x24: {  	s3 =	sadd.s32 $0x88, s3;
	s6 =	simm.s32 @!p1 $0x1082;
	[sflag:s4] =	ssyncset.s32 $0xFFFFF086  }
0x25: {  	[simem:s6], [sflag:s4] =	dma.local [hbm:s3], $0xF7A  }
0x26: {  	[smem:$0x3FA0] =	sst s1;
	(tag) =	ssettag s2;
	_ =	strace s9  }
0x27: {  	s1 =	sld [smem:$0x3FB0]  }
0x28: {  	s2 =	sld [smem:$0x3FB1]  }
0x29: {  	s4 =	sld [smem:$0x3FB3]  }
0x2a: {  	p0 =	seq.s32 s5, $0x0;
	s5 =	sld [smem:$0x3FB4]  }
0x2b: {  	s6 =	sld [smem:$0x3FB5]  }
0x2c: {  	s7 =	sld [smem:$0x3FB6]  }
0x2d: {  	s3 =	simm.s32 $0x108;
	s8 =	sld [smem:$0x3FB7]  }
0x2e: {  	s3 =	simm.s32 @!p0 $0x1082;
	s9 =	sld [smem:$0x3FB8]  }
0x2f: {  	lr =	sadd.s32 s0, s3;
	s0 =	sld [smem:$0x3FAF]  }
0x30: {  	s3 =	sld [smem:$0x3FB2]  }
0x31: {  	[smem:$0x3FBB] =	sst s10  }
0x32: {  	s10 =	sld [smem:$0x3FB9];
	_ =	sdelay $0x3  }
0x33: {  	p0 =	seq.s32 s10, $0x1;
	s10 =	sld [smem:$0x3FBB];
	_ =	sdelay $0x3  }
0x34: {  	[smem:$0x3FBB] =	sst s10  }
0x35: {  	s10 =	sld [smem:$0x3FBA];
	_ =	sdelay $0x3  }
0x36: {  	p1 =	seq.s32 s10, $0x1;
	s10 =	sld [smem:$0x3FBB];
	_ =	sdelay $0x3  }
0x37: {  	[smem:$0x3FBB] =	sst s10  }
0x38: {  	s10 =	sld [smem:$0x3FBC]  }
0x39: {  	_ = 	snop;
	(pc) =	sbr.ind lr, $3  }
0x3a: {  	_ = 	snop  }
0x3b: {  	_ = 	snop  }
0x3c: {  	p2 =	seq.s32 s10, $0x1;
	s10 =	sld [smem:$0x3FBB]  }
0x3d: {  	_ =	shalt  }
0x3e: {  	_ =	shalt  }
0x3f: {  	_ =	shalt  }
0x40: {  	_ =	shalt  }
0x41: {  	_ =	shalt  }
0x42: {  	_ =	shalt  }
0x43: {  	_ =	shalt  }
0x44: {  	_ =	shalt  }
0x45: {  	_ =	shalt  }
0x46: {  	_ =	shalt  }
0x47: {  	_ =	shalt  }
0x48: {  	_ =	shalt  }
0x49: {  	_ =	shalt  }
0x4a: {  	_ =	shalt  }
0x4b: {  	_ =	shalt  }
0x4c: {  	_ =	shalt  }
0x4d: {  	_ =	shalt  }
0x4e: {  	_ =	shalt  }
0x4f: {  	_ =	shalt  }
0x50: {  	_ =	shalt  }
0x51: {  	_ =	shalt  }
0x52: {  	_ =	shalt  }
0x53: {  	_ =	shalt  }
0x54: {  	_ =	shalt  }
0x55: {  	_ =	shalt  }
0x56: {  	_ =	shalt  }
0x57: {  	_ =	shalt  }
0x58: {  	_ =	shalt  }
0x59: {  	_ =	shalt  }
0x5a: {  	_ =	shalt  }
0x5b: {  	_ =	shalt  }
0x5c: {  	_ =	shalt  }
0x5d: {  	_ =	shalt  }
0x5e: {  	_ =	shalt  }
0x5f: {  	_ =	shalt  }
0x60: {  	_ =	shalt  }
0x61: {  	_ =	shalt  }
0x62: {  	_ =	shalt  }
0x63: {  	_ =	shalt  }
0x64: {  	_ =	shalt  }
0x65: {  	_ =	shalt  }
0x66: {  	_ =	shalt  }
0x67: {  	_ =	shalt  }
0x68: {  	_ =	shalt  }
0x69: {  	_ =	shalt  }
0x6a: {  	_ =	shalt  }
0x6b: {  	_ =	shalt  }
0x6c: {  	_ =	shalt  }
0x6d: {  	_ =	shalt  }
0x6e: {  	_ =	shalt  }
0x6f: {  	_ =	shalt  }
0x70: {  	_ =	shalt  }
0x71: {  	_ =	shalt  }
0x72: {  	_ =	shalt  }
0x73: {  	_ =	shalt  }
0x74: {  	_ =	shalt  }
0x75: {  	_ =	shalt  }
0x76: {  	_ =	shalt  }
0x77: {  	_ =	shalt  }
0x78: {  	_ =	shalt  }
0x79: {  	_ =	shalt  }
0x7a: {  	_ =	shalt  }
0x7b: {  	_ =	shalt  }
0x7c: {  	_ =	shalt  }
0x7d: {  	_ =	shalt  }
0x7e: {  	_ =	shalt  }
0x7f: {  	_ =	shalt  }
0x80: {  	_ =	shalt  }
0x81: {  	_ =	shalt  }
0x82: {  	_ =	shalt  }
0x83: {  	_ =	shalt  }
0x84: {  	_ =	shalt  }
0x85: {  	_ =	shalt  }
0x86: {  	_ =	shalt  }
0x87: {  	_ =	shalt  }
.Lfunc_end0:
.L_simem_size_0:
called_computation.2_lowered:
.L_overlay_start_0:
0x88: {  	s0 =	sld [smem:$0x3FD9]  }
0x89: {  	s1 =	sld [smem:$0x3FFE];
	_ =	sdelay $0x3  }
0x8a: {  	s0 =	sadd.s32 s1, s0  }
0x8b: {  	[smem:$0x3FC7] =	sst s0  }
0x8c: {  	_ = 	snop  }
0x8d: {  	s0 =	sld [smem:$0x3FD0];
	(tm) =	ssettm $0x1  }
0x8e: {  	s16 =	sld [smem:$0x3FFB];
	_ =	sdelay $0x3  }
0x8f: {  	_ =	strace s16  }
0x90: {  	s1 =	sld [smem:$0x3FFC];
	_ =	sdelay $0x3  }
0x91: {  	_ =	strace s1  }
0x92: {  	s1 =	sld [smem:$0x3FFD];
	_ =	sdelay $0x3  }
0x93: {  	_ =	strace s1  }
0x94: {  	_ =	strace $0x8FFFFFFF  }
0x95: {  	s17 =	sld [smem:$0x3FDB];
	_ =	sdelay $0x1  }
0x96: {  	s2 =	simm.s32 $_scs_section_size  }
0x97: {  	s3 =	simm.s32 $_size__tile_overlayer_lowered;
	s4 =	simm.s32 $_tile_overlayer_lowered  }
0x98: {  	s20 =	simm.s32 $0x1BFF;
	s19 =	sshll.u32 s4, $0x1;
	s1 =	sadd.s32 s2, s17  }
0x99: {  	s5 =	simm.s32 $0x0;
	s18 =	sshll.u32 s3, $0x1;
	s3 =	sadd.s32 s19, s1  }
0x9a: {  	[timem:s5], [sflag:s20] =	dma.local [hbm:s3], s18  }
0x9b: {  	_ =	swait.ge [sflag:s20], s18  }
0x9c: {  	s2 =	ssub.s32 $0x0, s18;
	[sflag:s20] =	ssyncset.done $0x0  }
0x9d: {  	[sflag:s20] =	ssyncadd.s32 s2;
	_ =	sdelay $0x1  }
0x9e: {  	s21 =	simm.s32 $0x1B8B  }
0x9f: {  	_ =	swait.ge [sflag:s21], $0x1  }
0xa0: {  	[sflag:s21] =	ssyncset.done $0x0  }
0xa1: {  	s23 =	simm.s32 $0x1B8E;
	s22 =	sld [smem:$0x3FFE];
	[sflag:s21] =	ssyncadd.s32 $0xFFFFFFFF  }
0xa2: {  	s24 =	simm.s32 $execute0_lowered;
	[smem:$0x3FD2] =	sst s23  }
0xa3: {  	s3 =	sshll.u32 s24, $0x1;
	_ =	strace $0x8000004C;
	[dreg:$0x1] =	wrdreg $0xFFFFFFFF  }
0xa4: {  	s25 =	simm.s32 $_size_execute0_lowered;
	s1 =	sadd.s32 s1, s3;
	[dreg:$0x0] =	wrdreg $0x0  }
0xa5: {  	s3 =	sshll.u32 s25, $0x1;
	[dreg:$0x2] =	wrdreg s1  }
0xa6: {  	[dreg:$0x3] =	wrdreg s3  }
0xa7: {  	[dreg:$0x4] =	wrdreg $0xC0  }
0xa8: {  	_ =	task [dreg:s5], $0x5FFFF  }
0xa9: {  	[dreg:$0x1] =	wrdreg $0xFFFFFFFF  }
0xaa: {  	[dreg:$0x0] =	wrdreg $0x60  }
0xab: {  	[dreg:$0x2] =	wrdreg s22  }
0xac: {  	[dreg:$0x3] =	wrdreg s0  }
0xad: {  	[dreg:$0x4] =	wrdreg $0x16A00  }
0xae: {  	[dreg:$0x5] =	wrdreg $0x9  }
0xaf: {  	_ =	task.clear_ibuf [dreg:s5], $0x6FFFF;
	_ =	strace $0x9000004C  }
0xb0: {  	s26 =	simm.s32 $0x9;
	_ =	strace $0x8000004E  }
0xb1: {  	_ =	swait.ge [sflag:s26], $0x1  }
0xb2: {  	[sflag:s26] =	ssyncadd.s32 $0xFFFFFFFF  }
0xb3: {  	_ =	strace $0x9000004E  }
0xb4: {  	_ =	sfence  }
0xb5: {  	s28 =	sld [smem:$0x0];
	_ =	sdelay $0x1  }
0xb6: {  	s29 =	srdreg.scid  }
0xb7: {  	s30 =	sshll.u32 s29, $0xD;
	s31 =	sshrl.u32 s29, $0x2  }
0xb8: {  	s2 =	sand.u32 $0x4000, s30;
	s1 =	sand.u32 $0x1, s29;
	s0 =	sadd.s32 s31, s28  }
0xb9: {  	s1 =	sor.u32 s2, s1;
	s0 =	sshll.u32 s0, $0x11  }
0xba: {  	s0 =	sor.u32 s0, s1  }
0xbb: {  	s0 =	sadd.s32 $0x8F2B, s0  }
0xbc: {  	[sflag:s0] =	ssyncadd.remote.s32 $0x1  }
0xbd: {  	_ =	sfence.sel $0xFFFF  }
0xbe: {  	[dreg:$0x0] =	wrdreg $0xFFFFFFFF;
	(pc) =	sbr.abs _section_cstart, $3  }
0xbf: {  	[dreg:$0x1] =	wrdreg $0xFFFFFFFF  }
0xc0: {  	_ =	task.clear_ibuf [dreg:s5], $0x2FFFF;
	_ =	strace $0x9FFFFFFF  }
0xc1: {  	(tm) =	ssettm $0x7FFFFFFF  }
tec
execute0_lowered:
.L_overlay_start_1:
0x0: {  	(tag) =	ssettag $0x1  }
0x1: {  	s9 =	rddreg [dreg:$0x0];
	s4 =	stileid.u32  }
0x2: {  	s1 =	rddreg [dreg:$0x1];
	p0 =	sne.s32 s4, $0x0  }
.Ltmp0:
0x3: {  	s2 =	rddreg [dreg:$0x2];
	(pc) =	sbr.rel @!p0 .LBB2_1-.Ltmp0, $4  }
0x4: {  	s0 =	rddreg [dreg:$0x3];
	s7 =	simm.s32 $0x0;
	s3 =	smul.u32 $0x650, s4  }
0x5: {  	[smem:$0x7FF] =	sst s7;
	s6 =	sadd.s32 $0x1E600, s9  }
0x6: {  	s5 =	sadd.s32 $0x1D800, s9;
	_ =	strace $0x8000004D;
	s8 =	sshrl.u32 s3, $0x3  }
0x7: {  	s3 =	sshll.u32 s4, $0x5;
	s11 =	sadd.s32 s6, s8;
	s10 =	sadd.s32 s5, s8  }
0x8: {  	p1 =	seq.s32 s4, $0xF  }
.Ltmp1:
0x9: {  	_ = 	snop;
	(pc) =	sbr.rel @p1 .LBB2_4-.Ltmp1, $4  }
.Ltmp2:
0xa: {  	_ = 	snop;
	(pc) =	sbr.rel @!p1 .LBB2_3-.Ltmp2, $4  }
0xb: {  	[tilespmem:s7], [sflag:$0x1] =	stream.linear.gather [hbm4b:s11+s7], $0x570, $0x38;
	[tilespmem:$0x16F0] =	vst v63  }
0xc: {  	s9 =	simm.s32 $0x650  }
0xd: {  	[tilespmem:s9], [sflag:$0x1] =	stream.linear.gather [hbm4b:s10+s7], $0x570, $0x38;
	[tilespmem:$0x16F0] =	vst v63  }
0xe: {  	_ = 	snop  }
.LBB2_1:
0xf: {  	s12 =	sadd.s32 $0x16000, s9;
	s13 =	simm.s32 $0xCA0  }
0x10: {  	[tilespmem:s13], [sflag:$0x2] =	stream.linear.gather [hbm4b:s12+s7], $0x200, $0x38;
	[tilespmem:$0x16F0] =	vst v63  }
0x11: {  	s24 =	sadd.s32 $0x1D400, s9;
	s25 =	simm.s32 $0xEA0  }
0x12: {  	[tilespmem:s25], [sflag:$0x2] =	stream.linear.gather [hbm4b:s24+s7], $0x200, $0x38;
	[tilespmem:$0x16F0] =	vst v63  }
0x13: {  	s26 =	sadd.s32 $0x16200, s9;
	s28 =	simm.s32 $0x10A0  }
0x14: {  	[tilespmem:s28], [sflag:$0x2] =	stream.linear.gather [hbm4b:s26+s7], $0x200, $0x38;
	[tilespmem:$0x16F0] =	vst v63  }
0x15: {  	s29 =	sadd.s32 $0x1D600, s9;
	s30 =	simm.s32 $0x12A0  }
0x16: {  	[tilespmem:s30], [sflag:$0x2] =	stream.linear.gather [hbm4b:s29+s7], $0x200, $0x38;
	[tilespmem:$0x16F0] =	vst v63  }
0x17: {  	_ = 	snop  }
0x18: {  	[tilespmem:s7], [sflag:$0x1] =	stream.linear.gather [hbm4b:s11+s7], $0x570, $0x38;
	[tilespmem:$0x16F0] =	vst v63  }
0x19: {  	s31 =	simm.s32 $0x650  }
0x1a: {  	[tilespmem:s31], [sflag:$0x1] =	stream.linear.gather [hbm4b:s10+s7], $0x570, $0x38;
	[tilespmem:$0x16F0] =	vst v63  }
.LBB2_3:
0x1b: {  	s7 =	sadd.s32 $0xAE, s8  }
0x1c: {  	s29 =	simm.s32 $0x0;
	s9 =	simm.s32 $0x570;
	s6 =	sadd.s32 s6, s7  }
0x1d: {  	[tilespmem:s9], [sflag:$0x1] =	stream.linear.gather [hbm4b:s6+s29], $0xE0, $0x38;
	[tilespmem:$0x16F0] =	vst v63  }
0x1e: {  	s30 =	simm.s32 $0xBC0;
	s31 =	simm.s32 $0x1;
	s5 =	sadd.s32 s5, s7  }
0x1f: {  	[tilespmem:s30], [sflag:$0x1] =	stream.linear.gather [hbm4b:s5+s29], $0xE0, $0x38;
	[tilespmem:$0x16F0] =	vst v63  }
0x20: {  	_ =	swait.ge [sflag:s31], $0xE0  }
0x21: {  	[sflag:s31] =	ssyncset.done $0x0  }
0x22: {  	[sflag:s31] =	ssyncadd.s32 $0xFFFFFF20  }
0x23: {  	_ =	swait.ge [sflag:s31], $0xE0  }
0x24: {  	[sflag:s31] =	ssyncset.done $0x0  }
0x25: {  	[sflag:s31] =	ssyncadd.s32 $0xFFFFFF20  }
.LBB2_4:
0x26: {  	s5 =	simm.s32 $0x1  }
0x27: {  	_ =	swait.ge [sflag:s5], $0x570  }
0x28: {  	[sflag:s5] =	ssyncset.done $0x0  }
0x29: {  	[sflag:s5] =	ssyncadd.s32 $0xFFFFFA90  }
0x2a: {  	_ =	swait.ge [sflag:s5], $0x570  }
0x2b: {  	[sflag:s5] =	ssyncset.done $0x0  }
0x2c: {  	s29 =	simm.s32 $0x0;
	[sflag:s5] =	ssyncadd.s32 $0xFFFFFA90  }
0x2d: {  	v0 =	vld [tilespmem:s29+$0x650]  }
0x2e: {  	v1 =	vld [tilespmem:s29+$0x0];
	_ =	sdelay $0x4  }
0x2f: {  	v0 =	vsub.f32 v0, v1;
	_ =	sdelay $0x1  }
0x30: {  	vm0 =	vclass.f32 v0, $0x102  }
0x31: {  	v3 =	vimm.f32 $-Inf;
	v0 =	vsel vm0, $0x0, v0  }
0x32: {  	s30 =	simm.s32 $0x10;
	v1 =	vmin.f32 v3, v0  }
0x33: {  	v2 =	vld [tilespmem:s30+$0x650];
	v10 =	vmin.f32 v3, v1  }
0x34: {  	v4 =	vld [tilespmem:s30+$0x0];
	v19 =	vmin.f32 v3, v10  }
0x35: {  	v31 =	vimm.f32 $-Inf;
	v30 =	vimm.f32 $-Inf;
	v20 =	vmin.f32 v3, v19  }
0x36: {  	v29 =	vimm.f32 $-Inf;
	v28 =	vimm.f32 $-Inf;
	v18 =	vmin.f32 v3, v20  }
0x37: {  	v27 =	vimm.f32 $-Inf;
	v26 =	vimm.f32 $-Inf;
	v15 =	vmin.f32 v3, v18  }
0x38: {  	v25 =	vimm.f32 $-Inf;
	v24 =	vimm.f32 $-Inf;
	v7 =	vmin.f32 v3, v15  }
0x39: {  	v2 =	vsub.f32 v2, v4;
	v6 =	vmul.f32 v0, v0;
	v8 =	vmin.f32 v3, v7  }
0x3a: {  	v23 =	vimm.f32 $-Inf;
	v4 =	vimm.f32 $0.0e+00;
	v5 =	vmin.f32 v3, v8  }
0x3b: {  	vm15 =	vclass.f32 v2, $0x102;
	v21 =	vadd.f32 v6, v4;
	v6 =	vmin.f32 v3, v5  }
0x3c: {  	s31 =	simm.s32 $0x20;
	v17 =	vsel vm15, $0x0, v2;
	v16 =	vmax.f32 v3, v0;
	v4 =	vmin.f32 v3, v6  }
0x3d: {  	v33 =	vld [tilespmem:s31+$0x650];
	v13 =	vmin.f32 v16, v17;
	v9 =	vmax.f32 v3, v1;
	v2 =	vmin.f32 v3, v4  }
0x3e: {  	v34 =	vld [tilespmem:s31+$0x0];
	v14 =	vmin.f32 v9, v13;
	v12 =	vmax.f32 v3, v10;
	v1 =	vmin.f32 v3, v2  }
0x3f: {  	v22 =	vimm.f32 $-Inf;
	v11 =	vmin.f32 v12, v14;
	v0 =	vmin.f32 v3, v1  }
0x40: {  	s3 =	sadd.s32 s3, s2;
	s5 =	simm.s32 $0xC0;
	v32 =	vmovc v17;
	v10 =	vmax.f32 v3, v19;
	v19 =	vimm.f32 $-Inf;
	v35 =	vmin.f32 v3, v0  }
.LBB2_5:
0x41: {  	p1 =	sne.s32 s5, $0x1580;
	v3 =	vmax.f32 v3, v20;
	v20 =	vmin.f32 v10, v11;
	v31 =	vmax.f32 v31, v35  }
0x42: {  	v32 =	vmul.f32 v32, v17;
	v30 =	vmax.f32 v30, v18;
	v18 =	vmin.f32 v3, v20  }
0x43: {  	v29 =	vmax.f32 v29, v15;
	v33 =	vsub.f32 v33, v34;
	v15 =	vmin.f32 v30, v18  }
0x44: {  	v28 =	vmax.f32 v28, v7;
	v21 =	vadd.f32 v32, v21;
	v7 =	vmin.f32 v29, v15  }
0x45: {  	v27 =	vmax.f32 v27, v8;
	vm0 =	vclass.f32 v33, $0x102;
	v8 =	vmin.f32 v28, v7  }
0x46: {  	v26 =	vmax.f32 v26, v5;
	v32 =	vsel vm0, $0x0, v33;
	v5 =	vmin.f32 v27, v8  }
0x47: {  	v16 =	vmax.f32 v16, v17;
	v25 =	vmax.f32 v25, v6;
	v6 =	vmin.f32 v26, v5;
	v17 =	vmovc v32  }
.Ltmp3:
0x48: {  	s6 =	sshra.s32 s5, $0x2;
	v24 =	vmax.f32 v24, v4;
	v34 =	vmin.f32 v16, v17;
	v4 =	vmin.f32 v25, v6;
	(pc) =	sbr.rel @p1 .LBB2_5-.Ltmp3, $4  }
0x49: {  	v9 =	vmax.f32 v9, v13;
	v23 =	vmax.f32 v23, v2;
	v33 =	vld [tilespmem:s6+$0x650];
	v2 =	vmin.f32 v24, v4;
	v13 =	vmovc v34  }
0x4a: {  	v22 =	vmax.f32 v22, v1;
	v34 =	vld [tilespmem:s6+$0x0];
	v35 =	vmin.f32 v9, v13;
	v1 =	vmin.f32 v23, v2  }
0x4b: {  	v12 =	vmax.f32 v12, v14;
	v19 =	vmax.f32 v19, v0;
	v0 =	vmin.f32 v22, v1;
	v14 =	vmovc v35  }
0x4c: {  	s5 =	sadd.s32 $0x40, s5;
	v10 =	vmax.f32 v10, v11;
	v11 =	vmin.f32 v12, v14;
	v35 =	vmin.f32 v19, v0  }
0x4d: {  	v36 =	vmin.f32 v10, v11;
	v3 =	vmax.f32 v3, v20;
	v20 =	vmax.f32 v31, v35  }
0x4e: {  	v53 =	vmul.f32 v32, v17;
	v18 =	vmax.f32 v30, v18;
	v15 =	vmax.f32 v29, v15  }
0x4f: {  	v7 =	vmax.f32 v28, v7;
	v8 =	vmax.f32 v27, v8;
	v5 =	vmax.f32 v26, v5  }
0x50: {  	v16 =	vmax.f32 v16, v17;
	v6 =	vmax.f32 v25, v6;
	v59 =	vmax.f32 v9, v13  }
0x51: {  	v4 =	vmax.f32 v24, v4;
	v12 =	vmax.f32 v12, v14;
	v10 =	vmax.f32 v10, v11  }
0x52: {  	v2 =	vmax.f32 v23, v2;
	v1 =	vmax.f32 v22, v1;
	v0 =	vmax.f32 v19, v0  }
0x53: {  	v54 =	vmin.f32 v3, v36;
	v3 =	vmax.f32 v3, v36;
	v55 =	vsub.f32 v33, v34  }
0x54: {  	v56 =	vmin.f32 v18, v54;
	v21 =	vadd.f32 v53, v21;
	v18 =	vmax.f32 v18, v54  }
0x55: {  	v29 =	vmin.f32 v15, v56;
	v15 =	vmax.f32 v15, v56;
	vm0 =	vclass.f32 v55, $0x102  }
0x56: {  	v28 =	vmin.f32 v7, v29;
	v7 =	vmax.f32 v7, v29;
	v27 =	vsel vm0, $0x0, v55  }
0x57: {  	v57 =	vmin.f32 v8, v28;
	v28 =	vmax.f32 v8, v28;
	v25 =	vmin.f32 v16, v27  }
0x58: {  	v58 =	vmin.f32 v5, v57;
	v5 =	vmax.f32 v5, v57;
	v24 =	vmin.f32 v59, v25  }
0x59: {  	v9 =	vmul.f32 v27, v27;
	v26 =	vmin.f32 v6, v58;
	v14 =	vmin.f32 v12, v24  }
0x5a: {  	v17 =	vmax.f32 v6, v58;
	v13 =	vmin.f32 v4, v26;
	v11 =	vmin.f32 v10, v14  }
0x5b: {  	v4 =	vmax.f32 v4, v26;
	v9 =	vadd.f32 v9, v21;
	v60 =	vmin.f32 v3, v11  }
0x5c: {  	v23 =	vmin.f32 v2, v13;
	v26 =	vmax.f32 v2, v13;
	v22 =	vmin.f32 v18, v60  }
0x5d: {  	v13 =	vmax.f32 v16, v27;
	v27 =	vmax.f32 v10, v14;
	v33 =	vmin.f32 v15, v22  }
0x5e: {  	v61 =	vmin.f32 v1, v23;
	v1 =	vmax.f32 v1, v23;
	v19 =	vmin.f32 v7, v33  }
0x5f: {  	v23 =	vmax.f32 v12, v24;
	v12 =	vmax.f32 v3, v11;
	v29 =	vmin.f32 v28, v19  }
0x60: {  	v8 =	vmin.f32 v0, v61;
	v0 =	vmax.f32 v0, v61;
	v30 =	vmin.f32 v5, v29  }
0x61: {  	p1 =	seq.s32 s4, $0xF;
	v11 =	vmax.f32 v18, v60;
	v6 =	vmax.f32 v20, v8;
	v62 =	vmin.f32 v17, v30  }
.Ltmp4:
0x62: {  	v20 =	vmax.f32 v59, v25;
	v10 =	vmax.f32 v15, v22;
	v21 =	vmin.f32 v4, v62;
	(pc) =	sbr.rel @p1 .LBB2_10-.Ltmp4, $4  }
0x63: {  	v8 =	vmax.f32 v7, v33;
	v7 =	vmax.f32 v28, v19;
	v63 =	vmin.f32 v26, v21  }
0x64: {  	v4 =	vmax.f32 v4, v62;
	v3 =	vmax.f32 v26, v21;
	v25 =	vmin.f32 v1, v63  }
0x65: {  	v1 =	vmax.f32 v1, v63;
	v2 =	vmin.f32 v0, v25;
	v0 =	vmax.f32 v0, v25  }
0x66: {  	v2 =	vmax.f32 v6, v2;
	v6 =	vmax.f32 v5, v29;
	v5 =	vmax.f32 v17, v30  }
0x67: {  	s4 =	simm.s32 $0x0  }
0x68: {  	v14 =	vld [tilespmem:s4+$0xBC0]  }
0x69: {  	v15 =	vld [tilespmem:s4+$0x570];
	_ =	sdelay $0x4  }
0x6a: {  	v14 =	vsub.f32 v14, v15;
	_ =	sdelay $0x1  }
0x6b: {  	vm0 =	vclass.f32 v14, $0x102  }
0x6c: {  	v14 =	vsel vm0, $0x0, v14  }
0x6d: {  	v26 =	vmin.f32 v13, v14  }
0x6e: {  	s30 =	simm.s32 $0x10;
	v28 =	vmin.f32 v20, v26  }
0x6f: {  	v16 =	vld [tilespmem:s30+$0x570];
	v33 =	vmin.f32 v23, v28  }
0x70: {  	v15 =	vld [tilespmem:s30+$0xBC0];
	v30 =	vmin.f32 v27, v33  }
0x71: {  	v29 =	vmin.f32 v12, v30  }
0x72: {  	v21 =	vmin.f32 v11, v29  }
0x73: {  	v19 =	vmin.f32 v10, v21  }
0x74: {  	v17 =	vmin.f32 v8, v19  }
0x75: {  	v22 =	vmul.f32 v14, v14;
	v24 =	vsub.f32 v15, v16;
	v18 =	vmin.f32 v7, v17  }
0x76: {  	v16 =	vmin.f32 v6, v18  }
0x77: {  	s31 =	simm.s32 $0x20;
	v31 =	vadd.f32 v22, v9;
	vm15 =	vclass.f32 v24, $0x102;
	v15 =	vmin.f32 v5, v16  }
0x78: {  	v32 =	vld [tilespmem:s31+$0xBC0];
	v22 =	vmax.f32 v13, v14;
	v25 =	vsel vm15, $0x0, v24;
	v14 =	vmin.f32 v4, v15  }
0x79: {  	v34 =	vld [tilespmem:s31+$0x570];
	v20 =	vmax.f32 v20, v26;
	v24 =	vmin.f32 v22, v25;
	v13 =	vmin.f32 v3, v14  }
0x7a: {  	v23 =	vmax.f32 v23, v28;
	v26 =	vmin.f32 v20, v24;
	v9 =	vmin.f32 v1, v13  }
0x7b: {  	s4 =	simm.s32 $0xC0;
	v27 =	vmax.f32 v27, v33;
	v33 =	vmovc v25;
	v28 =	vmin.f32 v23, v26;
	v35 =	vmin.f32 v0, v9  }
.LBB2_8:
0x7c: {  	p1 =	sne.s32 s4, $0x340;
	v12 =	vmax.f32 v12, v30;
	v30 =	vmin.f32 v27, v28;
	v2 =	vmax.f32 v2, v35  }
0x7d: {  	v33 =	vmul.f32 v33, v25;
	v11 =	vmax.f32 v11, v29;
	v29 =	vmin.f32 v12, v30  }
0x7e: {  	v10 =	vmax.f32 v10, v21;
	v32 =	vsub.f32 v32, v34;
	v21 =	vmin.f32 v11, v29  }
0x7f: {  	v8 =	vmax.f32 v8, v19;
	v31 =	vadd.f32 v33, v31;
	v19 =	vmin.f32 v10, v21  }
0x80: {  	v7 =	vmax.f32 v7, v17;
	vm0 =	vclass.f32 v32, $0x102;
	v17 =	vmin.f32 v8, v19  }
0x81: {  	v6 =	vmax.f32 v6, v18;
	v33 =	vsel vm0, $0x0, v32;
	v18 =	vmin.f32 v7, v17  }
0x82: {  	v22 =	vmax.f32 v22, v25;
	v5 =	vmax.f32 v5, v16;
	v16 =	vmin.f32 v6, v18;
	v25 =	vmovc v33  }
.Ltmp5:
0x83: {  	s5 =	sshra.s32 s4, $0x2;
	v4 =	vmax.f32 v4, v15;
	v34 =	vmin.f32 v22, v25;
	v15 =	vmin.f32 v5, v16;
	(pc) =	sbr.rel @p1 .LBB2_8-.Ltmp5, $4  }
0x84: {  	v20 =	vmax.f32 v20, v24;
	v3 =	vmax.f32 v3, v14;
	v32 =	vld [tilespmem:s5+$0xBC0];
	v14 =	vmin.f32 v4, v15;
	v24 =	vmovc v34  }
0x85: {  	v1 =	vmax.f32 v1, v13;
	v34 =	vld [tilespmem:s5+$0x570];
	v35 =	vmin.f32 v20, v24;
	v13 =	vmin.f32 v3, v14  }
0x86: {  	v23 =	vmax.f32 v23, v26;
	v0 =	vmax.f32 v0, v9;
	v9 =	vmin.f32 v1, v13;
	v26 =	vmovc v35  }
0x87: {  	s4 =	sadd.s32 $0x40, s4;
	v27 =	vmax.f32 v27, v28;
	v28 =	vmin.f32 v23, v26;
	v35 =	vmin.f32 v0, v9  }
0x88: {  	v36 =	vmin.f32 v27, v28;
	v12 =	vmax.f32 v12, v30;
	v2 =	vmax.f32 v2, v35  }
0x89: {  	v53 =	vmul.f32 v33, v25;
	v11 =	vmax.f32 v11, v29;
	v10 =	vmax.f32 v10, v21  }
0x8a: {  	v8 =	vmax.f32 v8, v19;
	v7 =	vmax.f32 v7, v17;
	v6 =	vmax.f32 v6, v18  }
0x8b: {  	v18 =	vmax.f32 v22, v25;
	v5 =	vmax.f32 v5, v16;
	v20 =	vmax.f32 v20, v24  }
0x8c: {  	v4 =	vmax.f32 v4, v15;
	v23 =	vmax.f32 v23, v26;
	v27 =	vmax.f32 v27, v28  }
0x8d: {  	v3 =	vmax.f32 v3, v14;
	v1 =	vmax.f32 v1, v13;
	v0 =	vmax.f32 v0, v9  }
0x8e: {  	v54 =	vmin.f32 v12, v36;
	v12 =	vmax.f32 v12, v36;
	v29 =	vsub.f32 v32, v34  }
0x8f: {  	v55 =	vmin.f32 v11, v54;
	v21 =	vadd.f32 v53, v31;
	v11 =	vmax.f32 v11, v54  }
0x90: {  	v56 =	vmin.f32 v10, v55;
	v10 =	vmax.f32 v10, v55;
	vm0 =	vclass.f32 v29, $0x102  }
0x91: {  	v19 =	vmin.f32 v8, v56;
	v8 =	vmax.f32 v8, v56;
	v57 =	vsel vm0, $0x0, v29  }
0x92: {  	v29 =	vmin.f32 v7, v19;
	v7 =	vmax.f32 v7, v19;
	v58 =	vmin.f32 v18, v57  }
0x93: {  	v22 =	vmin.f32 v6, v29;
	v6 =	vmax.f32 v6, v29;
	v15 =	vmin.f32 v20, v58  }
0x94: {  	v13 =	vmul.f32 v57, v57;
	v25 =	vmin.f32 v5, v22;
	v26 =	vmin.f32 v23, v15  }
0x95: {  	v5 =	vmax.f32 v5, v22;
	v20 =	vmax.f32 v20, v58;
	v14 =	vmin.f32 v27, v26  }
0x96: {  	v24 =	vmin.f32 v4, v25;
	v4 =	vmax.f32 v4, v25;
	v59 =	vmin.f32 v12, v14  }
0x97: {  	v23 =	vmax.f32 v23, v15;
	v28 =	vmin.f32 v3, v24;
	v33 =	vmin.f32 v11, v59  }
0x98: {  	v3 =	vmax.f32 v3, v24;
	v27 =	vmax.f32 v27, v26;
	v61 =	vmin.f32 v10, v33  }
0x99: {  	v60 =	vmin.f32 v1, v28;
	v1 =	vmax.f32 v1, v28;
	v30 =	vmin.f32 v8, v61  }
0x9a: {  	v12 =	vmax.f32 v12, v14;
	v9 =	vmin.f32 v0, v60;
	v19 =	vmin.f32 v7, v30  }
0x9b: {  	v0 =	vmax.f32 v0, v60;
	v11 =	vmax.f32 v11, v59;
	v29 =	vmin.f32 v6, v19  }
0x9c: {  	v2 =	vmax.f32 v2, v9;
	v9 =	vadd.f32 v13, v21;
	v22 =	vmin.f32 v5, v29  }
0x9d: {  	v13 =	vmax.f32 v18, v57;
	v10 =	vmax.f32 v10, v33;
	v21 =	vmin.f32 v4, v22  }
0x9e: {  	v8 =	vmax.f32 v8, v61;
	v7 =	vmax.f32 v7, v30;
	v62 =	vmin.f32 v3, v21  }
0x9f: {  	v6 =	vmax.f32 v6, v19;
	v5 =	vmax.f32 v5, v29;
	v63 =	vmin.f32 v1, v62  }
0xa0: {  	v4 =	vmax.f32 v4, v22;
	v3 =	vmax.f32 v3, v21;
	v15 =	vmin.f32 v0, v63  }
0xa1: {  	v1 =	vmax.f32 v1, v62;
	v0 =	vmax.f32 v0, v63;
	v2 =	vmax.f32 v2, v15  }
.LBB2_10:
0xa2: {  	(xrf1) =	vsort.ascd.msk.f32 $0xffff, v13, v13  }
0xa3: {  	(xrf1) =	vsort.ascd.msk.f32 $0xffff, v20, v20;
	_ =	sdelay $0xa  }
0xa4: {  	v38 =	vlaneseq.u32  }
0xa5: {  	v13 =	vmul.u32 $0xFFFFFFFF, v38  }
0xa6: {  	v14, _, _ =	vpop (xrf1)  }
0xa7: {  	v13 =	vadd.s32 $0xF, v13;
	v15, _, _ =	vpop (xrf1)  }
0xa8: {  	v15 =	vperm.xlane v15, v13;
	_ =	sdelay $0x1  }
0xa9: {  	v14 =	vmax.f32 v14, v15  }
0xaa: {  	(xrf1) =	vsort.ascd.msk.f32 $0xffff, v14, v14  }
0xab: {  	(xrf1) =	vsort.ascd.msk.f32 $0xffff, v23, v23;
	_ =	sdelay $0xc  }
0xac: {  	v14, _, _ =	vpop (xrf1)  }
0xad: {  	v39, _, _ =	vpop (xrf1)  }
0xae: {  	v15 =	vperm.xlane v39, v13;
	_ =	sdelay $0x1  }
0xaf: {  	v14 =	vmax.f32 v14, v15  }
0xb0: {  	(xrf1) =	vsort.ascd.msk.f32 $0xffff, v14, v14  }
0xb1: {  	(xrf1) =	vsort.ascd.msk.f32 $0xffff, v27, v27;
	_ =	sdelay $0xc  }
0xb2: {  	v14, _, _ =	vpop (xrf1)  }
0xb3: {  	v40, _, _ =	vpop (xrf1)  }
0xb4: {  	v15 =	vperm.xlane v40, v13;
	_ =	sdelay $0x1  }
0xb5: {  	v14 =	vmax.f32 v14, v15  }
0xb6: {  	(xrf1) =	vsort.ascd.msk.f32 $0xffff, v14, v14  }
0xb7: {  	(xrf1) =	vsort.ascd.msk.f32 $0xffff, v12, v12;
	_ =	sdelay $0xc  }
0xb8: {  	v41, _, _ =	vpop (xrf1)  }
0xb9: {  	v42, _, _ =	vpop (xrf1)  }
0xba: {  	v14 =	vperm.xlane v42, v13;
	_ =	sdelay $0x1  }
0xbb: {  	v12 =	vmax.f32 v41, v14  }
0xbc: {  	(xrf1) =	vsort.ascd.msk.f32 $0xffff, v12, v12  }
0xbd: {  	(xrf1) =	vsort.ascd.msk.f32 $0xffff, v11, v11;
	_ =	sdelay $0xc  }
0xbe: {  	v43, _, _ =	vpop (xrf1)  }
0xbf: {  	v44, _, _ =	vpop (xrf1)  }
0xc0: {  	v12 =	vperm.xlane v44, v13;
	_ =	sdelay $0x1  }
0xc1: {  	v11 =	vmax.f32 v43, v12  }
0xc2: {  	(xrf1) =	vsort.ascd.msk.f32 $0xffff, v11, v11  }
0xc3: {  	(xrf1) =	vsort.ascd.msk.f32 $0xffff, v10, v10;
	_ =	sdelay $0xc  }
0xc4: {  	v45, _, _ =	vpop (xrf1)  }
0xc5: {  	v46, _, _ =	vpop (xrf1)  }
0xc6: {  	v11 =	vperm.xlane v46, v13;
	_ =	sdelay $0x1  }
0xc7: {  	v10 =	vmax.f32 v45, v11  }
0xc8: {  	(xrf1) =	vsort.ascd.msk.f32 $0xffff, v10, v10  }
0xc9: {  	(xrf1) =	vsort.ascd.msk.f32 $0xffff, v8, v8;
	_ =	sdelay $0xc  }
0xca: {  	v47, _, _ =	vpop (xrf1)  }
0xcb: {  	v48, _, _ =	vpop (xrf1)  }
0xcc: {  	v10 =	vperm.xlane v48, v13;
	_ =	sdelay $0x1  }
0xcd: {  	v8 =	vmax.f32 v47, v10  }
0xce: {  	(xrf1) =	vsort.ascd.msk.f32 $0xffff, v8, v8  }
0xcf: {  	(xrf1) =	vsort.ascd.msk.f32 $0xffff, v7, v7;
	_ =	sdelay $0xc  }
0xd0: {  	v49, _, _ =	vpop (xrf1)  }
0xd1: {  	v50, _, _ =	vpop (xrf1)  }
0xd2: {  	v8 =	vperm.xlane v50, v13;
	_ =	sdelay $0x1  }
0xd3: {  	v7 =	vmax.f32 v49, v8  }
0xd4: {  	(xrf1) =	vsort.ascd.msk.f32 $0xffff, v7, v7  }
0xd5: {  	(xrf1) =	vsort.ascd.msk.f32 $0xffff, v6, v6;
	_ =	sdelay $0xc  }
0xd6: {  	v51, _, _ =	vpop (xrf1)  }
0xd7: {  	v52, _, _ =	vpop (xrf1)  }
0xd8: {  	v7 =	vperm.xlane v52, v13;
	_ =	sdelay $0x1  }
0xd9: {  	v6 =	vmax.f32 v51, v7  }
0xda: {  	(xrf1) =	vsort.ascd.msk.f32 $0xffff, v6, v6  }
0xdb: {  	(xrf1) =	vsort.ascd.msk.f32 $0xffff, v5, v5;
	_ =	sdelay $0xc  }
0xdc: {  	v53, _, _ =	vpop (xrf1)  }
0xdd: {  	v54, _, _ =	vpop (xrf1)  }
0xde: {  	v6 =	vperm.xlane v54, v13;
	_ =	sdelay $0x1  }
0xdf: {  	v5 =	vmax.f32 v53, v6  }
0xe0: {  	(xrf1) =	vsort.ascd.msk.f32 $0xffff, v5, v5  }
0xe1: {  	(xrf1) =	vsort.ascd.msk.f32 $0xffff, v4, v4;
	_ =	sdelay $0xc  }
0xe2: {  	v55, _, _ =	vpop (xrf1)  }
0xe3: {  	v56, _, _ =	vpop (xrf1)  }
0xe4: {  	v5 =	vperm.xlane v56, v13;
	_ =	sdelay $0x1  }
0xe5: {  	v4 =	vmax.f32 v55, v5  }
0xe6: {  	(xrf1) =	vsort.ascd.msk.f32 $0xffff, v4, v4  }
0xe7: {  	(xrf1) =	vsort.ascd.msk.f32 $0xffff, v3, v3;
	_ =	sdelay $0xc  }
0xe8: {  	v57, _, _ =	vpop (xrf1)  }
0xe9: {  	v58, _, _ =	vpop (xrf1)  }
0xea: {  	v4 =	vperm.xlane v58, v13;
	_ =	sdelay $0x1  }
0xeb: {  	v3 =	vmax.f32 v57, v4  }
0xec: {  	(xrf1) =	vsort.ascd.msk.f32 $0xffff, v3, v3  }
0xed: {  	(xrf1) =	vsort.ascd.msk.f32 $0xffff, v1, v1;
	_ =	sdelay $0xc  }
0xee: {  	v59, _, _ =	vpop (xrf1)  }
0xef: {  	v60, _, _ =	vpop (xrf1)  }
0xf0: {  	v3 =	vperm.xlane v60, v13;
	_ =	sdelay $0x1  }
0xf1: {  	v1 =	vmax.f32 v59, v3  }
0xf2: {  	(xrf1) =	vsort.ascd.msk.f32 $0xffff, v1, v1  }
0xf3: {  	(xrf1) =	vsort.ascd.msk.f32 $0xffff, v0, v0;
	_ =	sdelay $0xc  }
0xf4: {  	v61, _, _ =	vpop (xrf1)  }
0xf5: {  	v62, _, _ =	vpop (xrf1)  }
0xf6: {  	v1 =	vperm.xlane v62, v13;
	_ =	sdelay $0x1  }
0xf7: {  	v0 =	vmax.f32 v61, v1  }
0xf8: {  	(xrf1) =	vsort.ascd.msk.f32 $0xffff, v0, v0  }
0xf9: {  	(xrf1) =	vsort.ascd.msk.f32 $0xffff, v2, v2;
	_ =	sdelay $0xc  }
0xfa: {  	v0, _, _ =	vpop (xrf1)  }
0xfb: {  	v63, _, _ =	vpop (xrf1)  }
0xfc: {  	v1 =	vperm.xlane v63, v13;
	_ =	sdelay $0x1  }
0xfd: {  	v0 =	vmax.f32 v0, v1  }
0xfe: {  	(xrf1) =	vsort.ascd.msk.f32 $0xffff, v0, v0;
	_ =	sdelay $0xd  }
0xff: {  	[tilespmem:$0x16D0] =	vst v9;
	v0, _, _ =	vpop (xrf1)  }
0x100: {  	s4 =	simm.s32 $0x16C0;
	[tilespmem:$0x16C0] =	vst v0  }
0x101: {  	[spmem:s3] =	stream.linear.scatter [tilespmem:s4], [sflag:$0x3], $0x20, $0x38;
	[tilespmem:$0x16F0] =	vst v63  }
0x102: {  	s3 =	simm.s32 $0x3  }
0x103: {  	_ =	swait.ge [sflag:s3], $0x20  }
0x104: {  	[sflag:s3] =	ssyncset.done $0x0  }
0x105: {  	[sflag:s3] =	ssyncadd.s32 $0xFFFFFFE0  }
0x106: {  	[bflag:$0x0] =	sbarrier.arrive $0xFFFF  }
0x107: {  	_ =	sfence.sel @p0 $0x180000  }
0x108: {  	[bflag:$0x0] =	sbarrier.arrive @p0 $0xFFFF  }
0x109: {  	_ =	strace @p0 $0x9000004D  }
0x10a: {  	[bflag:$0x2] =	sbarrier.arrive @p0 $0xFFFF  }
0x10b: {  	_ =	shalt @p0  }
.LBB2_11:
0x10c: {  	s4 =	simm.s32 $0x14A0  }
0x10d: {  	[tilespmem:s4], [sflag:$0x3] =	stream.linear.gather [spmem:s2], $0x200, $0x38;
	[tilespmem:$0x16F0] =	vst v63  }
0x10e: {  	_ =	swait.ge [sflag:s3], $0x200  }
0x10f: {  	[sflag:s3] =	ssyncset.done $0x0  }
0x110: {  	s30 =	simm.s32 $0x2;
	[sflag:s3] =	ssyncadd.s32 $0xFFFFFE00  }
0x111: {  	_ =	swait.ge [sflag:s30], $0x200  }
0x112: {  	[sflag:s30] =	ssyncset.done $0x0  }
0x113: {  	[sflag:s30] =	ssyncadd.s32 $0xFFFFFE00  }
0x114: {  	_ =	swait.ge [sflag:s30], $0x200  }
0x115: {  	[sflag:s30] =	ssyncset.done $0x0  }
0x116: {  	[sflag:s30] =	ssyncadd.s32 $0xFFFFFE00  }
0x117: {  	_ =	swait.ge [sflag:s30], $0x200  }
0x118: {  	[sflag:s30] =	ssyncset.done $0x0  }
0x119: {  	[sflag:s30] =	ssyncadd.s32 $0xFFFFFE00  }
0x11a: {  	_ =	swait.ge [sflag:s30], $0x200  }
0x11b: {  	[sflag:s30] =	ssyncset.done $0x0  }
0x11c: {  	s31 =	simm.s32 $0x0;
	[sflag:s30] =	ssyncadd.s32 $0xFFFFFE00  }
0x11d: {  	v8 =	vimm.f32 $0.0e+00;
	s2 =	simm.s32 $0x40;
	v9 =	vld [tilespmem:s31+$0x10A0]  }
.LBB2_12:
0x11e: {  	p0 =	sne.s32 s2, $0xFC0  }
.Ltmp6:
0x11f: {  	_ = 	snop;
	(pc) =	sbr.rel @p0 .LBB2_12-.Ltmp6, $3  }
0x120: {  	_ =	sdelay $0x1  }
0x121: {  	s3 =	sshra.s32 s2, $0x2;
	s2 =	sadd.s32 $0x40, s2;
	v8 =	vadd.f32 v9, v8  }
0x122: {  	v9 =	vld [tilespmem:s3+$0x10A0]  }
0x123: {  	s2 =	simm.s32 $0x0  }
0x124: {  	v10 =	vld [tilespmem:s2+$0xCA0];
	_ =	sdelay $0x2  }
0x125: {  	v0 =	vld [tilespmem:$0x14B0]  }
0x126: {  	v17 =	vimm.f32 $-Inf;
	v1 =	vld [tilespmem:$0x14D0]  }
0x127: {  	v2 =	vld [tilespmem:$0x14F0];
	v11 =	vmin.f32 v17, v10  }
0x128: {  	v3 =	vld [tilespmem:$0x1510];
	v12 =	vmin.f32 v17, v11  }
0x129: {  	v4 =	vld [tilespmem:$0x1530];
	v14 =	vmin.f32 v17, v12  }
0x12a: {  	v6 =	vld [tilespmem:$0x1550];
	v15 =	vmin.f32 v17, v14  }
0x12b: {  	s3 =	simm.s32 $0x10;
	v7 =	vld [tilespmem:$0x1570];
	v16 =	vmin.f32 v17, v15  }
0x12c: {  	v47 =	vimm.f32 $-Inf;
	v28 =	vld [tilespmem:s3+$0xCA0];
	v38 =	vmin.f32 v17, v16  }
0x12d: {  	v5 =	vld [tilespmem:$0x1590];
	s31 =	simm.s32 $0x20;
	v48 =	vimm.f32 $-Inf;
	v46 =	vimm.f32 $-Inf;
	v26 =	vmin.f32 v17, v38  }
0x12e: {  	v45 =	vimm.f32 $-Inf;
	v43 =	vimm.f32 $-Inf;
	v44 =	vld [tilespmem:s31+$0xCA0];
	v25 =	vmin.f32 v17, v26  }
0x12f: {  	v42 =	vimm.f32 $-Inf;
	v13 =	vadd.f32 v9, v8;
	v8 =	vld [tilespmem:$0x15B0];
	v23 =	vmin.f32 v17, v25  }
0x130: {  	v41 =	vimm.f32 $-Inf;
	v9 =	vld [tilespmem:$0x15D0];
	v40 =	vmax.f32 v17, v10;
	v21 =	vmin.f32 v17, v23  }
0x131: {  	v10 =	vld [tilespmem:$0x15F0];
	v37 =	vmin.f32 v40, v28;
	v31 =	vmax.f32 v17, v11;
	v24 =	vmin.f32 v17, v21  }
0x132: {  	v11 =	vld [tilespmem:$0x1610];
	v30 =	vmin.f32 v31, v37;
	v27 =	vmax.f32 v17, v12;
	v22 =	vmin.f32 v17, v24  }
0x133: {  	v12 =	vld [tilespmem:$0x1630];
	v34 =	vmin.f32 v27, v30;
	v29 =	vmax.f32 v17, v14;
	v20 =	vmin.f32 v17, v22  }
0x134: {  	v14 =	vld [tilespmem:$0x1650];
	v33 =	vmin.f32 v29, v34;
	v32 =	vmax.f32 v17, v15;
	v18 =	vmin.f32 v17, v20  }
0x135: {  	v36 =	vmin.f32 v32, v33;
	v35 =	vmax.f32 v17, v16;
	v16 =	vld [tilespmem:$0x1690];
	v15 =	vmin.f32 v17, v18  }
0x136: {  	s3 =	simm.s32 $0xC0;
	v39 =	vmin.f32 v35, v36;
	v38 =	vmax.f32 v17, v38;
	v19 =	vmax.f32 v17, v15;
	v15 =	vld [tilespmem:$0x1670]  }
.LBB2_14:
0x137: {  	p0 =	sne.s32 s3, $0xFC0;
	v17 =	vmax.f32 v17, v26;
	v26 =	vmin.f32 v38, v39  }
0x138: {  	v40 =	vmax.f32 v40, v28;
	v47 =	vmax.f32 v47, v25;
	v25 =	vmin.f32 v17, v26  }
0x139: {  	v48 =	vmax.f32 v48, v23;
	v49 =	vmin.f32 v40, v44;
	v23 =	vmin.f32 v47, v25;
	v28 =	vmovc v44  }
0x13a: {  	v31 =	vmax.f32 v31, v37;
	v46 =	vmax.f32 v46, v21;
	v21 =	vmin.f32 v48, v23;
	v37 =	vmovc v49  }
0x13b: {  	v45 =	vmax.f32 v45, v24;
	v44 =	vmin.f32 v31, v37;
	v24 =	vmin.f32 v46, v21  }
0x13c: {  	v27 =	vmax.f32 v27, v30;
	v43 =	vmax.f32 v43, v22;
	v22 =	vmin.f32 v45, v24;
	v30 =	vmovc v44  }
.Ltmp7:
0x13d: {  	v42 =	vmax.f32 v42, v20;
	v44 =	vmin.f32 v27, v30;
	v20 =	vmin.f32 v43, v22;
	(pc) =	sbr.rel @p0 .LBB2_14-.Ltmp7, $4  }
0x13e: {  	s4 =	sshra.s32 s3, $0x2;
	v29 =	vmax.f32 v29, v34;
	v41 =	vmax.f32 v41, v18;
	v18 =	vmin.f32 v42, v20;
	v34 =	vmovc v44  }
0x13f: {  	v32 =	vmax.f32 v32, v33;
	v44 =	vld [tilespmem:s4+$0xCA0];
	v33 =	vmin.f32 v29, v34;
	v49 =	vmin.f32 v41, v18  }
0x140: {  	v35 =	vmax.f32 v35, v36;
	v36 =	vmin.f32 v32, v33;
	v19 =	vmax.f32 v19, v49  }
0x141: {  	s3 =	sadd.s32 $0x40, s3;
	v38 =	vmax.f32 v38, v39;
	v39 =	vmin.f32 v35, v36  }
0x142: {  	v49 =	vmin.f32 v38, v39;
	v17 =	vmax.f32 v17, v26;
	v26 =	vmax.f32 v40, v28  }
0x143: {  	v25 =	vmax.f32 v47, v25;
	v23 =	vmax.f32 v48, v23;
	v31 =	vmax.f32 v31, v37  }
0x144: {  	v21 =	vmax.f32 v46, v21;
	v24 =	vmax.f32 v45, v24;
	v27 =	vmax.f32 v27, v30  }
0x145: {  	v29 =	vmax.f32 v29, v34;
	v22 =	vmax.f32 v43, v22;
	v32 =	vmax.f32 v32, v33  }
0x146: {  	v35 =	vmax.f32 v35, v36;
	v20 =	vmax.f32 v42, v20;
	v38 =	vmax.f32 v38, v39  }
0x147: {  	v18 =	vmax.f32 v41, v18;
	v28 =	vmin.f32 v17, v49;
	v17 =	vmax.f32 v17, v49  }
0x148: {  	v40 =	vmin.f32 v26, v44;
	v47 =	vmin.f32 v25, v28;
	v25 =	vmax.f32 v25, v28  }
0x149: {  	v26 =	vmax.f32 v26, v44;
	v53 =	vmin.f32 v23, v47;
	v54 =	vmin.f32 v31, v40  }
0x14a: {  	v28 =	vld [tilespmem:s2+$0x14A0];
	v23 =	vmax.f32 v23, v47;
	v40 =	vmax.f32 v31, v40;
	v55 =	vmin.f32 v21, v53  }
0x14b: {  	v56 =	vmin.f32 v27, v54;
	v21 =	vmax.f32 v21, v53;
	v63 =	vmax.f32 v27, v54  }
0x14c: {  	v30 =	vmin.f32 v24, v55;
	v34 =	vmin.f32 v29, v56;
	v24 =	vmax.f32 v24, v55  }
0x14d: {  	v51 =	vmax.f32 v29, v56;
	v57 =	vmin.f32 v22, v30;
	v58 =	vmin.f32 v32, v34  }
0x14e: {  	v22 =	vmax.f32 v22, v30;
	v54 =	vmax.f32 v32, v34;
	v36 =	vmin.f32 v35, v58  }
0x14f: {  	v59 =	vmin.f32 v20, v57;
	v61 =	vmin.f32 v26, v28;
	v20 =	vmax.f32 v20, v57  }
0x150: {  	v35 =	vmax.f32 v35, v58;
	v45 =	vmax.f32 v26, v28;
	v42 =	vmin.f32 v38, v36  }
0x151: {  	v62 =	vmin.f32 v18, v59;
	v52 =	vmin.f32 v40, v61;
	v39 =	vmax.f32 v18, v59  }
0x152: {  	s30 =	simm.s32 $0x20;
	v57 =	vmax.f32 v38, v36;
	v46 =	vmax.f32 v40, v61;
	v41 =	vmin.f32 v17, v42  }
0x153: {  	v31 =	vld [tilespmem:s30+$0x14A0];
	v19 =	vmax.f32 v19, v62;
	v53 =	vmin.f32 v63, v52;
	v33 =	vmax.f32 v17, v42  }
0x154: {  	v43 =	vmax.f32 v63, v52;
	v50 =	vmin.f32 v25, v41;
	v55 =	vmin.f32 v51, v53  }
0x155: {  	v30 =	vmax.f32 v25, v41;
	v41 =	vmax.f32 v51, v53;
	v56 =	vmin.f32 v54, v55  }
0x156: {  	v47 =	vmin.f32 v23, v50;
	v27 =	vmax.f32 v23, v50;
	v58 =	vmin.f32 v35, v56  }
0x157: {  	v37 =	vmin.f32 v21, v47;
	v25 =	vmax.f32 v21, v47;
	v34 =	vmin.f32 v57, v58  }
0x158: {  	v47 =	vmin.f32 v45, v31;
	v44 =	vmin.f32 v24, v37;
	v32 =	vmin.f32 v33, v34  }
0x159: {  	v23 =	vmax.f32 v24, v37;
	v60 =	vmin.f32 v22, v44;
	v29 =	vmin.f32 v30, v32  }
0x15a: {  	v21 =	vmax.f32 v22, v44;
	v44 =	vmin.f32 v46, v47;
	v28 =	vmin.f32 v27, v29  }
0x15b: {  	v62 =	vmin.f32 v20, v60;
	v42 =	vmin.f32 v43, v44;
	v26 =	vmin.f32 v25, v28  }
0x15c: {  	v18 =	vmin.f32 v39, v62;
	v17 =	vmax.f32 v39, v62;
	v24 =	vmin.f32 v23, v26  }
0x15d: {  	s31 =	simm.s32 $0x40;
	v19 =	vmax.f32 v19, v18;
	v18 =	vmax.f32 v20, v60;
	v22 =	vmin.f32 v21, v24  }
0x15e: {  	v48 =	vld [tilespmem:s31+$0x14A0];
	v40 =	vmin.f32 v41, v42;
	v39 =	vmax.f32 v54, v55;
	v20 =	vmin.f32 v18, v22  }
0x15f: {  	v37 =	vmax.f32 v35, v56;
	v38 =	vmin.f32 v39, v40;
	v63 =	vmin.f32 v17, v20  }
0x160: {  	s2 =	simm.s32 $0x180;
	v35 =	vmax.f32 v57, v58;
	v36 =	vmin.f32 v37, v38;
	v19 =	vmax.f32 v19, v63  }
.LBB2_16:
0x161: {  	p0 =	sne.s32 s2, $0x780;
	v33 =	vmax.f32 v33, v34;
	v34 =	vmin.f32 v35, v36  }
0x162: {  	v45 =	vmax.f32 v45, v31;
	v30 =	vmax.f32 v30, v32;
	v32 =	vmin.f32 v33, v34  }
0x163: {  	v27 =	vmax.f32 v27, v29;
	v49 =	vmin.f32 v45, v48;
	v29 =	vmin.f32 v30, v32;
	v31 =	vmovc v48  }
0x164: {  	v46 =	vmax.f32 v46, v47;
	v25 =	vmax.f32 v25, v28;
	v28 =	vmin.f32 v27, v29;
	v47 =	vmovc v49  }
0x165: {  	v23 =	vmax.f32 v23, v26;
	v48 =	vmin.f32 v46, v47;
	v26 =	vmin.f32 v25, v28  }
0x166: {  	v43 =	vmax.f32 v43, v44;
	v21 =	vmax.f32 v21, v24;
	v24 =	vmin.f32 v23, v26;
	v44 =	vmovc v48  }
.Ltmp8:
0x167: {  	v18 =	vmax.f32 v18, v22;
	v48 =	vmin.f32 v43, v44;
	v22 =	vmin.f32 v21, v24;
	(pc) =	sbr.rel @p0 .LBB2_16-.Ltmp8, $4  }
0x168: {  	s3 =	sshra.s32 s2, $0x2;
	v41 =	vmax.f32 v41, v42;
	v17 =	vmax.f32 v17, v20;
	v20 =	vmin.f32 v18, v22;
	v42 =	vmovc v48  }
0x169: {  	v39 =	vmax.f32 v39, v40;
	v48 =	vld [tilespmem:s3+$0x14A0];
	v40 =	vmin.f32 v41, v42;
	v49 =	vmin.f32 v17, v20  }
0x16a: {  	v37 =	vmax.f32 v37, v38;
	v38 =	vmin.f32 v39, v40;
	v19 =	vmax.f32 v19, v49  }
0x16b: {  	s2 =	sadd.s32 $0x80, s2;
	v35 =	vmax.f32 v35, v36;
	v36 =	vmin.f32 v37, v38  }
0x16c: {  	_ = 	snop  }
0x16d: {  	v31 =	vmax.f32 v45, v31  }
0x16e: {  	v46 =	vmax.f32 v46, v47;
	v45 =	vmin.f32 v31, v48;
	v31 =	vmax.f32 v31, v48  }
0x16f: {  	v47 =	vmax.f32 v46, v45;
	(xrf1) =	vsort.ascd.msk.f32 $0xffff, v31, v31  }
0x170: {  	(xrf1) =	vsort.ascd.msk.f32 $0xffff, v47, v47;
	_ =	sdelay $0xa  }
0x171: {  	v61 =	vlaneseq.u32  }
0x172: {  	v31 =	vmul.u32 $0xFFFFFFFF, v61  }
0x173: {  	v62, _, _ =	vpop (xrf1)  }
0x174: {  	v31 =	vadd.s32 $0xF, v31;
	v63, _, _ =	vpop (xrf1)  }
0x175: {  	v48 =	vperm.xlane v63, v31;
	_ =	sdelay $0x1  }
0x176: {  	v43 =	vmax.f32 v43, v44;
	v45 =	vmin.f32 v46, v45;
	v52 =	vmax.f32 v62, v48  }
0x177: {  	v46 =	vmax.f32 v43, v45;
	(xrf1) =	vsort.ascd.msk.f32 $0xffff, v52, v52  }
0x178: {  	(xrf1) =	vsort.ascd.msk.f32 $0xffff, v46, v46;
	_ =	sdelay $0xc  }
0x179: {  	v44, _, _ =	vpop (xrf1)  }
0x17a: {  	v46, _, _ =	vpop (xrf1)  }
0x17b: {  	v46 =	vperm.xlane v46, v31;
	_ =	sdelay $0x1  }
0x17c: {  	v41 =	vmax.f32 v41, v42;
	v43 =	vmin.f32 v43, v45;
	v53 =	vmax.f32 v44, v46  }
0x17d: {  	v54 =	vmax.f32 v41, v43;
	(xrf1) =	vsort.ascd.msk.f32 $0xffff, v53, v53  }
0x17e: {  	(xrf1) =	vsort.ascd.msk.f32 $0xffff, v54, v54;
	_ =	sdelay $0xc  }
0x17f: {  	v42, _, _ =	vpop (xrf1)  }
0x180: {  	v44, _, _ =	vpop (xrf1)  }
0x181: {  	v44 =	vperm.xlane v44, v31;
	_ =	sdelay $0x1  }
0x182: {  	v39 =	vmax.f32 v39, v40;
	v41 =	vmin.f32 v41, v43;
	v55 =	vmax.f32 v42, v44  }
0x183: {  	v56 =	vmax.f32 v39, v41;
	(xrf1) =	vsort.ascd.msk.f32 $0xffff, v55, v55  }
0x184: {  	(xrf1) =	vsort.ascd.msk.f32 $0xffff, v56, v56;
	_ =	sdelay $0xc  }
0x185: {  	v40, _, _ =	vpop (xrf1)  }
0x186: {  	v42, _, _ =	vpop (xrf1)  }
0x187: {  	v42 =	vperm.xlane v42, v31;
	_ =	sdelay $0x1  }
0x188: {  	v37 =	vmax.f32 v37, v38;
	v39 =	vmin.f32 v39, v41;
	v57 =	vmax.f32 v40, v42  }
0x189: {  	v58 =	vmax.f32 v37, v39;
	(xrf1) =	vsort.ascd.msk.f32 $0xffff, v57, v57  }
0x18a: {  	(xrf1) =	vsort.ascd.msk.f32 $0xffff, v58, v58;
	_ =	sdelay $0xc  }
0x18b: {  	v38, _, _ =	vpop (xrf1)  }
0x18c: {  	v40, _, _ =	vpop (xrf1)  }
0x18d: {  	v40 =	vperm.xlane v40, v31;
	_ =	sdelay $0x1  }
0x18e: {  	v59 =	vmax.f32 v35, v36;
	v37 =	vmin.f32 v37, v39;
	v38 =	vmax.f32 v38, v40  }
0x18f: {  	v60 =	vmax.f32 v59, v37;
	(xrf1) =	vsort.ascd.msk.f32 $0xffff, v38, v38  }
0x190: {  	(xrf1) =	vsort.ascd.msk.f32 $0xffff, v60, v60;
	_ =	sdelay $0xc  }
0x191: {  	v38, _, _ =	vpop (xrf1)  }
0x192: {  	v40, _, _ =	vpop (xrf1)  }
0x193: {  	v40 =	vperm.xlane v40, v31  }
0x194: {  	v33 =	vmax.f32 v33, v34;
	v61 =	vmin.f32 v35, v36  }
0x195: {  	v36 =	vmax.f32 v33, v61;
	v62 =	vmin.f32 v59, v37;
	v63 =	vmax.f32 v38, v40  }
0x196: {  	v40 =	vmax.f32 v36, v62;
	(xrf1) =	vsort.ascd.msk.f32 $0xffff, v63, v63  }
0x197: {  	(xrf1) =	vsort.ascd.msk.f32 $0xffff, v40, v40;
	_ =	sdelay $0xc  }
0x198: {  	v37, _, _ =	vpop (xrf1)  }
0x199: {  	v38, _, _ =	vpop (xrf1)  }
0x19a: {  	v38 =	vperm.xlane v38, v31  }
0x19b: {  	v30 =	vmax.f32 v30, v32;
	v33 =	vmin.f32 v33, v61  }
0x19c: {  	v41 =	vmin.f32 v36, v62;
	v42 =	vmax.f32 v30, v33;
	v43 =	vmax.f32 v37, v38  }
0x19d: {  	v36 =	vmax.f32 v42, v41;
	(xrf1) =	vsort.ascd.msk.f32 $0xffff, v43, v43  }
0x19e: {  	(xrf1) =	vsort.ascd.msk.f32 $0xffff, v36, v36;
	_ =	sdelay $0xc  }
0x19f: {  	v35, _, _ =	vpop (xrf1)  }
0x1a0: {  	v36, _, _ =	vpop (xrf1)  }
0x1a1: {  	v36 =	vperm.xlane v36, v31  }
0x1a2: {  	v27 =	vmax.f32 v27, v29;
	v30 =	vmin.f32 v30, v33  }
0x1a3: {  	v44 =	vmin.f32 v42, v41;
	v45 =	vmax.f32 v27, v30;
	v46 =	vmax.f32 v35, v36  }
0x1a4: {  	v34 =	vmax.f32 v45, v44;
	(xrf1) =	vsort.ascd.msk.f32 $0xffff, v46, v46  }
0x1a5: {  	(xrf1) =	vsort.ascd.msk.f32 $0xffff, v34, v34;
	_ =	sdelay $0xc  }
0x1a6: {  	v33, _, _ =	vpop (xrf1)  }
0x1a7: {  	v34, _, _ =	vpop (xrf1)  }
0x1a8: {  	v34 =	vperm.xlane v34, v31  }
0x1a9: {  	v25 =	vmax.f32 v25, v28;
	v27 =	vmin.f32 v27, v30  }
0x1aa: {  	v47 =	vmin.f32 v45, v44;
	v48 =	vmax.f32 v25, v27;
	v49 =	vmax.f32 v33, v34  }
0x1ab: {  	v32 =	vmax.f32 v48, v47;
	(xrf1) =	vsort.ascd.msk.f32 $0xffff, v49, v49  }
0x1ac: {  	(xrf1) =	vsort.ascd.msk.f32 $0xffff, v32, v32;
	_ =	sdelay $0xc  }
0x1ad: {  	v30, _, _ =	vpop (xrf1)  }
0x1ae: {  	v32, _, _ =	vpop (xrf1)  }
0x1af: {  	v32 =	vperm.xlane v32, v31  }
0x1b0: {  	v23 =	vmax.f32 v23, v26;
	v25 =	vmin.f32 v25, v27  }
0x1b1: {  	v50 =	vmin.f32 v48, v47;
	v27 =	vmax.f32 v23, v25;
	v51 =	vmax.f32 v30, v32  }
0x1b2: {  	v29 =	vmax.f32 v27, v50;
	(xrf1) =	vsort.ascd.msk.f32 $0xffff, v51, v51  }
0x1b3: {  	(xrf1) =	vsort.ascd.msk.f32 $0xffff, v29, v29;
	_ =	sdelay $0xc  }
0x1b4: {  	v28, _, _ =	vpop (xrf1)  }
0x1b5: {  	v29, _, _ =	vpop (xrf1)  }
0x1b6: {  	v29 =	vperm.xlane v29, v31  }
0x1b7: {  	v21 =	vmax.f32 v21, v24;
	v23 =	vmin.f32 v23, v25  }
0x1b8: {  	v52 =	vmin.f32 v27, v50;
	v25 =	vmax.f32 v21, v23;
	v53 =	vmax.f32 v28, v29  }
0x1b9: {  	v27 =	vmax.f32 v25, v52;
	(xrf1) =	vsort.ascd.msk.f32 $0xffff, v53, v53  }
0x1ba: {  	(xrf1) =	vsort.ascd.msk.f32 $0xffff, v27, v27;
	_ =	sdelay $0xc  }
0x1bb: {  	v26, _, _ =	vpop (xrf1)  }
0x1bc: {  	v27, _, _ =	vpop (xrf1)  }
0x1bd: {  	v27 =	vperm.xlane v27, v31  }
0x1be: {  	v18 =	vmax.f32 v18, v22;
	v21 =	vmin.f32 v21, v23  }
0x1bf: {  	v54 =	vmin.f32 v25, v52;
	v23 =	vmax.f32 v18, v21;
	v55 =	vmax.f32 v26, v27  }
0x1c0: {  	v25 =	vmax.f32 v23, v54;
	(xrf1) =	vsort.ascd.msk.f32 $0xffff, v55, v55  }
0x1c1: {  	(xrf1) =	vsort.ascd.msk.f32 $0xffff, v25, v25;
	_ =	sdelay $0xc  }
0x1c2: {  	v24, _, _ =	vpop (xrf1)  }
0x1c3: {  	v25, _, _ =	vpop (xrf1)  }
0x1c4: {  	v25 =	vperm.xlane v25, v31  }
0x1c5: {  	v17 =	vmax.f32 v17, v20;
	v18 =	vmin.f32 v18, v21  }
0x1c6: {  	v56 =	vmin.f32 v23, v54;
	v21 =	vmax.f32 v17, v18;
	v57 =	vmax.f32 v24, v25  }
0x1c7: {  	v23 =	vmax.f32 v21, v56;
	(xrf1) =	vsort.ascd.msk.f32 $0xffff, v57, v57  }
0x1c8: {  	(xrf1) =	vsort.ascd.msk.f32 $0xffff, v23, v23;
	_ =	sdelay $0xc  }
0x1c9: {  	v22, _, _ =	vpop (xrf1)  }
0x1ca: {  	v23, _, _ =	vpop (xrf1)  }
0x1cb: {  	v23 =	vperm.xlane v23, v31  }
0x1cc: {  	v17 =	vmin.f32 v17, v18  }
0x1cd: {  	v17 =	vmax.f32 v19, v17;
	v58 =	vmin.f32 v21, v56;
	v59 =	vmax.f32 v22, v23  }
0x1ce: {  	v17 =	vmax.f32 v17, v58;
	(xrf1) =	vsort.ascd.msk.f32 $0xffff, v59, v59  }
0x1cf: {  	(xrf1) =	vsort.ascd.msk.f32 $0xffff, v17, v17;
	_ =	sdelay $0x1  }
0x1d0: {  	v0 =	vadd.f32 v0, v13;
	_ =	sdelay $0x1  }
0x1d1: {  	v0 =	vadd.f32 v1, v0;
	_ =	sdelay $0x1  }
0x1d2: {  	v0 =	vadd.f32 v2, v0;
	_ =	sdelay $0x1  }
0x1d3: {  	v0 =	vadd.f32 v3, v0;
	_ =	sdelay $0x1  }
0x1d4: {  	v0 =	vadd.f32 v4, v0;
	_ =	sdelay $0x1  }
0x1d5: {  	v0 =	vadd.f32 v6, v0  }
0x1d6: {  	v60, _, _ =	vpop (xrf1)  }
0x1d7: {  	v0 =	vadd.f32 v7, v0;
	v61, _, _ =	vpop (xrf1)  }
0x1d8: {  	v2 =	vperm.xlane v61, v31  }
0x1d9: {  	v0 =	vadd.f32 v5, v0  }
0x1da: {  	v1 =	vmax.f32 v60, v2  }
0x1db: {  	v0 =	vadd.f32 v8, v0;
	(xrf1) =	vsort.ascd.msk.f32 $0xffff, v1, v1;
	_ =	sdelay $0x1  }
0x1dc: {  	v0 =	vadd.f32 v9, v0;
	_ =	sdelay $0x1  }
0x1dd: {  	v0 =	vadd.f32 v10, v0;
	_ =	sdelay $0x1  }
0x1de: {  	v0 =	vadd.f32 v11, v0;
	_ =	sdelay $0x1  }
0x1df: {  	v0 =	vadd.f32 v12, v0;
	_ =	sdelay $0x1  }
0x1e0: {  	v0 =	vadd.f32 v14, v0;
	_ =	sdelay $0x1  }
0x1e1: {  	v0 =	vadd.f32 v15, v0;
	_ =	sdelay $0x1  }
0x1e2: {  	v0 =	vadd.f32 v16, v0;
	v1, _, _ =	vpop (xrf1)  }
0x1e3: {  	v1 =	vmul.f32 v1, v1  }
0x1e4: {  	(xrf2) =	vadd.scan.msk.f32 $0xffff, v0  }
0x1e5: {  	(xrf2) =	vadd.scan.msk.f32 $0xffff, v1;
	_ =	sdelay $0x8  }
0x1e6: {  	v0, _, _ =	vpop (xrf2)  }
0x1e7: {  	(v2sf) =	vpush v0, $0xF;
	v62, _, _ =	vpop (xrf2)  }
0x1e8: {  	(v2sf) =	vpush v62, $0xF;
	_ =	sdelay $0xd  }
0x1e9: {  	s2 =	spop (v2sf)  }
0x1ea: {  	s3 =	spop (v2sf)  }
0x1eb: {  	s2 =	ssub.f32 s2, s3;
	_ =	sdelay $0x1  }
0x1ec: {  	v63 =	vmov s2  }
0x1ed: {  	s29 =	simm.s32 $0x0;
	s30 =	simm.s32 $0x16E0;
	s31 =	simm.s32 $0x3;
	[tilespmem:$0x16E0] =	vst v63  }
0x1ee: {  	[hbm4b:s1+s29] =	stream.linear.scatter [tilespmem:s30], [sflag:$0x3], $0x10, $0x38;
	[tilespmem:$0x16F0] =	vst v63  }
0x1ef: {  	_ =	swait.ge [sflag:s31], $0x10  }
0x1f0: {  	[sflag:s31] =	ssyncset.done $0x0  }
0x1f1: {  	[sflag:s31] =	ssyncadd.s32 $0xFFFFFFF0  }
0x1f2: {  	_ =	sfence.sel $0x180000  }
0x1f3: {  	[bflag:$0x0] =	sbarrier.arrive $0xFFFF  }
0x1f4: {  	_ =	strace $0x9000004D  }
0x1f5: {  	s0 =	sadd.s32 $0x100000, s0;
	[bflag:$0x2] =	sbarrier.arrive $0xFFFF  }
0x1f6: {  	[sflag:s0] =	ssyncadd.tile.s32 $0x1;
	_ =	shalt  }
.Lfunc_end2:
_tile_overlayer_lowered:
.L_overlay_start_2:
0x1f7: {  	(tag) =	ssettag $0x2  }
0x1f8: {  	s0 =	rddreg [dreg:$0x0];
	s2 =	stileid.u32  }
0x1f9: {  	s1 =	rddreg [dreg:$0x1];
	p0 =	sne.s32 s2, $0x0  }
0x1fa: {  	s3 =	rddreg [dreg:$0x2];
	[bflag:$0x3] =	sbarrier.arrive $0xFFFF;
	s2 =	simm.s32 @!p0 $0x1C03  }
0x1fb: {  	[timem:s3], [sflag:s2] =	dma.local @!p0 [hbm:s0], s1  }
0x1fc: {  	s0 =	simm.s32 @!p0 $0x3  }
0x1fd: {  	_ =	swait.ge @!p0 [sflag:s0], s1  }
0x1fe: {  	s1 =	ssub.s32 @!p0 $0x0, s1;
	[sflag:s0] =	ssyncset.done @!p0 $0x0  }
0x1ff: {  	[sflag:s0] =	ssyncadd.s32 @!p0 s1  }
0x200: {  	[bflag:$0x3] =	sbarrier.arrive $0xFFFF  }
0x201: {  	_ =	shalt  }

// kernel: kernel.5.cloned.1.call-start
scs
__scs_entry_jumppad:
0x0: {  	(pc) =	sbr.rel $0x88, $3  }
0x1: {  	(tag) =	ssettag $0x0;
	lr =	simm.s32 $0x1  }
0x2: {  	[smem:$0x3FA0] =	sst lr;
	_ =	strace $0xD0000000  }
0x3: {  	_ = 	snop  }
0x4: {  	_ = 	snop  }
0x5: {  	_ = 	snop  }
0x6: {  	_ = 	snop  }
0x7: {  	_ = 	snop  }
__scs_overlays_trampoline_lowered:
0x8: {  	[smem:$0x3FAF] =	sst s0  }
0x9: {  	[smem:$0x3FB0] =	sst s1  }
0xa: {  	[smem:$0x3FB1] =	sst s2  }
0xb: {  	[smem:$0x3FB2] =	sst s3  }
0xc: {  	[smem:$0x3FB3] =	sst s4  }
0xd: {  	[smem:$0x3FB4] =	sst s5  }
0xe: {  	[smem:$0x3FB5] =	sst s6  }
0xf: {  	[smem:$0x3FB6] =	sst s7  }
0x10: {  	[smem:$0x3FB7] =	sst s8  }
0x11: {  	[smem:$0x3FB8] =	sst s9;
	s0 =	simm.s32 @!p0 $0x0  }
0x12: {  	s1 =	sld [smem:$0x3F9E];
	s0 =	simm.s32 @p0 $0x1  }
0x13: {  	[smem:$0x3FB9] =	sst s0;
	s0 =	simm.s32 @!p1 $0x0  }
0x14: {  	s2 =	sld [smem:$0x3F9D];
	s0 =	simm.s32 @p1 $0x1  }
0x15: {  	[smem:$0x3FBA] =	sst s0;
	s0 =	simm.s32 @!p2 $0x0  }
0x16: {  	s3 =	sld [smem:$0x3FDB];
	s0 =	simm.s32 @p2 $0x1  }
0x17: {  	s4 =	simm.s32 $0x1BF5;
	[smem:$0x3FBC] =	sst s0  }
0x18: {  	s0 =	sld [smem:$0x3F9F];
	_ =	swait.ge [sflag:s4], $0x0  }
0x19: {  	s7 =	sld [smem:$0x3FA0]  }
0x1a: {  	s8 =	sadd.s32 $0xFFFFE003, lr  }
0x1b: {  	s9 =	sadd.s32 $0xFFFFFEF7, lr;
	s5 =	simm.s32 $0xFFFFFFFF;
	p2 =	slt.u32 s8, $0xFFFFF086  }
0x1c: {  	p1 =	slt.u32 s9, $0xF7A;
	s5 =	simm.s32 @!p2 $0x0  }
0x1d: {  	s5 =	simm.s32 @p1 $0x1;
	p0 =	seq.s32 s7, s2  }
0x1e: {  	s7 =	smul.u32 @!p0 $0xF7A, s2;
	p2 =	seq.s32 @!p0 s5, $0x0  }
0x1f: {  	s9 =	smul.u32 $0xF7A, s1;
	s8 =	simm.s32 @!p0 $0x1BF5;
	p2 =	por !p2, p0  }
0x20: {  	[sflag:s8] =	ssyncset.s32 @!p0 $0xFFFFF086;
	s6 =	sadd.s32 @!p0 s3, s7;
	s7 =	simm.s32 @!p0 $0x108  }
0x21: {  	s3 =	sadd.s32 s3, s9;
	s6 =	sadd.s32 @!p0 $0x88, s6;
	s7 =	simm.s32 @p2 $0x1082  }
0x22: {  	[simem:s7], [sflag:s8] =	dma.local @!p0 [hbm:s6], $0xF7A  }
0x23: {  	s9 =	sor.u32 $0xD0000000, s2;
	s6 =	simm.s32 $0x108;
	_ =	swait.ge @!p0 [sflag:s8], $0x0  }
0x24: {  	s3 =	sadd.s32 $0x88, s3;
	s6 =	simm.s32 @!p1 $0x1082;
	[sflag:s4] =	ssyncset.s32 $0xFFFFF086  }
0x25: {  	[simem:s6], [sflag:s4] =	dma.local [hbm:s3], $0xF7A  }
0x26: {  	[smem:$0x3FA0] =	sst s1;
	(tag) =	ssettag s2;
	_ =	strace s9  }
0x27: {  	s1 =	sld [smem:$0x3FB0]  }
0x28: {  	s2 =	sld [smem:$0x3FB1]  }
0x29: {  	s4 =	sld [smem:$0x3FB3]  }
0x2a: {  	p0 =	seq.s32 s5, $0x0;
	s5 =	sld [smem:$0x3FB4]  }
0x2b: {  	s6 =	sld [smem:$0x3FB5]  }
0x2c: {  	s7 =	sld [smem:$0x3FB6]  }
0x2d: {  	s3 =	simm.s32 $0x108;
	s8 =	sld [smem:$0x3FB7]  }
0x2e: {  	s3 =	simm.s32 @!p0 $0x1082;
	s9 =	sld [smem:$0x3FB8]  }
0x2f: {  	lr =	sadd.s32 s0, s3;
	s0 =	sld [smem:$0x3FAF]  }
0x30: {  	s3 =	sld [smem:$0x3FB2]  }
0x31: {  	[smem:$0x3FBB] =	sst s10  }
0x32: {  	s10 =	sld [smem:$0x3FB9];
	_ =	sdelay $0x3  }
0x33: {  	p0 =	seq.s32 s10, $0x1;
	s10 =	sld [smem:$0x3FBB];
	_ =	sdelay $0x3  }
0x34: {  	[smem:$0x3FBB] =	sst s10  }
0x35: {  	s10 =	sld [smem:$0x3FBA];
	_ =	sdelay $0x3  }
0x36: {  	p1 =	seq.s32 s10, $0x1;
	s10 =	sld [smem:$0x3FBB];
	_ =	sdelay $0x3  }
0x37: {  	[smem:$0x3FBB] =	sst s10  }
0x38: {  	s10 =	sld [smem:$0x3FBC]  }
0x39: {  	_ = 	snop;
	(pc) =	sbr.ind lr, $3  }
0x3a: {  	_ = 	snop  }
0x3b: {  	_ = 	snop  }
0x3c: {  	p2 =	seq.s32 s10, $0x1;
	s10 =	sld [smem:$0x3FBB]  }
0x3d: {  	_ =	shalt  }
0x3e: {  	_ =	shalt  }
0x3f: {  	_ =	shalt  }
0x40: {  	_ =	shalt  }
0x41: {  	_ =	shalt  }
0x42: {  	_ =	shalt  }
0x43: {  	_ =	shalt  }
0x44: {  	_ =	shalt  }
0x45: {  	_ =	shalt  }
0x46: {  	_ =	shalt  }
0x47: {  	_ =	shalt  }
0x48: {  	_ =	shalt  }
0x49: {  	_ =	shalt  }
0x4a: {  	_ =	shalt  }
0x4b: {  	_ =	shalt  }
0x4c: {  	_ =	shalt  }
0x4d: {  	_ =	shalt  }
0x4e: {  	_ =	shalt  }
0x4f: {  	_ =	shalt  }
0x50: {  	_ =	shalt  }
0x51: {  	_ =	shalt  }
0x52: {  	_ =	shalt  }
0x53: {  	_ =	shalt  }
0x54: {  	_ =	shalt  }
0x55: {  	_ =	shalt  }
0x56: {  	_ =	shalt  }
0x57: {  	_ =	shalt  }
0x58: {  	_ =	shalt  }
0x59: {  	_ =	shalt  }
0x5a: {  	_ =	shalt  }
0x5b: {  	_ =	shalt  }
0x5c: {  	_ =	shalt  }
0x5d: {  	_ =	shalt  }
0x5e: {  	_ =	shalt  }
0x5f: {  	_ =	shalt  }
0x60: {  	_ =	shalt  }
0x61: {  	_ =	shalt  }
0x62: {  	_ =	shalt  }
0x63: {  	_ =	shalt  }
0x64: {  	_ =	shalt  }
0x65: {  	_ =	shalt  }
0x66: {  	_ =	shalt  }
0x67: {  	_ =	shalt  }
0x68: {  	_ =	shalt  }
0x69: {  	_ =	shalt  }
0x6a: {  	_ =	shalt  }
0x6b: {  	_ =	shalt  }
0x6c: {  	_ =	shalt  }
0x6d: {  	_ =	shalt  }
0x6e: {  	_ =	shalt  }
0x6f: {  	_ =	shalt  }
0x70: {  	_ =	shalt  }
0x71: {  	_ =	shalt  }
0x72: {  	_ =	shalt  }
0x73: {  	_ =	shalt  }
0x74: {  	_ =	shalt  }
0x75: {  	_ =	shalt  }
0x76: {  	_ =	shalt  }
0x77: {  	_ =	shalt  }
0x78: {  	_ =	shalt  }
0x79: {  	_ =	shalt  }
0x7a: {  	_ =	shalt  }
0x7b: {  	_ =	shalt  }
0x7c: {  	_ =	shalt  }
0x7d: {  	_ =	shalt  }
0x7e: {  	_ =	shalt  }
0x7f: {  	_ =	shalt  }
0x80: {  	_ =	shalt  }
0x81: {  	_ =	shalt  }
0x82: {  	_ =	shalt  }
0x83: {  	_ =	shalt  }
0x84: {  	_ =	shalt  }
0x85: {  	_ =	shalt  }
0x86: {  	_ =	shalt  }
0x87: {  	_ =	shalt  }
.Lfunc_end0:
.L_simem_size_0:
called_computation_lowered:
.L_overlay_start_0:
0x88: {  	s2 =	sld [smem:$0x3FD9]  }
0x89: {  	s3 =	sld [smem:$0x3FFE];
	_ =	sdelay $0x1  }
0x8a: {  	s1 =	srdreg.scid  }
0x8b: {  	s0 =	sand.u32 $0x1, s1  }
0x8c: {  	s16 =	sshll.u32 s0, $0xA;
	s2 =	sadd.s32 s3, s2  }
0x8d: {  	s2 =	sadd.s32 s2, s16  }
0x8e: {  	[smem:$0x3FC7] =	sst s2  }
0x8f: {  	_ = 	snop  }
0x90: {  	(tm) =	ssettm $0x1  }
0x91: {  	s17 =	sld [smem:$0x3FFB];
	_ =	sdelay $0x3  }
0x92: {  	_ =	strace s17  }
0x93: {  	s2 =	sld [smem:$0x3FFC];
	_ =	sdelay $0x3  }
0x94: {  	_ =	strace s2  }
0x95: {  	s2 =	sld [smem:$0x3FFD];
	_ =	sdelay $0x3  }
0x96: {  	_ =	strace s2  }
0x97: {  	_ =	strace $0x8FFFFFFF  }
0x98: {  	s18 =	sld [smem:$0x3FDB];
	_ =	sdelay $0x1  }
0x99: {  	s19 =	simm.s32 $_scs_section_size  }
0x9a: {  	s4 =	simm.s32 $_size__tile_overlayer_lowered;
	s5 =	simm.s32 $_tile_overlayer_lowered  }
0x9b: {  	s22 =	simm.s32 $0x1BFF;
	s21 =	sshll.u32 s5, $0x1;
	s2 =	sadd.s32 s19, s18  }
0x9c: {  	s6 =	simm.s32 $0x0;
	s20 =	sshll.u32 s4, $0x1;
	s4 =	sadd.s32 s21, s2  }
0x9d: {  	[timem:s6], [sflag:s22] =	dma.local [hbm:s4], s20  }
0x9e: {  	_ =	swait.ge [sflag:s22], s20  }
0x9f: {  	s3 =	ssub.s32 $0x0, s20;
	[sflag:s22] =	ssyncset.done $0x0  }
0xa0: {  	[sflag:s22] =	ssyncadd.s32 s3;
	_ =	sdelay $0x1  }
0xa1: {  	s23 =	simm.s32 $0x1B8B  }
0xa2: {  	_ =	swait.ge [sflag:s23], $0x1  }
0xa3: {  	[sflag:s23] =	ssyncset.done $0x0  }
0xa4: {  	s25 =	simm.s32 $0x1B8E;
	s24 =	sld [smem:$0x3FFE];
	[sflag:s23] =	ssyncadd.s32 $0xFFFFFFFF  }
0xa5: {  	s26 =	simm.s32 $execute0_lowered;
	[smem:$0x3FD2] =	sst s25  }
0xa6: {  	s4 =	sshll.u32 s26, $0x1;
	_ =	strace $0x80000046;
	[dreg:$0x1] =	wrdreg $0xFFFFFFFF  }
0xa7: {  	s28 =	simm.s32 $_size_execute0_lowered;
	s2 =	sadd.s32 s2, s4;
	[dreg:$0x0] =	wrdreg $0x0  }
0xa8: {  	s4 =	sshll.u32 s28, $0x1;
	[dreg:$0x2] =	wrdreg s2  }
0xa9: {  	[dreg:$0x3] =	wrdreg s4  }
0xaa: {  	[dreg:$0x4] =	wrdreg $0xC0  }
0xab: {  	_ =	task [dreg:s6], $0x5FFFF  }
0xac: {  	[dreg:$0x1] =	wrdreg $0xFFFFFFFF  }
0xad: {  	[dreg:$0x0] =	wrdreg $0x60  }
0xae: {  	[dreg:$0x2] =	wrdreg s24  }
0xaf: {  	[dreg:$0x3] =	wrdreg $0x9  }
0xb0: {  	_ =	task.clear_ibuf [dreg:s6], $0x4FFFF;
	_ =	strace $0x90000046  }
0xb1: {  	s29 =	simm.s32 $0x9;
	_ =	strace $0x80000048  }
0xb2: {  	_ =	swait.ge [sflag:s29], $0x1  }
0xb3: {  	[sflag:s29] =	ssyncadd.s32 $0xFFFFFFFF  }
0xb4: {  	_ =	strace $0x90000048  }
0xb5: {  	_ =	sfence  }
0xb6: {  	s30 =	sld [smem:$0x0];
	_ =	sdelay $0x2  }
0xb7: {  	s31 =	sshll.u32 s1, $0xD;
	s1 =	sshrl.u32 s1, $0x2  }
0xb8: {  	s3 =	sand.u32 $0x4000, s31;
	s1 =	sadd.s32 s1, s30  }
0xb9: {  	s0 =	sor.u32 s3, s0;
	s1 =	sshll.u32 s1, $0x11  }
0xba: {  	s0 =	sor.u32 s1, s0  }
0xbb: {  	s0 =	sadd.s32 $0x8F2B, s0  }
0xbc: {  	[sflag:s0] =	ssyncadd.remote.s32 $0x1  }
0xbd: {  	_ =	sfence.sel $0xFFFF  }
0xbe: {  	[dreg:$0x0] =	wrdreg $0xFFFFFFFF;
	(pc) =	sbr.abs _section_cstart, $3  }
0xbf: {  	[dreg:$0x1] =	wrdreg $0xFFFFFFFF  }
0xc0: {  	_ =	task.clear_ibuf [dreg:s6], $0x2FFFF;
	_ =	strace $0x9FFFFFFF  }
0xc1: {  	(tm) =	ssettm $0x7FFFFFFF  }
tec
execute0_lowered:
.L_overlay_start_1:
0x0: {  	(tag) =	ssettag $0x1  }
0x1: {  	s6 =	rddreg [dreg:$0x0]  }
0x2: {  	s0 =	rddreg [dreg:$0x1]  }
0x3: {  	s3 =	srdreg.scid;
	s1 =	stileid.u32  }
0x4: {  	s2 =	simm.s32 $0x0;
	s12 =	simm.s32 $0x5800;
	s13 =	simm.s32 $0x2  }
0x5: {  	s14 =	simm.s32 $0x5810;
	s15 =	simm.s32 $0x0;
	s3 =	sand.u32 $0x1, s3  }
0x6: {  	s4 =	sshll.u32 s1, $0x1;
	[smem:$0x7FF] =	sst s2;
	s5 =	sadd.s32 $0xB000, s6  }
0x7: {  	s10 =	sor.u32 s3, s4;
	_ =	strace $0x80000047;
	s3 =	ssub.s32 $0x2, s3  }
0x8: {  	s4 =	smul.u32 $0x2C00, s10;
	s7 =	sshll.u32 s10, $0x1;
	s8 =	sshrl.u32 s3, $0x1  }
.Ltmp0:
0x9: {  	p0 =	seq.s32 s10, $0x1F;
	s10 =	simm.s32 $0x2C00;
	(pc) =	sbr.rel .LBB2_1-.Ltmp0, $4  }
0xa: {  	v0 =	vlaneseq.u32;
	s9 =	sadd.s32 s7, s6;
	s11 =	ssub.s32 s3, s8;
	s31 =	sshrl.u32 s4, $0x3  }
0xb: {  	v0 =	vmul.u32 $0xFFFFFFFF, v0;
	s8 =	sadd.s32 $0x16200, s9;
	s3 =	sadd.s32 s5, s31;
	s7 =	sadd.s32 $0x550, s31  }
0xc: {  	s4 =	sadd.s32 s6, s31;
	s5 =	sadd.s32 s5, s7;
	s6 =	sadd.s32 s6, s7  }
0xd: {  	v0 =	vadd.s32 $0xF, v0;
	s7 =	sadd.s32 $0x16000, s9;
	s9 =	smax.u32 s11, $0x1;
	s11 =	simm.s32 $0x1  }
.LBB2_6:
0xe: {  	v37 =	vmin.f32 v28, v29;
	v13 =	vmax.f32 v13, v31;
	v3 =	vmax.f32 v3, v36  }
0xf: {  	v31 =	vmul.f32 v34, v26;
	v12 =	vmax.f32 v12, v30;
	v30 =	vsub.f32 v33, v35  }
0x10: {  	v11 =	vmax.f32 v11, v22;
	v9 =	vmax.f32 v9, v20;
	v8 =	vmax.f32 v8, v18  }
0x11: {  	v7 =	vmax.f32 v7, v19;
	v55 =	vmax.f32 v23, v26;
	v6 =	vmax.f32 v6, v17  }
0x12: {  	v21 =	vmax.f32 v21, v25;
	v5 =	vmax.f32 v5, v16;
	v24 =	vmax.f32 v24, v27  }
0x13: {  	v28 =	vmax.f32 v28, v29;
	v4 =	vmax.f32 v4, v15;
	v2 =	vmax.f32 v2, v14  }
0x14: {  	v1 =	vmax.f32 v1, v10;
	v52 =	vmin.f32 v13, v37;
	v13 =	vmax.f32 v13, v37  }
0x15: {  	v53 =	vmin.f32 v12, v52;
	v22 =	vadd.f32 v31, v32;
	vm0 =	vclass.f32 v30, $0x102  }
0x16: {  	v12 =	vmax.f32 v12, v52;
	v31 =	vmin.f32 v11, v53;
	v54 =	vsel vm0, $0x0, v30  }
0x17: {  	v11 =	vmax.f32 v11, v53;
	v20 =	vmin.f32 v9, v31;
	v56 =	vmin.f32 v55, v54  }
0x18: {  	v9 =	vmax.f32 v9, v31;
	v14 =	vmul.f32 v54, v54;
	v30 =	vmin.f32 v8, v20  }
0x19: {  	v57 =	vmin.f32 v21, v56;
	v8 =	vmax.f32 v8, v20;
	v21 =	vmax.f32 v21, v56  }
0x1a: {  	v23 =	vmin.f32 v7, v30;
	v27 =	vmin.f32 v24, v57;
	v7 =	vmax.f32 v7, v30  }
0x1b: {  	v24 =	vmax.f32 v24, v57;
	v26 =	vmin.f32 v6, v23;
	v15 =	vmin.f32 v28, v27  }
0x1c: {  	v6 =	vmax.f32 v6, v23;
	v28 =	vmax.f32 v28, v27;
	v58 =	vmin.f32 v13, v15  }
0x1d: {  	v25 =	vmin.f32 v5, v26;
	v5 =	vmax.f32 v5, v26;
	v34 =	vmin.f32 v12, v58  }
0x1e: {  	v13 =	vmax.f32 v13, v15;
	v29 =	vmin.f32 v4, v25;
	v60 =	vmin.f32 v11, v34  }
0x1f: {  	v4 =	vmax.f32 v4, v25;
	v12 =	vmax.f32 v12, v58;
	v31 =	vmin.f32 v9, v60  }
0x20: {  	v59 =	vmin.f32 v2, v29;
	v2 =	vmax.f32 v2, v29;
	v20 =	vmin.f32 v8, v31  }
0x21: {  	v11 =	vmax.f32 v11, v34;
	v10 =	vmin.f32 v1, v59;
	v30 =	vmin.f32 v7, v20  }
0x22: {  	v1 =	vmax.f32 v1, v59;
	v9 =	vmax.f32 v9, v60;
	v23 =	vmin.f32 v6, v30  }
0x23: {  	v3 =	vmax.f32 v3, v10;
	v10 =	vadd.f32 v14, v22;
	v22 =	vmin.f32 v5, v23  }
0x24: {  	v14 =	vmax.f32 v55, v54;
	v8 =	vmax.f32 v8, v31;
	v61 =	vmin.f32 v4, v22  }
0x25: {  	v7 =	vmax.f32 v7, v20;
	v6 =	vmax.f32 v6, v30;
	v62 =	vmin.f32 v2, v61  }
0x26: {  	v5 =	vmax.f32 v5, v23;
	v4 =	vmax.f32 v4, v22;
	v63 =	vmin.f32 v1, v62  }
0x27: {  	v2 =	vmax.f32 v2, v61;
	v1 =	vmax.f32 v1, v62;
	v3 =	vmax.f32 v3, v63  }
.LBB2_7:
0x28: {  	(xrf1) =	vsort.ascd.msk.f32 $0xffff, v14, v14  }
0x29: {  	(xrf1) =	vsort.ascd.msk.f32 $0xffff, v21, v21;
	_ =	sdelay $0xc  }
0x2a: {  	v14, _, _ =	vpop (xrf1)  }
0x2b: {  	v15, _, _ =	vpop (xrf1)  }
0x2c: {  	v15 =	vperm.xlane v15, v0;
	_ =	sdelay $0x1  }
0x2d: {  	v14 =	vmax.f32 v14, v15  }
0x2e: {  	(xrf1) =	vsort.ascd.msk.f32 $0xffff, v14, v14  }
0x2f: {  	(xrf1) =	vsort.ascd.msk.f32 $0xffff, v24, v24;
	_ =	sdelay $0xc  }
0x30: {  	v14, _, _ =	vpop (xrf1)  }
0x31: {  	v43, _, _ =	vpop (xrf1)  }
0x32: {  	v15 =	vperm.xlane v43, v0;
	_ =	sdelay $0x1  }
0x33: {  	v14 =	vmax.f32 v14, v15  }
0x34: {  	(xrf1) =	vsort.ascd.msk.f32 $0xffff, v14, v14  }
0x35: {  	(xrf1) =	vsort.ascd.msk.f32 $0xffff, v28, v28;
	_ =	sdelay $0xc  }
0x36: {  	v14, _, _ =	vpop (xrf1)  }
0x37: {  	v44, _, _ =	vpop (xrf1)  }
0x38: {  	v15 =	vperm.xlane v44, v0;
	_ =	sdelay $0x1  }
0x39: {  	v14 =	vmax.f32 v14, v15  }
0x3a: {  	(xrf1) =	vsort.ascd.msk.f32 $0xffff, v14, v14  }
0x3b: {  	(xrf1) =	vsort.ascd.msk.f32 $0xffff, v13, v13;
	_ =	sdelay $0xc  }
0x3c: {  	v45, _, _ =	vpop (xrf1)  }
0x3d: {  	v46, _, _ =	vpop (xrf1)  }
0x3e: {  	v14 =	vperm.xlane v46, v0;
	_ =	sdelay $0x1  }
0x3f: {  	v13 =	vmax.f32 v45, v14  }
0x40: {  	(xrf1) =	vsort.ascd.msk.f32 $0xffff, v13, v13  }
0x41: {  	(xrf1) =	vsort.ascd.msk.f32 $0xffff, v12, v12;
	_ =	sdelay $0xc  }
0x42: {  	v47, _, _ =	vpop (xrf1)  }
0x43: {  	v48, _, _ =	vpop (xrf1)  }
0x44: {  	v13 =	vperm.xlane v48, v0;
	_ =	sdelay $0x1  }
0x45: {  	v12 =	vmax.f32 v47, v13  }
0x46: {  	(xrf1) =	vsort.ascd.msk.f32 $0xffff, v12, v12  }
0x47: {  	(xrf1) =	vsort.ascd.msk.f32 $0xffff, v11, v11;
	_ =	sdelay $0xc  }
0x48: {  	v49, _, _ =	vpop (xrf1)  }
0x49: {  	v50, _, _ =	vpop (xrf1)  }
0x4a: {  	v12 =	vperm.xlane v50, v0;
	_ =	sdelay $0x1  }
0x4b: {  	v11 =	vmax.f32 v49, v12  }
0x4c: {  	(xrf1) =	vsort.ascd.msk.f32 $0xffff, v11, v11  }
0x4d: {  	(xrf1) =	vsort.ascd.msk.f32 $0xffff, v9, v9;
	_ =	sdelay $0xc  }
0x4e: {  	v51, _, _ =	vpop (xrf1)  }
0x4f: {  	v52, _, _ =	vpop (xrf1)  }
0x50: {  	v11 =	vperm.xlane v52, v0;
	_ =	sdelay $0x1  }
0x51: {  	v9 =	vmax.f32 v51, v11  }
0x52: {  	(xrf1) =	vsort.ascd.msk.f32 $0xffff, v9, v9  }
0x53: {  	(xrf1) =	vsort.ascd.msk.f32 $0xffff, v8, v8;
	_ =	sdelay $0xc  }
0x54: {  	v53, _, _ =	vpop (xrf1)  }
0x55: {  	v54, _, _ =	vpop (xrf1)  }
0x56: {  	v9 =	vperm.xlane v54, v0;
	_ =	sdelay $0x1  }
0x57: {  	v8 =	vmax.f32 v53, v9  }
0x58: {  	(xrf1) =	vsort.ascd.msk.f32 $0xffff, v8, v8  }
0x59: {  	(xrf1) =	vsort.ascd.msk.f32 $0xffff, v7, v7;
	_ =	sdelay $0xc  }
0x5a: {  	v55, _, _ =	vpop (xrf1)  }
0x5b: {  	v56, _, _ =	vpop (xrf1)  }
0x5c: {  	v8 =	vperm.xlane v56, v0;
	_ =	sdelay $0x1  }
0x5d: {  	v7 =	vmax.f32 v55, v8  }
0x5e: {  	(xrf1) =	vsort.ascd.msk.f32 $0xffff, v7, v7  }
0x5f: {  	(xrf1) =	vsort.ascd.msk.f32 $0xffff, v6, v6;
	_ =	sdelay $0xc  }
0x60: {  	v57, _, _ =	vpop (xrf1)  }
0x61: {  	v58, _, _ =	vpop (xrf1)  }
0x62: {  	v7 =	vperm.xlane v58, v0;
	_ =	sdelay $0x1  }
0x63: {  	v6 =	vmax.f32 v57, v7  }
0x64: {  	(xrf1) =	vsort.ascd.msk.f32 $0xffff, v6, v6  }
0x65: {  	(xrf1) =	vsort.ascd.msk.f32 $0xffff, v5, v5;
	_ =	sdelay $0xc  }
0x66: {  	v59, _, _ =	vpop (xrf1)  }
0x67: {  	v60, _, _ =	vpop (xrf1)  }
0x68: {  	v6 =	vperm.xlane v60, v0;
	_ =	sdelay $0x1  }
0x69: {  	v5 =	vmax.f32 v59, v6  }
0x6a: {  	(xrf1) =	vsort.ascd.msk.f32 $0xffff, v5, v5  }
0x6b: {  	(xrf1) =	vsort.ascd.msk.f32 $0xffff, v4, v4;
	_ =	sdelay $0xc  }
0x6c: {  	v61, _, _ =	vpop (xrf1)  }
0x6d: {  	v62, _, _ =	vpop (xrf1)  }
0x6e: {  	v5 =	vperm.xlane v62, v0;
	_ =	sdelay $0x1  }
0x6f: {  	v4 =	vmax.f32 v61, v5  }
0x70: {  	(xrf1) =	vsort.ascd.msk.f32 $0xffff, v4, v4  }
0x71: {  	(xrf1) =	vsort.ascd.msk.f32 $0xffff, v2, v2;
	_ =	sdelay $0xc  }
0x72: {  	v2, _, _ =	vpop (xrf1)  }
0x73: {  	v63, _, _ =	vpop (xrf1)  }
0x74: {  	v4 =	vperm.xlane v63, v0;
	_ =	sdelay $0x1  }
0x75: {  	v2 =	vmax.f32 v2, v4  }
0x76: {  	(xrf1) =	vsort.ascd.msk.f32 $0xffff, v2, v2  }
0x77: {  	(xrf1) =	vsort.ascd.msk.f32 $0xffff, v1, v1;
	_ =	sdelay $0xc  }
0x78: {  	v1, _, _ =	vpop (xrf1)  }
0x79: {  	v2, _, _ =	vpop (xrf1)  }
0x7a: {  	v2 =	vperm.xlane v2, v0;
	_ =	sdelay $0x1  }
0x7b: {  	v1 =	vmax.f32 v1, v2  }
0x7c: {  	(xrf1) =	vsort.ascd.msk.f32 $0xffff, v1, v1  }
0x7d: {  	(xrf1) =	vsort.ascd.msk.f32 $0xffff, v3, v3;
	_ =	sdelay $0xc  }
0x7e: {  	v1, _, _ =	vpop (xrf1)  }
0x7f: {  	v2, _, _ =	vpop (xrf1)  }
0x80: {  	v2 =	vperm.xlane v2, v0;
	_ =	sdelay $0x1  }
0x81: {  	v1 =	vmax.f32 v1, v2  }
0x82: {  	(xrf1) =	vsort.ascd.msk.f32 $0xffff, v1, v1;
	_ =	sdelay $0xd  }
0x83: {  	[tilespmem:$0x5810] =	vst v10;
	v1, _, _ =	vpop (xrf1)  }
0x84: {  	[tilespmem:$0x5800] =	vst v1  }
0x85: {  	[hbm4b:s7+s2] =	stream.linear.scatter [tilespmem:s12], [sflag:$0x2], $0x10, $0x38;
	[tilespmem:$0x5820] =	vst v63  }
0x86: {  	s15 =	sadd.s32 $0x1, s15;
	_ =	swait.ge [sflag:s13], $0x10  }
0x87: {  	p1 =	sne.s32 s15, s9;
	[sflag:s13] =	ssyncset.done $0x0  }
.Ltmp1:
0x88: {  	[sflag:s13] =	ssyncadd.s32 $0xFFFFFFF0;
	(pc) =	sbr.rel @!p1 .LBB2_8-.Ltmp1, $4  }
0x89: {  	[hbm4b:s8+s2] =	stream.linear.scatter [tilespmem:s14], [sflag:$0x2], $0x10, $0x38;
	[tilespmem:$0x5820] =	vst v63  }
0x8a: {  	_ =	swait.ge [sflag:s13], $0x10  }
0x8b: {  	[sflag:s13] =	ssyncset.done $0x0  }
0x8c: {  	[sflag:s13] =	ssyncadd.s32 $0xFFFFFFF0  }
.LBB2_1:
0x8d: {  	[tilespmem:s2], [sflag:$0x1] =	stream.linear.gather [hbm4b:s3+s2], $0x2A80, $0x38;
	[tilespmem:$0x5820] =	vst v63  }
0x8e: {  	_ = 	snop  }
0x8f: {  	[tilespmem:s10], [sflag:$0x1] =	stream.linear.gather [hbm4b:s4+s2], $0x2A80, $0x38;
	[tilespmem:$0x5820] =	vst v63  }
0x90: {  	s16 =	simm.s32 @!p0 $0x0;
	s17 =	simm.s32 @!p0 $0x2A80  }
0x91: {  	[tilespmem:s17], [sflag:$0x1] =	stream.linear.gather @!p0 [hbm4b:s5+s16], $0x180, $0x38;
	[tilespmem:$0x5820] =	vst v63  }
0x92: {  	s17 =	simm.s32 @!p0 $0x5680  }
0x93: {  	[tilespmem:s17], [sflag:$0x1] =	stream.linear.gather @!p0 [hbm4b:s6+s16], $0x180, $0x38;
	[tilespmem:$0x5820] =	vst v63  }
0x94: {  	s16 =	simm.s32 @!p0 $0x1  }
0x95: {  	_ =	swait.ge @!p0 [sflag:s16], $0x180  }
0x96: {  	[sflag:s16] =	ssyncset.done @!p0 $0x0  }
0x97: {  	[sflag:s16] =	ssyncadd.s32 @!p0 $0xFFFFFE80  }
0x98: {  	_ =	swait.ge @!p0 [sflag:s16], $0x180  }
0x99: {  	[sflag:s16] =	ssyncset.done @!p0 $0x0  }
0x9a: {  	[sflag:s16] =	ssyncadd.s32 @!p0 $0xFFFFFE80  }
0x9b: {  	_ =	swait.ge [sflag:s11], $0x2A80  }
0x9c: {  	[sflag:s11] =	ssyncset.done $0x0  }
0x9d: {  	[sflag:s11] =	ssyncadd.s32 $0xFFFFD580  }
0x9e: {  	_ =	swait.ge [sflag:s11], $0x2A80  }
0x9f: {  	[sflag:s11] =	ssyncset.done $0x0  }
0xa0: {  	s29 =	simm.s32 $0x0;
	[sflag:s11] =	ssyncadd.s32 $0xFFFFD580  }
0xa1: {  	v1 =	vld [tilespmem:s29+$0x2C00]  }
0xa2: {  	v2 =	vld [tilespmem:s29+$0x0];
	_ =	sdelay $0x4  }
0xa3: {  	v1 =	vsub.f32 v1, v2;
	_ =	sdelay $0x1  }
0xa4: {  	vm0 =	vclass.f32 v1, $0x102  }
0xa5: {  	v4 =	vimm.f32 $-Inf;
	v1 =	vsel vm0, $0x0, v1  }
0xa6: {  	s30 =	simm.s32 $0x10;
	v2 =	vmin.f32 v4, v1  }
0xa7: {  	v3 =	vld [tilespmem:s30+$0x2C00];
	v11 =	vmin.f32 v4, v2  }
0xa8: {  	v5 =	vld [tilespmem:s30+$0x0];
	v20 =	vmin.f32 v4, v11  }
0xa9: {  	v32 =	vimm.f32 $-Inf;
	v31 =	vimm.f32 $-Inf;
	v21 =	vmin.f32 v4, v20  }
0xaa: {  	v30 =	vimm.f32 $-Inf;
	v29 =	vimm.f32 $-Inf;
	v19 =	vmin.f32 v4, v21  }
0xab: {  	v28 =	vimm.f32 $-Inf;
	v27 =	vimm.f32 $-Inf;
	v16 =	vmin.f32 v4, v19  }
0xac: {  	v26 =	vimm.f32 $-Inf;
	v25 =	vimm.f32 $-Inf;
	v8 =	vmin.f32 v4, v16  }
0xad: {  	v3 =	vsub.f32 v3, v5;
	v7 =	vmul.f32 v1, v1;
	v9 =	vmin.f32 v4, v8  }
0xae: {  	v24 =	vimm.f32 $-Inf;
	v5 =	vimm.f32 $0.0e+00;
	v6 =	vmin.f32 v4, v9  }
0xaf: {  	vm15 =	vclass.f32 v3, $0x102;
	v22 =	vadd.f32 v7, v5;
	v7 =	vmin.f32 v4, v6  }
0xb0: {  	s31 =	simm.s32 $0x20;
	v18 =	vsel vm15, $0x0, v3;
	v17 =	vmax.f32 v4, v1;
	v5 =	vmin.f32 v4, v7  }
0xb1: {  	v34 =	vld [tilespmem:s31+$0x2C00];
	v14 =	vmin.f32 v17, v18;
	v10 =	vmax.f32 v4, v2;
	v3 =	vmin.f32 v4, v5  }
0xb2: {  	v35 =	vld [tilespmem:s31+$0x0];
	v15 =	vmin.f32 v10, v14;
	v13 =	vmax.f32 v4, v11;
	v2 =	vmin.f32 v4, v3  }
0xb3: {  	v23 =	vimm.f32 $-Inf;
	v12 =	vmin.f32 v13, v15;
	v1 =	vmin.f32 v4, v2  }
0xb4: {  	s16 =	simm.s32 $0xC0;
	v33 =	vmovc v18;
	v11 =	vmax.f32 v4, v20;
	v20 =	vimm.f32 $-Inf;
	v36 =	vmin.f32 v4, v1  }
.LBB2_2:
0xb5: {  	p1 =	sne.s32 s16, $0xA9C0;
	v4 =	vmax.f32 v4, v21;
	v21 =	vmin.f32 v11, v12;
	v32 =	vmax.f32 v32, v36  }
0xb6: {  	v33 =	vmul.f32 v33, v18;
	v31 =	vmax.f32 v31, v19;
	v19 =	vmin.f32 v4, v21  }
0xb7: {  	v30 =	vmax.f32 v30, v16;
	v34 =	vsub.f32 v34, v35;
	v16 =	vmin.f32 v31, v19  }
0xb8: {  	v29 =	vmax.f32 v29, v8;
	v22 =	vadd.f32 v33, v22;
	v8 =	vmin.f32 v30, v16  }
0xb9: {  	v28 =	vmax.f32 v28, v9;
	vm0 =	vclass.f32 v34, $0x102;
	v9 =	vmin.f32 v29, v8  }
0xba: {  	v27 =	vmax.f32 v27, v6;
	v33 =	vsel vm0, $0x0, v34;
	v6 =	vmin.f32 v28, v9  }
0xbb: {  	v17 =	vmax.f32 v17, v18;
	v26 =	vmax.f32 v26, v7;
	v7 =	vmin.f32 v27, v6;
	v18 =	vmovc v33  }
.Ltmp2:
0xbc: {  	s17 =	sshra.s32 s16, $0x2;
	v25 =	vmax.f32 v25, v5;
	v35 =	vmin.f32 v17, v18;
	v5 =	vmin.f32 v26, v7;
	(pc) =	sbr.rel @p1 .LBB2_2-.Ltmp2, $4  }
0xbd: {  	v10 =	vmax.f32 v10, v14;
	v24 =	vmax.f32 v24, v3;
	v34 =	vld [tilespmem:s17+$0x2C00];
	v3 =	vmin.f32 v25, v5;
	v14 =	vmovc v35  }
0xbe: {  	v23 =	vmax.f32 v23, v2;
	v35 =	vld [tilespmem:s17+$0x0];
	v36 =	vmin.f32 v10, v14;
	v2 =	vmin.f32 v24, v3  }
0xbf: {  	v13 =	vmax.f32 v13, v15;
	v20 =	vmax.f32 v20, v1;
	v1 =	vmin.f32 v23, v2;
	v15 =	vmovc v36  }
0xc0: {  	s16 =	sadd.s32 $0x40, s16;
	v11 =	vmax.f32 v11, v12;
	v12 =	vmin.f32 v13, v15;
	v36 =	vmin.f32 v20, v1  }
0xc1: {  	v37 =	vmin.f32 v11, v12;
	v4 =	vmax.f32 v4, v21;
	v21 =	vmax.f32 v32, v36  }
0xc2: {  	v55 =	vmul.f32 v33, v18;
	v19 =	vmax.f32 v31, v19;
	v16 =	vmax.f32 v30, v16  }
0xc3: {  	v8 =	vmax.f32 v29, v8;
	v9 =	vmax.f32 v28, v9;
	v6 =	vmax.f32 v27, v6  }
0xc4: {  	v17 =	vmax.f32 v17, v18;
	v7 =	vmax.f32 v26, v7;
	v59 =	vmax.f32 v10, v14  }
0xc5: {  	v5 =	vmax.f32 v25, v5;
	v13 =	vmax.f32 v13, v15;
	v11 =	vmax.f32 v11, v12  }
0xc6: {  	v3 =	vmax.f32 v24, v3;
	v2 =	vmax.f32 v23, v2;
	v1 =	vmax.f32 v20, v1  }
0xc7: {  	v56 =	vmin.f32 v4, v37;
	v4 =	vmax.f32 v4, v37;
	v31 =	vsub.f32 v34, v35  }
0xc8: {  	v57 =	vmin.f32 v19, v56;
	v22 =	vadd.f32 v55, v22;
	v19 =	vmax.f32 v19, v56  }
0xc9: {  	v30 =	vmin.f32 v16, v57;
	v16 =	vmax.f32 v16, v57;
	vm0 =	vclass.f32 v31, $0x102  }
0xca: {  	v29 =	vmin.f32 v8, v30;
	v8 =	vmax.f32 v8, v30;
	v28 =	vsel vm0, $0x0, v31  }
0xcb: {  	v31 =	vmin.f32 v9, v29;
	v29 =	vmax.f32 v9, v29;
	v26 =	vmin.f32 v17, v28  }
0xcc: {  	v58 =	vmin.f32 v6, v31;
	v6 =	vmax.f32 v6, v31;
	v25 =	vmin.f32 v59, v26  }
0xcd: {  	v10 =	vmul.f32 v28, v28;
	v27 =	vmin.f32 v7, v58;
	v15 =	vmin.f32 v13, v25  }
0xce: {  	v18 =	vmax.f32 v7, v58;
	v14 =	vmin.f32 v5, v27;
	v12 =	vmin.f32 v11, v15  }
0xcf: {  	v5 =	vmax.f32 v5, v27;
	v10 =	vadd.f32 v10, v22;
	v60 =	vmin.f32 v4, v12  }
0xd0: {  	v24 =	vmin.f32 v3, v14;
	v27 =	vmax.f32 v3, v14;
	v23 =	vmin.f32 v19, v60  }
0xd1: {  	v14 =	vmax.f32 v17, v28;
	v28 =	vmax.f32 v11, v15;
	v34 =	vmin.f32 v16, v23  }
0xd2: {  	v61 =	vmin.f32 v2, v24;
	v2 =	vmax.f32 v2, v24;
	v20 =	vmin.f32 v8, v34  }
0xd3: {  	v24 =	vmax.f32 v13, v25;
	v13 =	vmax.f32 v4, v12;
	v30 =	vmin.f32 v29, v20  }
0xd4: {  	v9 =	vmin.f32 v1, v61;
	v1 =	vmax.f32 v1, v61;
	v31 =	vmin.f32 v6, v30  }
0xd5: {  	v12 =	vmax.f32 v19, v60;
	v7 =	vmax.f32 v21, v9;
	v62 =	vmin.f32 v18, v31  }
.Ltmp3:
0xd6: {  	v21 =	vmax.f32 v59, v26;
	v11 =	vmax.f32 v16, v23;
	v22 =	vmin.f32 v5, v62;
	(pc) =	sbr.rel @p0 .LBB2_7-.Ltmp3, $4  }
0xd7: {  	v9 =	vmax.f32 v8, v34;
	v8 =	vmax.f32 v29, v20;
	v63 =	vmin.f32 v27, v22  }
0xd8: {  	v5 =	vmax.f32 v5, v62;
	v4 =	vmax.f32 v27, v22;
	v26 =	vmin.f32 v2, v63  }
0xd9: {  	v2 =	vmax.f32 v2, v63;
	v3 =	vmin.f32 v1, v26;
	v1 =	vmax.f32 v1, v26  }
0xda: {  	v3 =	vmax.f32 v7, v3;
	v7 =	vmax.f32 v6, v30;
	v6 =	vmax.f32 v18, v31  }
0xdb: {  	s16 =	simm.s32 $0x0  }
0xdc: {  	v15 =	vld [tilespmem:s16+$0x5680]  }
0xdd: {  	v16 =	vld [tilespmem:s16+$0x2A80];
	_ =	sdelay $0x4  }
0xde: {  	v15 =	vsub.f32 v15, v16;
	_ =	sdelay $0x1  }
0xdf: {  	vm0 =	vclass.f32 v15, $0x102  }
0xe0: {  	v15 =	vsel vm0, $0x0, v15  }
0xe1: {  	v27 =	vmin.f32 v14, v15  }
0xe2: {  	s30 =	simm.s32 $0x10;
	v29 =	vmin.f32 v21, v27  }
0xe3: {  	v17 =	vld [tilespmem:s30+$0x2A80];
	v34 =	vmin.f32 v24, v29  }
0xe4: {  	v16 =	vld [tilespmem:s30+$0x5680];
	v31 =	vmin.f32 v28, v34  }
0xe5: {  	v30 =	vmin.f32 v13, v31  }
0xe6: {  	v22 =	vmin.f32 v12, v30  }
0xe7: {  	v20 =	vmin.f32 v11, v22  }
0xe8: {  	v18 =	vmin.f32 v9, v20  }
0xe9: {  	v23 =	vmul.f32 v15, v15;
	v25 =	vsub.f32 v16, v17;
	v19 =	vmin.f32 v8, v18  }
0xea: {  	v17 =	vmin.f32 v7, v19  }
0xeb: {  	s31 =	simm.s32 $0x20;
	v32 =	vadd.f32 v23, v10;
	vm15 =	vclass.f32 v25, $0x102;
	v16 =	vmin.f32 v6, v17  }
0xec: {  	v33 =	vld [tilespmem:s31+$0x5680];
	v23 =	vmax.f32 v14, v15;
	v26 =	vsel vm15, $0x0, v25;
	v15 =	vmin.f32 v5, v16  }
0xed: {  	v35 =	vld [tilespmem:s31+$0x2A80];
	v21 =	vmax.f32 v21, v27;
	v25 =	vmin.f32 v23, v26;
	v14 =	vmin.f32 v4, v15  }
0xee: {  	v24 =	vmax.f32 v24, v29;
	v27 =	vmin.f32 v21, v25;
	v10 =	vmin.f32 v2, v14  }
0xef: {  	s16 =	simm.s32 $0xC0;
	v28 =	vmax.f32 v28, v34;
	v34 =	vmovc v26;
	v29 =	vmin.f32 v24, v27;
	v36 =	vmin.f32 v1, v10  }
.LBB2_5:
0xf0: {  	p1 =	sne.s32 s16, $0x5C0;
	v13 =	vmax.f32 v13, v31;
	v31 =	vmin.f32 v28, v29;
	v3 =	vmax.f32 v3, v36  }
0xf1: {  	v34 =	vmul.f32 v34, v26;
	v12 =	vmax.f32 v12, v30;
	v30 =	vmin.f32 v13, v31  }
0xf2: {  	v33 =	vsub.f32 v33, v35;
	v11 =	vmax.f32 v11, v22;
	v22 =	vmin.f32 v12, v30  }
0xf3: {  	v9 =	vmax.f32 v9, v20;
	v32 =	vadd.f32 v34, v32;
	v20 =	vmin.f32 v11, v22  }
0xf4: {  	v8 =	vmax.f32 v8, v18;
	vm0 =	vclass.f32 v33, $0x102;
	v18 =	vmin.f32 v9, v20  }
0xf5: {  	v7 =	vmax.f32 v7, v19;
	v34 =	vsel vm0, $0x0, v33;
	v19 =	vmin.f32 v8, v18  }
0xf6: {  	v23 =	vmax.f32 v23, v26;
	v6 =	vmax.f32 v6, v17;
	v26 =	vmovc v34;
	v17 =	vmin.f32 v7, v19  }
.Ltmp4:
0xf7: {  	s17 =	sshra.s32 s16, $0x2;
	v5 =	vmax.f32 v5, v16;
	v35 =	vmin.f32 v23, v26;
	v16 =	vmin.f32 v6, v17;
	(pc) =	sbr.rel @p1 .LBB2_5-.Ltmp4, $4  }
0xf8: {  	v21 =	vmax.f32 v21, v25;
	v4 =	vmax.f32 v4, v15;
	v25 =	vmovc v35;
	v33 =	vld [tilespmem:s17+$0x5680];
	v15 =	vmin.f32 v5, v16  }
0xf9: {  	v2 =	vmax.f32 v2, v14;
	v36 =	vmin.f32 v21, v25;
	v35 =	vld [tilespmem:s17+$0x2A80];
	v14 =	vmin.f32 v4, v15  }
0xfa: {  	v24 =	vmax.f32 v24, v27;
	v1 =	vmax.f32 v1, v10;
	v27 =	vmovc v36;
	v10 =	vmin.f32 v2, v14  }
0xfb: {  	s16 =	sadd.s32 $0x40, s16;
	v28 =	vmax.f32 v28, v29;
	v29 =	vmin.f32 v24, v27;
	v36 =	vmin.f32 v1, v10  }
.Ltmp5:
0xfc: {  	_ = 	snop;
	(pc) =	sbr.rel .LBB2_6-.Ltmp5, $1  }
0xfd: {  	_ =	sdelay $0x3  }
.LBB2_8:
0xfe: {  	_ =	sfence.sel $0x180000  }
0xff: {  	[bflag:$0x0] =	sbarrier.arrive $0xFFFF  }
0x100: {  	p0 =	sne.s32 s1, $0x0;
	_ =	strace $0x90000047  }
0x101: {  	s0 =	sadd.s32 @!p0 $0x100000, s0;
	[bflag:$0x2] =	sbarrier.arrive $0xFFFF  }
0x102: {  	[sflag:s0] =	ssyncadd.tile.s32 @!p0 $0x1;
	_ =	shalt  }
.Lfunc_end2:
_tile_overlayer_lowered:
.L_overlay_start_2:
0x103: {  	(tag) =	ssettag $0x2  }
0x104: {  	s0 =	rddreg [dreg:$0x0];
	s2 =	stileid.u32  }
0x105: {  	s1 =	rddreg [dreg:$0x1];
	p0 =	sne.s32 s2, $0x0  }
0x106: {  	s3 =	rddreg [dreg:$0x2];
	[bflag:$0x3] =	sbarrier.arrive $0xFFFF;
	s2 =	simm.s32 @!p0 $0x1C02  }
0x107: {  	[timem:s3], [sflag:s2] =	dma.local @!p0 [hbm:s0], s1  }
0x108: {  	s0 =	simm.s32 @!p0 $0x2  }
0x109: {  	_ =	swait.ge @!p0 [sflag:s0], s1  }
0x10a: {  	s1 =	ssub.s32 @!p0 $0x0, s1;
	[sflag:s0] =	ssyncset.done @!p0 $0x0  }
0x10b: {  	[sflag:s0] =	ssyncadd.s32 @!p0 s1  }
0x10c: {  	[bflag:$0x3] =	sbarrier.arrive $0xFFFF  }
0x10d: {  	_ =	shalt  }

// kernel: kernel.8.cloned.1.call-start
scs
__scs_entry_jumppad:
0x0: {  	(pc) =	sbr.rel $0x88, $3  }
0x1: {  	(tag) =	ssettag $0x0;
	lr =	simm.s32 $0x1  }
0x2: {  	[smem:$0x3FA0] =	sst lr;
	_ =	strace $0xD0000000  }
0x3: {  	_ = 	snop  }
0x4: {  	_ = 	snop  }
0x5: {  	_ = 	snop  }
0x6: {  	_ = 	snop  }
0x7: {  	_ = 	snop  }
__scs_overlays_trampoline_lowered:
0x8: {  	[smem:$0x3FAF] =	sst s0  }
0x9: {  	[smem:$0x3FB0] =	sst s1  }
0xa: {  	[smem:$0x3FB1] =	sst s2  }
0xb: {  	[smem:$0x3FB2] =	sst s3  }
0xc: {  	[smem:$0x3FB3] =	sst s4  }
0xd: {  	[smem:$0x3FB4] =	sst s5  }
0xe: {  	[smem:$0x3FB5] =	sst s6  }
0xf: {  	[smem:$0x3FB6] =	sst s7  }
0x10: {  	[smem:$0x3FB7] =	sst s8  }
0x11: {  	[smem:$0x3FB8] =	sst s9;
	s0 =	simm.s32 @!p0 $0x0  }
0x12: {  	s1 =	sld [smem:$0x3F9E];
	s0 =	simm.s32 @p0 $0x1  }
0x13: {  	[smem:$0x3FB9] =	sst s0;
	s0 =	simm.s32 @!p1 $0x0  }
0x14: {  	s2 =	sld [smem:$0x3F9D];
	s0 =	simm.s32 @p1 $0x1  }
0x15: {  	[smem:$0x3FBA] =	sst s0;
	s0 =	simm.s32 @!p2 $0x0  }
0x16: {  	s3 =	sld [smem:$0x3FDB];
	s0 =	simm.s32 @p2 $0x1  }
0x17: {  	s4 =	simm.s32 $0x1BF5;
	[smem:$0x3FBC] =	sst s0  }
0x18: {  	s0 =	sld [smem:$0x3F9F];
	_ =	swait.ge [sflag:s4], $0x0  }
0x19: {  	s7 =	sld [smem:$0x3FA0]  }
0x1a: {  	s8 =	sadd.s32 $0xFFFFE003, lr  }
0x1b: {  	s9 =	sadd.s32 $0xFFFFFEF7, lr;
	s5 =	simm.s32 $0xFFFFFFFF;
	p2 =	slt.u32 s8, $0xFFFFF086  }
0x1c: {  	p1 =	slt.u32 s9, $0xF7A;
	s5 =	simm.s32 @!p2 $0x0  }
0x1d: {  	s5 =	simm.s32 @p1 $0x1;
	p0 =	seq.s32 s7, s2  }
0x1e: {  	s7 =	smul.u32 @!p0 $0xF7A, s2;
	p2 =	seq.s32 @!p0 s5, $0x0  }
0x1f: {  	s9 =	smul.u32 $0xF7A, s1;
	s8 =	simm.s32 @!p0 $0x1BF5;
	p2 =	por !p2, p0  }
0x20: {  	[sflag:s8] =	ssyncset.s32 @!p0 $0xFFFFF086;
	s6 =	sadd.s32 @!p0 s3, s7;
	s7 =	simm.s32 @!p0 $0x108  }
0x21: {  	s3 =	sadd.s32 s3, s9;
	s6 =	sadd.s32 @!p0 $0x88, s6;
	s7 =	simm.s32 @p2 $0x1082  }
0x22: {  	[simem:s7], [sflag:s8] =	dma.local @!p0 [hbm:s6], $0xF7A  }
0x23: {  	s9 =	sor.u32 $0xD0000000, s2;
	s6 =	simm.s32 $0x108;
	_ =	swait.ge @!p0 [sflag:s8], $0x0  }
0x24: {  	s3 =	sadd.s32 $0x88, s3;
	s6 =	simm.s32 @!p1 $0x1082;
	[sflag:s4] =	ssyncset.s32 $0xFFFFF086  }
0x25: {  	[simem:s6], [sflag:s4] =	dma.local [hbm:s3], $0xF7A  }
0x26: {  	[smem:$0x3FA0] =	sst s1;
	(tag) =	ssettag s2;
	_ =	strace s9  }
0x27: {  	s1 =	sld [smem:$0x3FB0]  }
0x28: {  	s2 =	sld [smem:$0x3FB1]  }
0x29: {  	s4 =	sld [smem:$0x3FB3]  }
0x2a: {  	p0 =	seq.s32 s5, $0x0;
	s5 =	sld [smem:$0x3FB4]  }
0x2b: {  	s6 =	sld [smem:$0x3FB5]  }
0x2c: {  	s7 =	sld [smem:$0x3FB6]  }
0x2d: {  	s3 =	simm.s32 $0x108;
	s8 =	sld [smem:$0x3FB7]  }
0x2e: {  	s3 =	simm.s32 @!p0 $0x1082;
	s9 =	sld [smem:$0x3FB8]  }
0x2f: {  	lr =	sadd.s32 s0, s3;
	s0 =	sld [smem:$0x3FAF]  }
0x30: {  	s3 =	sld [smem:$0x3FB2]  }
0x31: {  	[smem:$0x3FBB] =	sst s10  }
0x32: {  	s10 =	sld [smem:$0x3FB9];
	_ =	sdelay $0x3  }
0x33: {  	p0 =	seq.s32 s10, $0x1;
	s10 =	sld [smem:$0x3FBB];
	_ =	sdelay $0x3  }
0x34: {  	[smem:$0x3FBB] =	sst s10  }
0x35: {  	s10 =	sld [smem:$0x3FBA];
	_ =	sdelay $0x3  }
0x36: {  	p1 =	seq.s32 s10, $0x1;
	s10 =	sld [smem:$0x3FBB];
	_ =	sdelay $0x3  }
0x37: {  	[smem:$0x3FBB] =	sst s10  }
0x38: {  	s10 =	sld [smem:$0x3FBC]  }
0x39: {  	_ = 	snop;
	(pc) =	sbr.ind lr, $3  }
0x3a: {  	_ = 	snop  }
0x3b: {  	_ = 	snop  }
0x3c: {  	p2 =	seq.s32 s10, $0x1;
	s10 =	sld [smem:$0x3FBB]  }
0x3d: {  	_ =	shalt  }
0x3e: {  	_ =	shalt  }
0x3f: {  	_ =	shalt  }
0x40: {  	_ =	shalt  }
0x41: {  	_ =	shalt  }
0x42: {  	_ =	shalt  }
0x43: {  	_ =	shalt  }
0x44: {  	_ =	shalt  }
0x45: {  	_ =	shalt  }
0x46: {  	_ =	shalt  }
0x47: {  	_ =	shalt  }
0x48: {  	_ =	shalt  }
0x49: {  	_ =	shalt  }
0x4a: {  	_ =	shalt  }
0x4b: {  	_ =	shalt  }
0x4c: {  	_ =	shalt  }
0x4d: {  	_ =	shalt  }
0x4e: {  	_ =	shalt  }
0x4f: {  	_ =	shalt  }
0x50: {  	_ =	shalt  }
0x51: {  	_ =	shalt  }
0x52: {  	_ =	shalt  }
0x53: {  	_ =	shalt  }
0x54: {  	_ =	shalt  }
0x55: {  	_ =	shalt  }
0x56: {  	_ =	shalt  }
0x57: {  	_ =	shalt  }
0x58: {  	_ =	shalt  }
0x59: {  	_ =	shalt  }
0x5a: {  	_ =	shalt  }
0x5b: {  	_ =	shalt  }
0x5c: {  	_ =	shalt  }
0x5d: {  	_ =	shalt  }
0x5e: {  	_ =	shalt  }
0x5f: {  	_ =	shalt  }
0x60: {  	_ =	shalt  }
0x61: {  	_ =	shalt  }
0x62: {  	_ =	shalt  }
0x63: {  	_ =	shalt  }
0x64: {  	_ =	shalt  }
0x65: {  	_ =	shalt  }
0x66: {  	_ =	shalt  }
0x67: {  	_ =	shalt  }
0x68: {  	_ =	shalt  }
0x69: {  	_ =	shalt  }
0x6a: {  	_ =	shalt  }
0x6b: {  	_ =	shalt  }
0x6c: {  	_ =	shalt  }
0x6d: {  	_ =	shalt  }
0x6e: {  	_ =	shalt  }
0x6f: {  	_ =	shalt  }
0x70: {  	_ =	shalt  }
0x71: {  	_ =	shalt  }
0x72: {  	_ =	shalt  }
0x73: {  	_ =	shalt  }
0x74: {  	_ =	shalt  }
0x75: {  	_ =	shalt  }
0x76: {  	_ =	shalt  }
0x77: {  	_ =	shalt  }
0x78: {  	_ =	shalt  }
0x79: {  	_ =	shalt  }
0x7a: {  	_ =	shalt  }
0x7b: {  	_ =	shalt  }
0x7c: {  	_ =	shalt  }
0x7d: {  	_ =	shalt  }
0x7e: {  	_ =	shalt  }
0x7f: {  	_ =	shalt  }
0x80: {  	_ =	shalt  }
0x81: {  	_ =	shalt  }
0x82: {  	_ =	shalt  }
0x83: {  	_ =	shalt  }
0x84: {  	_ =	shalt  }
0x85: {  	_ =	shalt  }
0x86: {  	_ =	shalt  }
0x87: {  	_ =	shalt  }
.Lfunc_end0:
.L_simem_size_0:
called_computation.1_lowered:
.L_overlay_start_0:
0x88: {  	s2 =	sld [smem:$0x3FD9]  }
0x89: {  	s3 =	sld [smem:$0x3FFE];
	_ =	sdelay $0x1  }
0x8a: {  	s1 =	srdreg.scid  }
0x8b: {  	s0 =	sand.u32 $0x1, s1  }
0x8c: {  	s17 =	sshll.u32 s0, $0xA;
	s2 =	sadd.s32 s3, s2  }
0x8d: {  	s2 =	sadd.s32 s2, s17  }
0x8e: {  	[smem:$0x3FC7] =	sst s2  }
0x8f: {  	_ = 	snop  }
0x90: {  	(tm) =	ssettm $0x1  }
0x91: {  	s18 =	sld [smem:$0x3FFB];
	_ =	sdelay $0x3  }
0x92: {  	_ =	strace s18  }
0x93: {  	s2 =	sld [smem:$0x3FFC];
	_ =	sdelay $0x3  }
0x94: {  	_ =	strace s2  }
0x95: {  	s2 =	sld [smem:$0x3FFD];
	_ =	sdelay $0x3  }
0x96: {  	_ =	strace s2  }
0x97: {  	_ =	strace $0x8FFFFFFF  }
0x98: {  	s19 =	sld [smem:$0x3FDB];
	_ =	sdelay $0x1  }
0x99: {  	s20 =	simm.s32 $_scs_section_size  }
0x9a: {  	s4 =	simm.s32 $_size__tile_overlayer_lowered;
	s5 =	simm.s32 $_tile_overlayer_lowered  }
0x9b: {  	s6 =	simm.s32 $0x1BFF;
	s21 =	sshll.u32 s5, $0x1;
	s3 =	sadd.s32 s20, s19  }
0x9c: {  	s22 =	simm.s32 $0x0;
	s4 =	sshll.u32 s4, $0x1;
	s5 =	sadd.s32 s21, s3  }
0x9d: {  	[timem:s22], [sflag:s6] =	dma.local [hbm:s5], s4  }
0x9e: {  	_ =	swait.ge [sflag:s6], s4  }
0x9f: {  	s4 =	ssub.s32 $0x0, s4;
	[sflag:s6] =	ssyncset.done $0x0  }
0xa0: {  	[sflag:s6] =	ssyncadd.s32 s4;
	_ =	sdelay $0x1  }
0xa1: {  	s23 =	simm.s32 $0x1B8B  }
0xa2: {  	_ =	swait.ge [sflag:s23], $0x1  }
0xa3: {  	[sflag:s23] =	ssyncset.done $0x0  }
0xa4: {  	[sflag:s23] =	ssyncadd.s32 $0xFFFFFFFF  }
0xa5: {  	s4 =	sld [smem:$0x0]  }
0xa6: {  	s5 =	sand.u32 $0xFFFFFFFE, s1  }
0xa7: {  	p0 =	sne.s32 s1, s5  }
0xa8: {  	s5 =	sshll.u32 @p0 s5, $0xE  }
0xa9: {  	s5 =	sadd.s32 @p0 $0x11B8D, s5;
	s6 =	sshll.u32 @p0 s4, $0x11  }
0xaa: {  	s5 =	sor.u32 @p0 s6, s5  }
0xab: {  	[sflag:s5] =	ssyncadd.remote.s32 @p0 $0x1;
	_ =	sdelay $0x1  }
0xac: {  	s5 =	simm.s32 @p0 $0x1B8D  }
0xad: {  	_ =	swait.eq @p0 [sflag:s5], $0x1  }
0xae: {  	[sflag:s5] =	ssyncadd.s32 @p0 $0xFFFFFFFF  }
0xaf: {  	s6 =	sshll.u32 @!p0 s1, $0xE  }
0xb0: {  	s6 =	sor.u32 @!p0 $0x4000, s6;
	s5 =	simm.s32 @!p0 $0x1B8D  }
0xb1: {  	s4 =	sshll.u32 @!p0 s4, $0x11;
	s6 =	sadd.s32 @!p0 $0x11B8D, s6;
	_ =	swait.eq @!p0 [sflag:s5], $0x1  }
0xb2: {  	s4 =	sor.u32 @!p0 s4, s6;
	[sflag:s5] =	ssyncadd.s32 @!p0 $0xFFFFFFFF  }
0xb3: {  	s25 =	simm.s32 $0x1B8E;
	s24 =	sld [smem:$0x3FFE];
	[sflag:s4] =	ssyncadd.remote.s32 @!p0 $0x1  }
0xb4: {  	s26 =	simm.s32 $execute0_lowered;
	[smem:$0x3FD2] =	sst s25  }
0xb5: {  	s5 =	sshll.u32 s26, $0x1;
	_ =	strace $0x80000049;
	[dreg:$0x1] =	wrdreg $0xFFFFFFFF  }
0xb6: {  	s28 =	simm.s32 $_size_execute0_lowered;
	s3 =	sadd.s32 s3, s5;
	[dreg:$0x0] =	wrdreg $0x0  }
0xb7: {  	s5 =	sshll.u32 s28, $0x1;
	[dreg:$0x2] =	wrdreg s3  }
0xb8: {  	[dreg:$0x3] =	wrdreg s5  }
0xb9: {  	[dreg:$0x4] =	wrdreg $0xC0  }
0xba: {  	_ =	task [dreg:s22], $0x5FFFF  }
0xbb: {  	[dreg:$0x1] =	wrdreg $0xFFFFFFFF  }
0xbc: {  	[dreg:$0x0] =	wrdreg $0x60  }
0xbd: {  	[dreg:$0x2] =	wrdreg s24  }
0xbe: {  	[dreg:$0x3] =	wrdreg $0xA  }
0xbf: {  	_ =	task.clear_ibuf [dreg:s22], $0x4FFFF;
	_ =	strace $0x90000049  }
0xc0: {  	s29 =	simm.s32 $0xA;
	_ =	strace $0x8000004B  }
0xc1: {  	_ =	swait.ge [sflag:s29], $0x1  }
0xc2: {  	[sflag:s29] =	ssyncadd.s32 $0xFFFFFFFF  }
0xc3: {  	_ =	strace $0x9000004B  }
0xc4: {  	_ =	sfence  }
0xc5: {  	s30 =	sld [smem:$0x0];
	_ =	sdelay $0x2  }
0xc6: {  	s31 =	sshll.u32 s1, $0xD;
	s1 =	sshrl.u32 s1, $0x2  }
0xc7: {  	s4 =	sand.u32 $0x4000, s31;
	s1 =	sadd.s32 s1, s30  }
0xc8: {  	s0 =	sor.u32 s4, s0;
	s1 =	sshll.u32 s1, $0x11  }
0xc9: {  	s0 =	sor.u32 s1, s0  }
0xca: {  	s0 =	sadd.s32 $0x8F2B, s0  }
0xcb: {  	[sflag:s0] =	ssyncadd.remote.s32 $0x1  }
0xcc: {  	_ =	sfence.sel $0xFFFF  }
0xcd: {  	[dreg:$0x0] =	wrdreg $0xFFFFFFFF;
	(pc) =	sbr.abs _section_cstart, $3  }
0xce: {  	[dreg:$0x1] =	wrdreg $0xFFFFFFFF  }
0xcf: {  	_ =	task.clear_ibuf [dreg:s22], $0x2FFFF;
	_ =	strace $0x9FFFFFFF  }
0xd0: {  	(tm) =	ssettm $0x7FFFFFFF  }
0xd1: {  	_ =	shalt  }
tec
execute0_lowered:
.L_overlay_start_1:
0x0: {  	(tag) =	ssettag $0x1  }
0x1: {  	s3 =	rddreg [dreg:$0x0]  }
0x2: {  	s0 =	rddreg [dreg:$0x1]  }
0x3: {  	s2 =	simm.s32 $0x0;
	s4 =	srdreg.scid;
	s1 =	stileid.u32  }
0x4: {  	s11 =	simm.s32 $0x1;
	s12 =	simm.s32 $0x1C00;
	s13 =	simm.s32 $0x2  }
0x5: {  	s14 =	simm.s32 $0x1C10;
	s15 =	simm.s32 $0x0;
	[smem:$0x7FF] =	sst s2  }
0x6: {  	s4 =	sand.u32 $0x1, s4;
	s5 =	sshll.u32 s1, $0x1;
	s31 =	sadd.s32 $0x19C00, s3  }
0x7: {  	s7 =	sadd.s32 $0x16400, s3;
	_ =	strace $0x8000004A;
	s10 =	sor.u32 s4, s5  }
0x8: {  	s4 =	ssub.s32 $0x2, s4;
	s6 =	smul.u32 $0xE00, s10;
	s8 =	sshll.u32 s10, $0x1  }
.Ltmp0:
0x9: {  	s9 =	sshrl.u32 s4, $0x1;
	p0 =	seq.s32 s10, $0x1F;
	(pc) =	sbr.rel .LBB2_1-.Ltmp0, $4  }
0xa: {  	v0 =	vlaneseq.u32;
	s8 =	sadd.s32 s8, s3;
	s9 =	ssub.s32 s4, s9;
	s6 =	sshrl.u32 s6, $0x3  }
0xb: {  	v0 =	vmul.u32 $0xFFFFFFFF, v0;
	s3 =	sadd.s32 s31, s6;
	s4 =	sadd.s32 s7, s6;
	s6 =	sadd.s32 $0x190, s6  }
0xc: {  	s10 =	simm.s32 $0xE00;
	s9 =	smax.u32 s9, $0x1;
	s5 =	sadd.s32 s31, s6  }
0xd: {  	v0 =	vadd.s32 $0xF, v0;
	s6 =	sadd.s32 s7, s6;
	s7 =	sadd.s32 $0x1D400, s8;
	s8 =	sadd.s32 $0x1D600, s8  }
.LBB2_6:
0xe: {  	v37 =	vmin.f32 v28, v29;
	v13 =	vmax.f32 v13, v31;
	v3 =	vmax.f32 v3, v36  }
0xf: {  	v31 =	vmul.f32 v34, v26;
	v12 =	vmax.f32 v12, v30;
	v30 =	vsub.f32 v33, v35  }
0x10: {  	v11 =	vmax.f32 v11, v22;
	v9 =	vmax.f32 v9, v20;
	v8 =	vmax.f32 v8, v18  }
0x11: {  	v7 =	vmax.f32 v7, v19;
	v55 =	vmax.f32 v23, v26;
	v6 =	vmax.f32 v6, v17  }
0x12: {  	v21 =	vmax.f32 v21, v25;
	v5 =	vmax.f32 v5, v16;
	v24 =	vmax.f32 v24, v27  }
0x13: {  	v28 =	vmax.f32 v28, v29;
	v4 =	vmax.f32 v4, v15;
	v2 =	vmax.f32 v2, v14  }
0x14: {  	v1 =	vmax.f32 v1, v10;
	v52 =	vmin.f32 v13, v37;
	v13 =	vmax.f32 v13, v37  }
0x15: {  	v53 =	vmin.f32 v12, v52;
	v22 =	vadd.f32 v31, v32;
	vm0 =	vclass.f32 v30, $0x102  }
0x16: {  	v12 =	vmax.f32 v12, v52;
	v31 =	vmin.f32 v11, v53;
	v54 =	vsel vm0, $0x0, v30  }
0x17: {  	v11 =	vmax.f32 v11, v53;
	v20 =	vmin.f32 v9, v31;
	v56 =	vmin.f32 v55, v54  }
0x18: {  	v9 =	vmax.f32 v9, v31;
	v14 =	vmul.f32 v54, v54;
	v30 =	vmin.f32 v8, v20  }
0x19: {  	v57 =	vmin.f32 v21, v56;
	v8 =	vmax.f32 v8, v20;
	v21 =	vmax.f32 v21, v56  }
0x1a: {  	v23 =	vmin.f32 v7, v30;
	v27 =	vmin.f32 v24, v57;
	v7 =	vmax.f32 v7, v30  }
0x1b: {  	v24 =	vmax.f32 v24, v57;
	v26 =	vmin.f32 v6, v23;
	v15 =	vmin.f32 v28, v27  }
0x1c: {  	v6 =	vmax.f32 v6, v23;
	v28 =	vmax.f32 v28, v27;
	v58 =	vmin.f32 v13, v15  }
0x1d: {  	v25 =	vmin.f32 v5, v26;
	v5 =	vmax.f32 v5, v26;
	v34 =	vmin.f32 v12, v58  }
0x1e: {  	v13 =	vmax.f32 v13, v15;
	v29 =	vmin.f32 v4, v25;
	v60 =	vmin.f32 v11, v34  }
0x1f: {  	v4 =	vmax.f32 v4, v25;
	v12 =	vmax.f32 v12, v58;
	v31 =	vmin.f32 v9, v60  }
0x20: {  	v59 =	vmin.f32 v2, v29;
	v2 =	vmax.f32 v2, v29;
	v20 =	vmin.f32 v8, v31  }
0x21: {  	v11 =	vmax.f32 v11, v34;
	v10 =	vmin.f32 v1, v59;
	v30 =	vmin.f32 v7, v20  }
0x22: {  	v1 =	vmax.f32 v1, v59;
	v9 =	vmax.f32 v9, v60;
	v23 =	vmin.f32 v6, v30  }
0x23: {  	v3 =	vmax.f32 v3, v10;
	v10 =	vadd.f32 v14, v22;
	v22 =	vmin.f32 v5, v23  }
0x24: {  	v14 =	vmax.f32 v55, v54;
	v8 =	vmax.f32 v8, v31;
	v61 =	vmin.f32 v4, v22  }
0x25: {  	v7 =	vmax.f32 v7, v20;
	v6 =	vmax.f32 v6, v30;
	v62 =	vmin.f32 v2, v61  }
0x26: {  	v5 =	vmax.f32 v5, v23;
	v4 =	vmax.f32 v4, v22;
	v63 =	vmin.f32 v1, v62  }
0x27: {  	v2 =	vmax.f32 v2, v61;
	v1 =	vmax.f32 v1, v62;
	v3 =	vmax.f32 v3, v63  }
.LBB2_7:
0x28: {  	(xrf1) =	vsort.ascd.msk.f32 $0xffff, v14, v14  }
0x29: {  	(xrf1) =	vsort.ascd.msk.f32 $0xffff, v21, v21;
	_ =	sdelay $0xc  }
0x2a: {  	v14, _, _ =	vpop (xrf1)  }
0x2b: {  	v15, _, _ =	vpop (xrf1)  }
0x2c: {  	v15 =	vperm.xlane v15, v0;
	_ =	sdelay $0x1  }
0x2d: {  	v14 =	vmax.f32 v14, v15  }
0x2e: {  	(xrf1) =	vsort.ascd.msk.f32 $0xffff, v14, v14  }
0x2f: {  	(xrf1) =	vsort.ascd.msk.f32 $0xffff, v24, v24;
	_ =	sdelay $0xc  }
0x30: {  	v14, _, _ =	vpop (xrf1)  }
0x31: {  	v43, _, _ =	vpop (xrf1)  }
0x32: {  	v15 =	vperm.xlane v43, v0;
	_ =	sdelay $0x1  }
0x33: {  	v14 =	vmax.f32 v14, v15  }
0x34: {  	(xrf1) =	vsort.ascd.msk.f32 $0xffff, v14, v14  }
0x35: {  	(xrf1) =	vsort.ascd.msk.f32 $0xffff, v28, v28;
	_ =	sdelay $0xc  }
0x36: {  	v14, _, _ =	vpop (xrf1)  }
0x37: {  	v44, _, _ =	vpop (xrf1)  }
0x38: {  	v15 =	vperm.xlane v44, v0;
	_ =	sdelay $0x1  }
0x39: {  	v14 =	vmax.f32 v14, v15  }
0x3a: {  	(xrf1) =	vsort.ascd.msk.f32 $0xffff, v14, v14  }
0x3b: {  	(xrf1) =	vsort.ascd.msk.f32 $0xffff, v13, v13;
	_ =	sdelay $0xc  }
0x3c: {  	v45, _, _ =	vpop (xrf1)  }
0x3d: {  	v46, _, _ =	vpop (xrf1)  }
0x3e: {  	v14 =	vperm.xlane v46, v0;
	_ =	sdelay $0x1  }
0x3f: {  	v13 =	vmax.f32 v45, v14  }
0x40: {  	(xrf1) =	vsort.ascd.msk.f32 $0xffff, v13, v13  }
0x41: {  	(xrf1) =	vsort.ascd.msk.f32 $0xffff, v12, v12;
	_ =	sdelay $0xc  }
0x42: {  	v47, _, _ =	vpop (xrf1)  }
0x43: {  	v48, _, _ =	vpop (xrf1)  }
0x44: {  	v13 =	vperm.xlane v48, v0;
	_ =	sdelay $0x1  }
0x45: {  	v12 =	vmax.f32 v47, v13  }
0x46: {  	(xrf1) =	vsort.ascd.msk.f32 $0xffff, v12, v12  }
0x47: {  	(xrf1) =	vsort.ascd.msk.f32 $0xffff, v11, v11;
	_ =	sdelay $0xc  }
0x48: {  	v49, _, _ =	vpop (xrf1)  }
0x49: {  	v50, _, _ =	vpop (xrf1)  }
0x4a: {  	v12 =	vperm.xlane v50, v0;
	_ =	sdelay $0x1  }
0x4b: {  	v11 =	vmax.f32 v49, v12  }
0x4c: {  	(xrf1) =	vsort.ascd.msk.f32 $0xffff, v11, v11  }
0x4d: {  	(xrf1) =	vsort.ascd.msk.f32 $0xffff, v9, v9;
	_ =	sdelay $0xc  }
0x4e: {  	v51, _, _ =	vpop (xrf1)  }
0x4f: {  	v52, _, _ =	vpop (xrf1)  }
0x50: {  	v11 =	vperm.xlane v52, v0;
	_ =	sdelay $0x1  }
0x51: {  	v9 =	vmax.f32 v51, v11  }
0x52: {  	(xrf1) =	vsort.ascd.msk.f32 $0xffff, v9, v9  }
0x53: {  	(xrf1) =	vsort.ascd.msk.f32 $0xffff, v8, v8;
	_ =	sdelay $0xc  }
0x54: {  	v53, _, _ =	vpop (xrf1)  }
0x55: {  	v54, _, _ =	vpop (xrf1)  }
0x56: {  	v9 =	vperm.xlane v54, v0;
	_ =	sdelay $0x1  }
0x57: {  	v8 =	vmax.f32 v53, v9  }
0x58: {  	(xrf1) =	vsort.ascd.msk.f32 $0xffff, v8, v8  }
0x59: {  	(xrf1) =	vsort.ascd.msk.f32 $0xffff, v7, v7;
	_ =	sdelay $0xc  }
0x5a: {  	v55, _, _ =	vpop (xrf1)  }
0x5b: {  	v56, _, _ =	vpop (xrf1)  }
0x5c: {  	v8 =	vperm.xlane v56, v0;
	_ =	sdelay $0x1  }
0x5d: {  	v7 =	vmax.f32 v55, v8  }
0x5e: {  	(xrf1) =	vsort.ascd.msk.f32 $0xffff, v7, v7  }
0x5f: {  	(xrf1) =	vsort.ascd.msk.f32 $0xffff, v6, v6;
	_ =	sdelay $0xc  }
0x60: {  	v57, _, _ =	vpop (xrf1)  }
0x61: {  	v58, _, _ =	vpop (xrf1)  }
0x62: {  	v7 =	vperm.xlane v58, v0;
	_ =	sdelay $0x1  }
0x63: {  	v6 =	vmax.f32 v57, v7  }
0x64: {  	(xrf1) =	vsort.ascd.msk.f32 $0xffff, v6, v6  }
0x65: {  	(xrf1) =	vsort.ascd.msk.f32 $0xffff, v5, v5;
	_ =	sdelay $0xc  }
0x66: {  	v59, _, _ =	vpop (xrf1)  }
0x67: {  	v60, _, _ =	vpop (xrf1)  }
0x68: {  	v6 =	vperm.xlane v60, v0;
	_ =	sdelay $0x1  }
0x69: {  	v5 =	vmax.f32 v59, v6  }
0x6a: {  	(xrf1) =	vsort.ascd.msk.f32 $0xffff, v5, v5  }
0x6b: {  	(xrf1) =	vsort.ascd.msk.f32 $0xffff, v4, v4;
	_ =	sdelay $0xc  }
0x6c: {  	v61, _, _ =	vpop (xrf1)  }
0x6d: {  	v62, _, _ =	vpop (xrf1)  }
0x6e: {  	v5 =	vperm.xlane v62, v0;
	_ =	sdelay $0x1  }
0x6f: {  	v4 =	vmax.f32 v61, v5  }
0x70: {  	(xrf1) =	vsort.ascd.msk.f32 $0xffff, v4, v4  }
0x71: {  	(xrf1) =	vsort.ascd.msk.f32 $0xffff, v2, v2;
	_ =	sdelay $0xc  }
0x72: {  	v2, _, _ =	vpop (xrf1)  }
0x73: {  	v63, _, _ =	vpop (xrf1)  }
0x74: {  	v4 =	vperm.xlane v63, v0;
	_ =	sdelay $0x1  }
0x75: {  	v2 =	vmax.f32 v2, v4  }
0x76: {  	(xrf1) =	vsort.ascd.msk.f32 $0xffff, v2, v2  }
0x77: {  	(xrf1) =	vsort.ascd.msk.f32 $0xffff, v1, v1;
	_ =	sdelay $0xc  }
0x78: {  	v1, _, _ =	vpop (xrf1)  }
0x79: {  	v2, _, _ =	vpop (xrf1)  }
0x7a: {  	v2 =	vperm.xlane v2, v0;
	_ =	sdelay $0x1  }
0x7b: {  	v1 =	vmax.f32 v1, v2  }
0x7c: {  	(xrf1) =	vsort.ascd.msk.f32 $0xffff, v1, v1  }
0x7d: {  	(xrf1) =	vsort.ascd.msk.f32 $0xffff, v3, v3;
	_ =	sdelay $0xc  }
0x7e: {  	v1, _, _ =	vpop (xrf1)  }
0x7f: {  	v2, _, _ =	vpop (xrf1)  }
0x80: {  	v2 =	vperm.xlane v2, v0;
	_ =	sdelay $0x1  }
0x81: {  	v1 =	vmax.f32 v1, v2  }
0x82: {  	(xrf1) =	vsort.ascd.msk.f32 $0xffff, v1, v1;
	_ =	sdelay $0xd  }
0x83: {  	[tilespmem:$0x1C10] =	vst v10;
	v1, _, _ =	vpop (xrf1)  }
0x84: {  	[tilespmem:$0x1C00] =	vst v1  }
0x85: {  	[hbm4b:s7+s2] =	stream.linear.scatter [tilespmem:s12], [sflag:$0x2], $0x10, $0x38;
	[tilespmem:$0x1C20] =	vst v63  }
0x86: {  	s15 =	sadd.s32 $0x1, s15;
	_ =	swait.ge [sflag:s13], $0x10  }
0x87: {  	p1 =	sne.s32 s15, s9;
	[sflag:s13] =	ssyncset.done $0x0  }
.Ltmp1:
0x88: {  	[sflag:s13] =	ssyncadd.s32 $0xFFFFFFF0;
	(pc) =	sbr.rel @!p1 .LBB2_8-.Ltmp1, $4  }
0x89: {  	[hbm4b:s8+s2] =	stream.linear.scatter [tilespmem:s14], [sflag:$0x2], $0x10, $0x38;
	[tilespmem:$0x1C20] =	vst v63  }
0x8a: {  	_ =	swait.ge [sflag:s13], $0x10  }
0x8b: {  	[sflag:s13] =	ssyncset.done $0x0  }
0x8c: {  	[sflag:s13] =	ssyncadd.s32 $0xFFFFFFF0  }
.LBB2_1:
0x8d: {  	[tilespmem:s2], [sflag:$0x1] =	stream.linear.gather [hbm4b:s3+s2], $0xC80, $0x38;
	[tilespmem:$0x1C20] =	vst v63  }
0x8e: {  	_ = 	snop  }
0x8f: {  	[tilespmem:s10], [sflag:$0x1] =	stream.linear.gather [hbm4b:s4+s2], $0xC80, $0x38;
	[tilespmem:$0x1C20] =	vst v63  }
0x90: {  	s16 =	simm.s32 @!p0 $0x0;
	s17 =	simm.s32 @!p0 $0xC80  }
0x91: {  	[tilespmem:s17], [sflag:$0x1] =	stream.linear.gather @!p0 [hbm4b:s5+s16], $0x180, $0x38;
	[tilespmem:$0x1C20] =	vst v63  }
0x92: {  	s17 =	simm.s32 @!p0 $0x1A80  }
0x93: {  	[tilespmem:s17], [sflag:$0x1] =	stream.linear.gather @!p0 [hbm4b:s6+s16], $0x180, $0x38;
	[tilespmem:$0x1C20] =	vst v63  }
0x94: {  	s16 =	simm.s32 @!p0 $0x1  }
0x95: {  	_ =	swait.ge @!p0 [sflag:s16], $0x180  }
0x96: {  	[sflag:s16] =	ssyncset.done @!p0 $0x0  }
0x97: {  	[sflag:s16] =	ssyncadd.s32 @!p0 $0xFFFFFE80  }
0x98: {  	_ =	swait.ge @!p0 [sflag:s16], $0x180  }
0x99: {  	[sflag:s16] =	ssyncset.done @!p0 $0x0  }
0x9a: {  	[sflag:s16] =	ssyncadd.s32 @!p0 $0xFFFFFE80  }
0x9b: {  	_ =	swait.ge [sflag:s11], $0xC80  }
0x9c: {  	[sflag:s11] =	ssyncset.done $0x0  }
0x9d: {  	[sflag:s11] =	ssyncadd.s32 $0xFFFFF380  }
0x9e: {  	_ =	swait.ge [sflag:s11], $0xC80  }
0x9f: {  	[sflag:s11] =	ssyncset.done $0x0  }
0xa0: {  	s29 =	simm.s32 $0x0;
	[sflag:s11] =	ssyncadd.s32 $0xFFFFF380  }
0xa1: {  	v1 =	vld [tilespmem:s29+$0xE00]  }
0xa2: {  	v2 =	vld [tilespmem:s29+$0x0];
	_ =	sdelay $0x4  }
0xa3: {  	v1 =	vsub.f32 v1, v2;
	_ =	sdelay $0x1  }
0xa4: {  	vm0 =	vclass.f32 v1, $0x102  }
0xa5: {  	v4 =	vimm.f32 $-Inf;
	v1 =	vsel vm0, $0x0, v1  }
0xa6: {  	s30 =	simm.s32 $0x10;
	v2 =	vmin.f32 v4, v1  }
0xa7: {  	v3 =	vld [tilespmem:s30+$0xE00];
	v11 =	vmin.f32 v4, v2  }
0xa8: {  	v5 =	vld [tilespmem:s30+$0x0];
	v20 =	vmin.f32 v4, v11  }
0xa9: {  	v32 =	vimm.f32 $-Inf;
	v31 =	vimm.f32 $-Inf;
	v21 =	vmin.f32 v4, v20  }
0xaa: {  	v30 =	vimm.f32 $-Inf;
	v29 =	vimm.f32 $-Inf;
	v19 =	vmin.f32 v4, v21  }
0xab: {  	v28 =	vimm.f32 $-Inf;
	v27 =	vimm.f32 $-Inf;
	v16 =	vmin.f32 v4, v19  }
0xac: {  	v26 =	vimm.f32 $-Inf;
	v25 =	vimm.f32 $-Inf;
	v8 =	vmin.f32 v4, v16  }
0xad: {  	v3 =	vsub.f32 v3, v5;
	v7 =	vmul.f32 v1, v1;
	v9 =	vmin.f32 v4, v8  }
0xae: {  	v24 =	vimm.f32 $-Inf;
	v5 =	vimm.f32 $0.0e+00;
	v6 =	vmin.f32 v4, v9  }
0xaf: {  	vm15 =	vclass.f32 v3, $0x102;
	v22 =	vadd.f32 v7, v5;
	v7 =	vmin.f32 v4, v6  }
0xb0: {  	s31 =	simm.s32 $0x20;
	v18 =	vsel vm15, $0x0, v3;
	v17 =	vmax.f32 v4, v1;
	v5 =	vmin.f32 v4, v7  }
0xb1: {  	v34 =	vld [tilespmem:s31+$0xE00];
	v14 =	vmin.f32 v17, v18;
	v10 =	vmax.f32 v4, v2;
	v3 =	vmin.f32 v4, v5  }
0xb2: {  	v35 =	vld [tilespmem:s31+$0x0];
	v15 =	vmin.f32 v10, v14;
	v13 =	vmax.f32 v4, v11;
	v2 =	vmin.f32 v4, v3  }
0xb3: {  	v23 =	vimm.f32 $-Inf;
	v12 =	vmin.f32 v13, v15;
	v1 =	vmin.f32 v4, v2  }
0xb4: {  	s16 =	simm.s32 $0xC0;
	v33 =	vmovc v18;
	v11 =	vmax.f32 v4, v20;
	v20 =	vimm.f32 $-Inf;
	v36 =	vmin.f32 v4, v1  }
.LBB2_2:
0xb5: {  	p1 =	sne.s32 s16, $0x31C0;
	v4 =	vmax.f32 v4, v21;
	v21 =	vmin.f32 v11, v12;
	v32 =	vmax.f32 v32, v36  }
0xb6: {  	v33 =	vmul.f32 v33, v18;
	v31 =	vmax.f32 v31, v19;
	v19 =	vmin.f32 v4, v21  }
0xb7: {  	v30 =	vmax.f32 v30, v16;
	v34 =	vsub.f32 v34, v35;
	v16 =	vmin.f32 v31, v19  }
0xb8: {  	v29 =	vmax.f32 v29, v8;
	v22 =	vadd.f32 v33, v22;
	v8 =	vmin.f32 v30, v16  }
0xb9: {  	v28 =	vmax.f32 v28, v9;
	vm0 =	vclass.f32 v34, $0x102;
	v9 =	vmin.f32 v29, v8  }
0xba: {  	v27 =	vmax.f32 v27, v6;
	v33 =	vsel vm0, $0x0, v34;
	v6 =	vmin.f32 v28, v9  }
0xbb: {  	v17 =	vmax.f32 v17, v18;
	v26 =	vmax.f32 v26, v7;
	v7 =	vmin.f32 v27, v6;
	v18 =	vmovc v33  }
.Ltmp2:
0xbc: {  	s17 =	sshra.s32 s16, $0x2;
	v25 =	vmax.f32 v25, v5;
	v35 =	vmin.f32 v17, v18;
	v5 =	vmin.f32 v26, v7;
	(pc) =	sbr.rel @p1 .LBB2_2-.Ltmp2, $4  }
0xbd: {  	v10 =	vmax.f32 v10, v14;
	v24 =	vmax.f32 v24, v3;
	v34 =	vld [tilespmem:s17+$0xE00];
	v3 =	vmin.f32 v25, v5;
	v14 =	vmovc v35  }
0xbe: {  	v23 =	vmax.f32 v23, v2;
	v35 =	vld [tilespmem:s17+$0x0];
	v36 =	vmin.f32 v10, v14;
	v2 =	vmin.f32 v24, v3  }
0xbf: {  	v13 =	vmax.f32 v13, v15;
	v20 =	vmax.f32 v20, v1;
	v1 =	vmin.f32 v23, v2;
	v15 =	vmovc v36  }
0xc0: {  	s16 =	sadd.s32 $0x40, s16;
	v11 =	vmax.f32 v11, v12;
	v12 =	vmin.f32 v13, v15;
	v36 =	vmin.f32 v20, v1  }
0xc1: {  	v37 =	vmin.f32 v11, v12;
	v4 =	vmax.f32 v4, v21;
	v21 =	vmax.f32 v32, v36  }
0xc2: {  	v55 =	vmul.f32 v33, v18;
	v19 =	vmax.f32 v31, v19;
	v16 =	vmax.f32 v30, v16  }
0xc3: {  	v8 =	vmax.f32 v29, v8;
	v9 =	vmax.f32 v28, v9;
	v6 =	vmax.f32 v27, v6  }
0xc4: {  	v17 =	vmax.f32 v17, v18;
	v7 =	vmax.f32 v26, v7;
	v59 =	vmax.f32 v10, v14  }
0xc5: {  	v5 =	vmax.f32 v25, v5;
	v13 =	vmax.f32 v13, v15;
	v11 =	vmax.f32 v11, v12  }
0xc6: {  	v3 =	vmax.f32 v24, v3;
	v2 =	vmax.f32 v23, v2;
	v1 =	vmax.f32 v20, v1  }
0xc7: {  	v56 =	vmin.f32 v4, v37;
	v4 =	vmax.f32 v4, v37;
	v31 =	vsub.f32 v34, v35  }
0xc8: {  	v57 =	vmin.f32 v19, v56;
	v22 =	vadd.f32 v55, v22;
	v19 =	vmax.f32 v19, v56  }
0xc9: {  	v30 =	vmin.f32 v16, v57;
	v16 =	vmax.f32 v16, v57;
	vm0 =	vclass.f32 v31, $0x102  }
0xca: {  	v29 =	vmin.f32 v8, v30;
	v8 =	vmax.f32 v8, v30;
	v28 =	vsel vm0, $0x0, v31  }
0xcb: {  	v31 =	vmin.f32 v9, v29;
	v29 =	vmax.f32 v9, v29;
	v26 =	vmin.f32 v17, v28  }
0xcc: {  	v58 =	vmin.f32 v6, v31;
	v6 =	vmax.f32 v6, v31;
	v25 =	vmin.f32 v59, v26  }
0xcd: {  	v10 =	vmul.f32 v28, v28;
	v27 =	vmin.f32 v7, v58;
	v15 =	vmin.f32 v13, v25  }
0xce: {  	v18 =	vmax.f32 v7, v58;
	v14 =	vmin.f32 v5, v27;
	v12 =	vmin.f32 v11, v15  }
0xcf: {  	v5 =	vmax.f32 v5, v27;
	v10 =	vadd.f32 v10, v22;
	v60 =	vmin.f32 v4, v12  }
0xd0: {  	v24 =	vmin.f32 v3, v14;
	v27 =	vmax.f32 v3, v14;
	v23 =	vmin.f32 v19, v60  }
0xd1: {  	v14 =	vmax.f32 v17, v28;
	v28 =	vmax.f32 v11, v15;
	v34 =	vmin.f32 v16, v23  }
0xd2: {  	v61 =	vmin.f32 v2, v24;
	v2 =	vmax.f32 v2, v24;
	v20 =	vmin.f32 v8, v34  }
0xd3: {  	v24 =	vmax.f32 v13, v25;
	v13 =	vmax.f32 v4, v12;
	v30 =	vmin.f32 v29, v20  }
0xd4: {  	v9 =	vmin.f32 v1, v61;
	v1 =	vmax.f32 v1, v61;
	v31 =	vmin.f32 v6, v30  }
0xd5: {  	v12 =	vmax.f32 v19, v60;
	v7 =	vmax.f32 v21, v9;
	v62 =	vmin.f32 v18, v31  }
.Ltmp3:
0xd6: {  	v21 =	vmax.f32 v59, v26;
	v11 =	vmax.f32 v16, v23;
	v22 =	vmin.f32 v5, v62;
	(pc) =	sbr.rel @p0 .LBB2_7-.Ltmp3, $4  }
0xd7: {  	v9 =	vmax.f32 v8, v34;
	v8 =	vmax.f32 v29, v20;
	v63 =	vmin.f32 v27, v22  }
0xd8: {  	v5 =	vmax.f32 v5, v62;
	v4 =	vmax.f32 v27, v22;
	v26 =	vmin.f32 v2, v63  }
0xd9: {  	v2 =	vmax.f32 v2, v63;
	v3 =	vmin.f32 v1, v26;
	v1 =	vmax.f32 v1, v26  }
0xda: {  	v3 =	vmax.f32 v7, v3;
	v7 =	vmax.f32 v6, v30;
	v6 =	vmax.f32 v18, v31  }
0xdb: {  	s16 =	simm.s32 $0x0  }
0xdc: {  	v15 =	vld [tilespmem:s16+$0x1A80]  }
0xdd: {  	v16 =	vld [tilespmem:s16+$0xC80];
	_ =	sdelay $0x4  }
0xde: {  	v15 =	vsub.f32 v15, v16;
	_ =	sdelay $0x1  }
0xdf: {  	vm0 =	vclass.f32 v15, $0x102  }
0xe0: {  	v15 =	vsel vm0, $0x0, v15  }
0xe1: {  	v27 =	vmin.f32 v14, v15  }
0xe2: {  	s30 =	simm.s32 $0x10;
	v29 =	vmin.f32 v21, v27  }
0xe3: {  	v17 =	vld [tilespmem:s30+$0xC80];
	v34 =	vmin.f32 v24, v29  }
0xe4: {  	v16 =	vld [tilespmem:s30+$0x1A80];
	v31 =	vmin.f32 v28, v34  }
0xe5: {  	v30 =	vmin.f32 v13, v31  }
0xe6: {  	v22 =	vmin.f32 v12, v30  }
0xe7: {  	v20 =	vmin.f32 v11, v22  }
0xe8: {  	v18 =	vmin.f32 v9, v20  }
0xe9: {  	v23 =	vmul.f32 v15, v15;
	v25 =	vsub.f32 v16, v17;
	v19 =	vmin.f32 v8, v18  }
0xea: {  	v17 =	vmin.f32 v7, v19  }
0xeb: {  	s31 =	simm.s32 $0x20;
	v32 =	vadd.f32 v23, v10;
	vm15 =	vclass.f32 v25, $0x102;
	v16 =	vmin.f32 v6, v17  }
0xec: {  	v33 =	vld [tilespmem:s31+$0x1A80];
	v23 =	vmax.f32 v14, v15;
	v26 =	vsel vm15, $0x0, v25;
	v15 =	vmin.f32 v5, v16  }
0xed: {  	v35 =	vld [tilespmem:s31+$0xC80];
	v21 =	vmax.f32 v21, v27;
	v25 =	vmin.f32 v23, v26;
	v14 =	vmin.f32 v4, v15  }
0xee: {  	v24 =	vmax.f32 v24, v29;
	v27 =	vmin.f32 v21, v25;
	v10 =	vmin.f32 v2, v14  }
0xef: {  	s16 =	simm.s32 $0xC0;
	v28 =	vmax.f32 v28, v34;
	v34 =	vmovc v26;
	v29 =	vmin.f32 v24, v27;
	v36 =	vmin.f32 v1, v10  }
.LBB2_5:
0xf0: {  	p1 =	sne.s32 s16, $0x5C0;
	v13 =	vmax.f32 v13, v31;
	v31 =	vmin.f32 v28, v29;
	v3 =	vmax.f32 v3, v36  }
0xf1: {  	v34 =	vmul.f32 v34, v26;
	v12 =	vmax.f32 v12, v30;
	v30 =	vmin.f32 v13, v31  }
0xf2: {  	v33 =	vsub.f32 v33, v35;
	v11 =	vmax.f32 v11, v22;
	v22 =	vmin.f32 v12, v30  }
0xf3: {  	v9 =	vmax.f32 v9, v20;
	v32 =	vadd.f32 v34, v32;
	v20 =	vmin.f32 v11, v22  }
0xf4: {  	v8 =	vmax.f32 v8, v18;
	vm0 =	vclass.f32 v33, $0x102;
	v18 =	vmin.f32 v9, v20  }
0xf5: {  	v7 =	vmax.f32 v7, v19;
	v34 =	vsel vm0, $0x0, v33;
	v19 =	vmin.f32 v8, v18  }
0xf6: {  	v23 =	vmax.f32 v23, v26;
	v6 =	vmax.f32 v6, v17;
	v26 =	vmovc v34;
	v17 =	vmin.f32 v7, v19  }
.Ltmp4:
0xf7: {  	s17 =	sshra.s32 s16, $0x2;
	v5 =	vmax.f32 v5, v16;
	v35 =	vmin.f32 v23, v26;
	v16 =	vmin.f32 v6, v17;
	(pc) =	sbr.rel @p1 .LBB2_5-.Ltmp4, $4  }
0xf8: {  	v21 =	vmax.f32 v21, v25;
	v4 =	vmax.f32 v4, v15;
	v25 =	vmovc v35;
	v33 =	vld [tilespmem:s17+$0x1A80];
	v15 =	vmin.f32 v5, v16  }
0xf9: {  	v2 =	vmax.f32 v2, v14;
	v36 =	vmin.f32 v21, v25;
	v35 =	vld [tilespmem:s17+$0xC80];
	v14 =	vmin.f32 v4, v15  }
0xfa: {  	v24 =	vmax.f32 v24, v27;
	v1 =	vmax.f32 v1, v10;
	v27 =	vmovc v36;
	v10 =	vmin.f32 v2, v14  }
0xfb: {  	s16 =	sadd.s32 $0x40, s16;
	v28 =	vmax.f32 v28, v29;
	v29 =	vmin.f32 v24, v27;
	v36 =	vmin.f32 v1, v10  }
.Ltmp5:
0xfc: {  	_ = 	snop;
	(pc) =	sbr.rel .LBB2_6-.Ltmp5, $1  }
0xfd: {  	_ =	sdelay $0x3  }
.LBB2_8:
0xfe: {  	_ =	sfence.sel $0x180000  }
0xff: {  	[bflag:$0x0] =	sbarrier.arrive $0xFFFF  }
0x100: {  	p0 =	sne.s32 s1, $0x0;
	_ =	strace $0x9000004A  }
0x101: {  	s0 =	sadd.s32 @!p0 $0x100000, s0;
	[bflag:$0x2] =	sbarrier.arrive $0xFFFF  }
0x102: {  	[sflag:s0] =	ssyncadd.tile.s32 @!p0 $0x1;
	_ =	shalt  }
.Lfunc_end2:
_tile_overlayer_lowered:
.L_overlay_start_2:
0x103: {  	(tag) =	ssettag $0x2  }
0x104: {  	s0 =	rddreg [dreg:$0x0];
	s2 =	stileid.u32  }
0x105: {  	s1 =	rddreg [dreg:$0x1];
	p0 =	sne.s32 s2, $0x0  }
0x106: {  	s3 =	rddreg [dreg:$0x2];
	[bflag:$0x3] =	sbarrier.arrive $0xFFFF;
	s2 =	simm.s32 @!p0 $0x1C02  }
0x107: {  	[timem:s3], [sflag:s2] =	dma.local @!p0 [hbm:s0], s1  }
0x108: {  	s0 =	simm.s32 @!p0 $0x2  }
0x109: {  	_ =	swait.ge @!p0 [sflag:s0], s1  }
0x10a: {  	s1 =	ssub.s32 @!p0 $0x0, s1;
	[sflag:s0] =	ssyncset.done @!p0 $0x0  }
0x10b: {  	[sflag:s0] =	ssyncadd.s32 @!p0 s1  }
0x10c: {  	[bflag:$0x3] =	sbarrier.arrive $0xFFFF  }
0x10d: {  	_ =	shalt  }

</sc_bundles>
